<compile_context>
chip_gen: v7x
topology: tpu7x:2x2x1
jax: 0.10.2.dev20260603
libtpu: 0.0.44.dev20260713+nightly
codegen_flags: <defaults>
</compile_context>

<pallas_src>
import functools

import jax
import jax.numpy as jnp
from jax import lax
from jax.experimental import pallas as pl
from jax.experimental.pallas import tpu as pltpu
from jax.experimental.pallas import tpu_sc as plsc

N_NODES = 10000
N_EDGES = 640000
NUM_REL = 4
NUM_BASES = 30
IN_DIM = 86
HID = 128
N_GRAPHS = 64
N_CLASSES = 18

NC = 2
NS = 16
CHUNK = 128
SB = 16
NSB = 20
NCHUNK = SB * NSB
EPT = NCHUNK * CHUNK
E_PAD = EPT * NS
ACC_ROWS = 40064
RPT = ACC_ROWS // NS
DUMMY_ROW = NUM_REL * N_NODES

NB = 2000
NBLK = N_NODES // NB


def _make_agg(width, passes_per_core):
    ntab = NC * passes_per_core

    def body(src_ref, cmb_ref, *rest):
        tables = rest[:ntab]
        zeros_ref = rest[ntab]
        out_ref = rest[ntab + 1]
        acc, idx_s, idx_c, rows = rest[ntab + 2:]
        c = lax.axis_index("c")
        s = lax.axis_index("s")

        def run_pass(table_ref, p):
            pltpu.sync_copy(zeros_ref, acc.at[pl.ds(s * RPT, RPT)])
            plsc.subcore_barrier()

            def block(b, carry):
                pltpu.sync_copy(src_ref.at[s].at[b], idx_s)
                pltpu.sync_copy(cmb_ref.at[s].at[b], idx_c)

                def step(g, carry2):
                    pltpu.sync_copy(table_ref.at[idx_s.at[g]], rows)
                    pltpu.sync_copy(rows, acc.at[idx_c.at[g]], add=True)
                    return carry2

                lax.fori_loop(0, SB, step, 0)
                return carry

            lax.fori_loop(0, NSB, block, 0)
            plsc.subcore_barrier()
            pltpu.sync_copy(acc.at[pl.ds(s * RPT, RPT)],
                            out_ref.at[p].at[pl.ds(s * RPT, RPT)])

        for j in range(passes_per_core):
            for cc in range(NC):
                p = cc * passes_per_core + j

                @pl.when(c == cc)
                def _(p=p):
                    run_pass(tables[p], p)

    return pl.kernel(
        body,
        out_type=jax.ShapeDtypeStruct((ntab, ACC_ROWS, width), jnp.float32),
        mesh=plsc.VectorSubcoreMesh(core_axis_name="c", subcore_axis_name="s"),
        compiler_params=pltpu.CompilerParams(use_tc_tiling_on_sc=False),
        scratch_types=[
            pltpu.VMEM_SHARED((ACC_ROWS, width), jnp.float32),
            pltpu.VMEM((SB, CHUNK), jnp.int32),
            pltpu.VMEM((SB, CHUNK), jnp.int32),
            pltpu.VMEM((CHUNK, width), jnp.float32),
        ],
    )


_agg48 = _make_agg(48, 1)
_agg32 = _make_agg(32, 2)


def _cmb_body(et_ref, dst_ref, out_ref):
    out_ref[...] = et_ref[...] * N_NODES + dst_ref[...]


def _cmb(et2, dst2):
    return pl.pallas_call(
        _cmb_body,
        out_shape=jax.ShapeDtypeStruct(et2.shape, jnp.int32),
    )(et2, dst2)


def _wexp_body(c1_ref, b1_ref, c2_ref, b2_ref, w1_ref, w2_ref):
    w1_ref[...] = jnp.dot(c1_ref[...], b1_ref[...],
                          preferred_element_type=jnp.float32)
    w2_ref[...] = jnp.dot(c2_ref[...], b2_ref[...],
                          preferred_element_type=jnp.float32)


def _wexp(comp1, basis1f, comp2, basis2f):
    return pl.pallas_call(
        _wexp_body,
        out_shape=(
            jax.ShapeDtypeStruct((NUM_REL, IN_DIM * HID), jnp.float32),
            jax.ShapeDtypeStruct((NUM_REL, HID * HID), jnp.float32),
        ),
    )(comp1, basis1f, comp2, basis2f)


def _dense1_body(xp_ref, root_ref, a0_ref, a1_ref, w_ref, h_ref):
    r = pl.program_id(1)

    @pl.when(r == 0)
    def _():
        h_ref[...] = jnp.dot(xp_ref[...], root_ref[...],
                             preferred_element_type=jnp.float32)

    @pl.when(r > 0)
    def _():
        a0 = a0_ref[0]
        a1 = a1_ref[0]
        cnt = jnp.maximum(a1[:, 38:39], 1.0)
        w = w_ref[0]
        part = (jnp.dot(a0, w[:48, :], preferred_element_type=jnp.float32)
                + jnp.dot(a1, w[48:, :], preferred_element_type=jnp.float32))
        h_ref[...] = h_ref[...] + part / cnt

    @pl.when(r == NUM_REL)
    def _():
        h_ref[...] = jnp.maximum(h_ref[...], 0.0)


def _dense1(xp, root1p, acc1, w1p):
    blk = N_NODES // NB
    return pl.pallas_call(
        _dense1_body,
        grid=(NBLK, NUM_REL + 1),
        in_specs=[
            pl.BlockSpec((NB, 96), lambda i, r: (i, 0)),
            pl.BlockSpec((96, HID), lambda i, r: (0, 0)),
            pl.BlockSpec((1, NB, 48),
                         lambda i, r: (0, jnp.maximum(r - 1, 0) * blk + i, 0)),
            pl.BlockSpec((1, NB, 48),
                         lambda i, r: (1, jnp.maximum(r - 1, 0) * blk + i, 0)),
            pl.BlockSpec((1, 96, HID), lambda i, r: (jnp.maximum(r - 1, 0), 0, 0)),
        ],
        out_specs=pl.BlockSpec((NB, HID), lambda i, r: (i, 0)),
        out_shape=jax.ShapeDtypeStruct((N_NODES, HID), jnp.float32),
    )(xp, root1p, acc1, acc1, w1p)


def _dense2_body(h_ref, root_ref, bias_ref, a20_ref, a21_ref, a22_ref, a23_ref,
                 a1_ref, w_ref, b_ref, g_ref, h2):
    i = pl.program_id(0)
    r = pl.program_id(1)

    @pl.when(r == 0)
    def _():
        h2[...] = jnp.dot(h_ref[...], root_ref[...],
                          preferred_element_type=jnp.float32) + bias_ref[...]

    @pl.when(r > 0)
    def _():
        w = w_ref[0]
        part = (jnp.dot(a20_ref[0], w[0:32, :], preferred_element_type=jnp.float32)
                + jnp.dot(a21_ref[0], w[32:64, :], preferred_element_type=jnp.float32)
                + jnp.dot(a22_ref[0], w[64:96, :], preferred_element_type=jnp.float32)
                + jnp.dot(a23_ref[0], w[96:128, :], preferred_element_type=jnp.float32))
        cnt = jnp.maximum(a1_ref[0][:, 38:39], 1.0)
        h2[...] = h2[...] + part / cnt

    @pl.when(r == NUM_REL)
    def _():
        b = b_ref[0]
        oh = (lax.broadcasted_iota(jnp.int32, (N_GRAPHS, NB), 0)
              == jnp.broadcast_to(b, (N_GRAPHS, NB))).astype(jnp.float32)
        contrib = jnp.dot(oh, h2[...], preferred_element_type=jnp.float32)
        g_ref[...] = jnp.where(i == 0, contrib, g_ref[...] + contrib)


def _dense2(h, root2, bias2, acc2, acc1, w2, batch2):
    blk = N_NODES // NB

    def amap(p):
        return lambda i, r: (p, jnp.maximum(r - 1, 0) * blk + i, 0)

    return pl.pallas_call(
        _dense2_body,
        grid=(NBLK, NUM_REL + 1),
        in_specs=[
            pl.BlockSpec((NB, HID), lambda i, r: (i, 0)),
            pl.BlockSpec((HID, HID), lambda i, r: (0, 0)),
            pl.BlockSpec((1, HID), lambda i, r: (0, 0)),
            pl.BlockSpec((1, NB, 32), amap(0)),
            pl.BlockSpec((1, NB, 32), amap(1)),
            pl.BlockSpec((1, NB, 32), amap(2)),
            pl.BlockSpec((1, NB, 32), amap(3)),
            pl.BlockSpec((1, NB, 48),
                         lambda i, r: (1, jnp.maximum(r - 1, 0) * blk + i, 0)),
            pl.BlockSpec((1, HID, HID), lambda i, r: (jnp.maximum(r - 1, 0), 0, 0)),
            pl.BlockSpec((1, 1, NB), lambda i, r: (i, 0, 0)),
        ],
        out_specs=pl.BlockSpec((N_GRAPHS, HID), lambda i, r: (0, 0)),
        out_shape=jax.ShapeDtypeStruct((N_GRAPHS, HID), jnp.float32),
        scratch_shapes=[pltpu.VMEM((NB, HID), jnp.float32)],
    )(h, root2, bias2, acc2, acc2, acc2, acc2, acc1, w2, batch2)


def _head_body(g_ref, gam_ref, bet_ref, w1_ref, b1_ref, w2_ref, b2_ref, out_ref):
    g = g_ref[...]
    mean = jnp.mean(g, axis=0, keepdims=True)
    var = jnp.mean((g - mean) * (g - mean), axis=0, keepdims=True)
    gn = (g - mean) / jnp.sqrt(var + 1e-5) * gam_ref[...] + bet_ref[...]
    hh = jnp.dot(gn, w1_ref[...], preferred_element_type=jnp.float32) + b1_ref[...]
    hh = jnp.maximum(hh, 0.0)
    logits = jnp.dot(hh, w2_ref[...], preferred_element_type=jnp.float32) + b2_ref[...]
    col = lax.broadcasted_iota(jnp.int32, (N_GRAPHS, HID), 1)
    logits = jnp.where(col < N_CLASSES, logits, -1e30)
    m = jnp.max(logits, axis=1, keepdims=True)
    lse = m + jnp.log(jnp.sum(jnp.exp(logits - m), axis=1, keepdims=True))
    out_ref[...] = logits - lse


def _head(g, gam, bet, w1, b1, w2p, b2p):
    return pl.pallas_call(
        _head_body,
        out_shape=jax.ShapeDtypeStruct((N_GRAPHS, HID), jnp.float32),
    )(g, gam, bet, w1, b1, w2p, b2p)


@jax.jit
def kernel(x, edge_index, edge_type, batch, comp1, basis1, root1, bias1,
           comp2, basis2, root2, bias2, bn_gamma, bn_beta,
           fc1_w, fc1_b, fc2_w, fc2_b):
    src = edge_index[0].astype(jnp.int32)
    dst = edge_index[1].astype(jnp.int32)
    et = edge_type.astype(jnp.int32)

    cmb = _cmb(et.reshape(5000, 128), dst.reshape(5000, 128)).reshape(-1)

    pad = E_PAD - N_EDGES
    srcp = jnp.concatenate([src, jnp.zeros((pad,), jnp.int32)])
    cmbp = jnp.concatenate([cmb, jnp.full((pad,), DUMMY_ROW, jnp.int32)])
    src3 = srcp.reshape(NS, NSB, SB, CHUNK)
    cmb3 = cmbp.reshape(NS, NSB, SB, CHUNK)

    w1f, w2f = _wexp(comp1, basis1.reshape(NUM_BASES, IN_DIM * HID),
                     comp2, basis2.reshape(NUM_BASES, HID * HID))
    w1 = w1f.reshape(NUM_REL, IN_DIM, HID)
    w1p = jnp.concatenate(
        [w1, jnp.zeros((NUM_REL, 96 - IN_DIM, HID), jnp.float32)], axis=1)
    w2 = w2f.reshape(NUM_REL, HID, HID)

    xp = jnp.concatenate(
        [x, jnp.ones((N_NODES, 1), jnp.float32),
         jnp.zeros((N_NODES, 96 - IN_DIM - 1), jnp.float32)], axis=1)
    root1p = jnp.concatenate(
        [root1, bias1[None, :], jnp.zeros((96 - IN_DIM - 1, HID), jnp.float32)],
        axis=0)

    z48 = jnp.zeros((RPT, 48), jnp.float32)
    acc1 = _agg48(src3, cmb3, xp[:, :48], xp[:, 48:96], z48)

    h = _dense1(xp, root1p, acc1, w1p)

    z32 = jnp.zeros((RPT, 32), jnp.float32)
    acc2 = _agg32(src3, cmb3, h[:, 0:32], h[:, 32:64], h[:, 64:96],
                  h[:, 96:128], z32)

    batch2 = batch.astype(jnp.int32).reshape(NBLK, 1, NB)
    g = _dense2(h, root2, bias2[None, :], acc2, acc1, w2, batch2)

    fc2_wp = jnp.concatenate(
        [fc2_w, jnp.zeros((HID, HID - N_CLASSES), jnp.float32)], axis=1)
    fc2_bp = jnp.concatenate(
        [fc2_b, jnp.zeros((HID - N_CLASSES,), jnp.float32)])[None, :]
    out = _head(g, bn_gamma[None, :], bn_beta[None, :],
                fc1_w, fc1_b[None, :], fc2_wp, fc2_bp)
    return out[:, :N_CLASSES]

# --- scband reference (transcript-rebuilt; emitter-appended) ---
"""Pipeline reference for scband-rgcn-69793218560369 (READ-ONLY COPY).

The authoritative reference and input builder live on the scoring server;
editing this copy changes nothing except your own understanding.
"""

import jax, jax.numpy as jnp
import numpy as np

NUM_REL = 4
NUM_BASES = 30
IN_DIM = 86
HID = 128
N_CLASSES = 18
N_NODES = 10000
N_EDGES = 640000
N_GRAPHS = 64


def setup_inputs(seed: int = 0) -> dict:
    key = jax.random.key(seed)
    ks = jax.random.split(key, 20)
    inp = {}
    inp["x"] = jax.random.normal(ks[0], (N_NODES, IN_DIM), dtype=jnp.float32)
    inp["edge_index"] = jax.random.randint(ks[1], (2, N_EDGES), 0, N_NODES)
    inp["edge_type"] = jax.random.randint(ks[2], (N_EDGES,), 0, NUM_REL)
    inp["batch"] = jnp.sort(jax.random.randint(ks[3], (N_NODES,), 0, N_GRAPHS))
    # conv1 params (basis decomposition)
    inp["comp1"] = jax.random.normal(ks[4], (NUM_REL, NUM_BASES), dtype=jnp.float32) * 0.1
    inp["basis1"] = jax.random.normal(ks[5], (NUM_BASES, IN_DIM, HID), dtype=jnp.float32) * (1.0 / np.sqrt(IN_DIM))
    inp["root1"] = jax.random.normal(ks[6], (IN_DIM, HID), dtype=jnp.float32) * (1.0 / np.sqrt(IN_DIM))
    inp["bias1"] = jnp.zeros((HID,), dtype=jnp.float32)
    # conv2 params
    inp["comp2"] = jax.random.normal(ks[7], (NUM_REL, NUM_BASES), dtype=jnp.float32) * 0.1
    inp["basis2"] = jax.random.normal(ks[8], (NUM_BASES, HID, HID), dtype=jnp.float32) * (1.0 / np.sqrt(HID))
    inp["root2"] = jax.random.normal(ks[9], (HID, HID), dtype=jnp.float32) * (1.0 / np.sqrt(HID))
    inp["bias2"] = jnp.zeros((HID,), dtype=jnp.float32)
    # batchnorm
    inp["bn_gamma"] = jnp.ones((HID,), dtype=jnp.float32)
    inp["bn_beta"] = jnp.zeros((HID,), dtype=jnp.float32)
    # fc layers
    inp["fc1_w"] = jax.random.normal(ks[10], (HID, HID), dtype=jnp.float32) * (1.0 / np.sqrt(HID))
    inp["fc1_b"] = jnp.zeros((HID,), dtype=jnp.float32)
    inp["fc2_w"] = jax.random.normal(ks[11], (HID, N_CLASSES), dtype=jnp.float32) * (1.0 / np.sqrt(HID))
    inp["fc2_b"] = jnp.zeros((N_CLASSES,), dtype=jnp.float32)
    return inp


def rgcn_layer(x, src, dst, edge_type, comp, basis, root, bias):
    n = x.shape[0]
    out = x @ root + bias
    for r in range(NUM_REL):
        W = jnp.tensordot(comp[r], basis, axes=1)  # [in, out]
        mask = (edge_type == r).astype(x.dtype)
        msg = (x[src] @ W) * mask[:, None]
        summed = jnp.zeros((n, W.shape[1]), x.dtype).at[dst].add(msg)
        cnt = jnp.zeros((n,), x.dtype).at[dst].add(mask)
        out = out + summed / jnp.maximum(cnt, 1.0)[:, None]
    return out


def reference(x, edge_index, edge_type, batch, comp1, basis1, root1, bias1, comp2, basis2, root2, bias2, bn_gamma, bn_beta, fc1_w, fc1_b, fc2_w, fc2_b):
    src, dst = edge_index[0], edge_index[1]
    h = jax.nn.relu(rgcn_layer(x, src, dst, edge_type, comp1, basis1, root1, bias1))
    h = rgcn_layer(h, src, dst, edge_type, comp2, basis2, root2, bias2)
    g = jax.ops.segment_sum(h, batch, num_segments=N_GRAPHS)
    mean = g.mean(axis=0)
    var = g.var(axis=0)
    g = (g - mean) / jnp.sqrt(var + 1e-5) * bn_gamma + bn_beta
    g = jax.nn.relu(g @ fc1_w + fc1_b)
    # dropout is identity in eval mode
    g = g @ fc2_w + fc2_b
    return jax.nn.log_softmax(g, axis=1)

if __name__ == "__main__":
    import jax
    _d = setup_inputs()
    print(jax.jit(kernel)(*tuple(_d.values())))

</pallas_src>

<mosaic_0001>
#map = affine_map<(d0, d1) -> (0, 0, 0, 0)>
#map1 = affine_map<(d0, d1) -> (0, 0)>
#map2 = affine_map<(d0, d1) -> (0, 0, 0)>
module attributes {stable_mosaic.version = 14 : i64} {
  func.func @body(%arg0: i32, %arg1: i32, %arg2: memref<16x20x16x128xi32, #tpu.memory_space<hbm>>, %arg3: memref<16x20x16x128xi32, #tpu.memory_space<hbm>>, %arg4: memref<10000x48xf32, #tpu.memory_space<hbm>>, %arg5: memref<10000x48xf32, #tpu.memory_space<hbm>>, %arg6: memref<2504x48xf32, #tpu.memory_space<hbm>>, %arg7: memref<2x40064x48xf32, #tpu.memory_space<hbm>>, %arg8: memref<40064x48xf32, #tpu.memory_space<vmem_shared>>, %arg9: memref<16x128xi32, #tpu.memory_space<vmem>>, %arg10: memref<16x128xi32, #tpu.memory_space<vmem>>, %arg11: memref<128x48xf32, #tpu.memory_space<vmem>>) attributes {dimension_semantics = [#tpu.dimension_semantics<core_parallel>, #tpu.dimension_semantics<subcore_parallel>], iteration_bounds = array<i64: 2, 16>, scalar_prefetch = 0 : i64, scratch_operands = 4 : i64, tpu.core_type = #tpu.core_type<sc_vector_subcore>, window_params = [{transform_indices = #map}, {transform_indices = #map}, {transform_indices = #map1}, {transform_indices = #map1}, {transform_indices = #map1}, {transform_indices = #map2}]} {
    %eq3A = arith.constant 0 : i32
    %eq3A_0 = arith.cmpi eq, %arg0, %eq3A : i32
    %convert_element_type3A = arith.extui %eq3A_0 : i1 to i32
    %cond3A = arith.constant 0 : i32
    %cond3A_1 = arith.cmpi ne, %convert_element_type3A, %cond3A : i32
    scf.if %cond3A_1 {
      %mul3A = arith.constant 2504 : i32
      %mul3A_7 = arith.muli %arg1, %mul3A : i32
      "tpu.region"() ({
        %run_scoped3A_18 = tpu.sem_alloc : memref<!tpu.dma_semaphore, #tpu.memory_space<semaphore_mem>>
        %dma_start3A = arith.constant 0 : i32
        %dma_start3A_19 = tpu.memref_slice %arg8[%mul3A_7, %dma_start3A] : memref<40064x48xf32, #tpu.memory_space<vmem_shared>> -> memref<2504x48xf32, #tpu.memory_space<vmem_shared>>
        tpu.enqueue_dma source(%arg6 : memref<2504x48xf32, #tpu.memory_space<hbm>>) target(%dma_start3A_19 : memref<2504x48xf32, #tpu.memory_space<vmem_shared>>) target_semaphore(%run_scoped3A_18 : memref<!tpu.dma_semaphore, #tpu.memory_space<semaphore_mem>>)
        %dma_wait3A = arith.constant 0 : i32
        %dma_wait3A_20 = tpu.memref_slice %arg8[%mul3A_7, %dma_wait3A] : memref<40064x48xf32, #tpu.memory_space<vmem_shared>> -> memref<2504x48xf32, #tpu.memory_space<vmem_shared>>
        tpu.wait_dma2 semaphore(%run_scoped3A_18 : memref<!tpu.dma_semaphore, #tpu.memory_space<semaphore_mem>>) src(%arg6 : memref<2504x48xf32, #tpu.memory_space<hbm>>) dst(%dma_wait3A_20 : memref<2504x48xf32, #tpu.memory_space<vmem_shared>>)
        tpu.yield
      }) : () -> ()
      %barrier3A = arith.constant 0 : index
      tpu.barrier barrier_id(%barrier3A)
      %scan3A = arith.constant 0 : i32
      %scan3A_8 = arith.constant 0 : i32
      %scan3A_9 = arith.constant 20 : i32
      %scan3A_10 = arith.addi %scan3A_8, %scan3A_9 : i32
      %scan3A_11 = arith.constant 1 : i32
      scf.for %scan3A_18 = %scan3A_8 to %scan3A_10 step %scan3A_11  : i32 {
        "tpu.region"() ({
          %run_scoped3A_25 = tpu.sem_alloc : memref<!tpu.dma_semaphore, #tpu.memory_space<semaphore_mem>>
          %dma_start3A = arith.constant 0 : i32
          %dma_start3A_26 = arith.constant 0 : i32
          %dma_start3A_27 = arith.constant 0 : i32
          %dma_start3A_28 = tpu.memref_slice %arg2[%arg1, %dma_start3A, %dma_start3A_26, %dma_start3A_27] : memref<16x20x16x128xi32, #tpu.memory_space<hbm>> -> memref<1x20x16x128xi32, #tpu.memory_space<hbm>>
          %dma_start3A_29 = tpu.memref_squeeze %dma_start3A_28 : memref<1x20x16x128xi32, #tpu.memory_space<hbm>> -> memref<20x16x128xi32, #tpu.memory_space<hbm>>
          %dma_start3A_30 = arith.constant 0 : i32
          %dma_start3A_31 = arith.constant 0 : i32
          %dma_start3A_32 = tpu.memref_slice %dma_start3A_29[%scan3A_18, %dma_start3A_30, %dma_start3A_31] : memref<20x16x128xi32, #tpu.memory_space<hbm>> -> memref<1x16x128xi32, #tpu.memory_space<hbm>>
          %dma_start3A_33 = tpu.memref_squeeze %dma_start3A_32 : memref<1x16x128xi32, #tpu.memory_space<hbm>> -> memref<16x128xi32, #tpu.memory_space<hbm>>
          %dma_start3A_34 = arith.constant 0 : i32
          %dma_start3A_35 = arith.constant 0 : i32
          %dma_start3A_36 = arith.constant 0 : i32
          %dma_start3A_37 = tpu.memref_slice %arg2[%arg1, %dma_start3A_34, %dma_start3A_35, %dma_start3A_36] : memref<16x20x16x128xi32, #tpu.memory_space<hbm>> -> memref<1x20x16x128xi32, #tpu.memory_space<hbm>>
          %dma_start3A_38 = tpu.memref_squeeze %dma_start3A_37 : memref<1x20x16x128xi32, #tpu.memory_space<hbm>> -> memref<20x16x128xi32, #tpu.memory_space<hbm>>
          %dma_start3A_39 = arith.constant 0 : i32
          %dma_start3A_40 = arith.constant 0 : i32
          %dma_start3A_41 = tpu.memref_slice %dma_start3A_38[%scan3A_18, %dma_start3A_39, %dma_start3A_40] : memref<20x16x128xi32, #tpu.memory_space<hbm>> -> memref<1x16x128xi32, #tpu.memory_space<hbm>>
          %dma_start3A_42 = tpu.memref_squeeze %dma_start3A_41 : memref<1x16x128xi32, #tpu.memory_space<hbm>> -> memref<16x128xi32, #tpu.memory_space<hbm>>
          tpu.enqueue_dma source(%dma_start3A_42 : memref<16x128xi32, #tpu.memory_space<hbm>>) target(%arg9 : memref<16x128xi32, #tpu.memory_space<vmem>>) target_semaphore(%run_scoped3A_25 : memref<!tpu.dma_semaphore, #tpu.memory_space<semaphore_mem>>)
          %dma_wait3A = arith.constant 0 : i32
          %dma_wait3A_43 = arith.constant 0 : i32
          %dma_wait3A_44 = arith.constant 0 : i32
          %dma_wait3A_45 = tpu.memref_slice %arg2[%arg1, %dma_wait3A, %dma_wait3A_43, %dma_wait3A_44] : memref<16x20x16x128xi32, #tpu.memory_space<hbm>> -> memref<1x20x16x128xi32, #tpu.memory_space<hbm>>
          %dma_wait3A_46 = tpu.memref_squeeze %dma_wait3A_45 : memref<1x20x16x128xi32, #tpu.memory_space<hbm>> -> memref<20x16x128xi32, #tpu.memory_space<hbm>>
          %dma_wait3A_47 = arith.constant 0 : i32
          %dma_wait3A_48 = arith.constant 0 : i32
          %dma_wait3A_49 = tpu.memref_slice %dma_wait3A_46[%scan3A_18, %dma_wait3A_47, %dma_wait3A_48] : memref<20x16x128xi32, #tpu.memory_space<hbm>> -> memref<1x16x128xi32, #tpu.memory_space<hbm>>
          %dma_wait3A_50 = tpu.memref_squeeze %dma_wait3A_49 : memref<1x16x128xi32, #tpu.memory_space<hbm>> -> memref<16x128xi32, #tpu.memory_space<hbm>>
          %dma_wait3A_51 = arith.constant 0 : i32
          %dma_wait3A_52 = arith.constant 0 : i32
          %dma_wait3A_53 = arith.constant 0 : i32
          %dma_wait3A_54 = tpu.memref_slice %arg2[%arg1, %dma_wait3A_51, %dma_wait3A_52, %dma_wait3A_53] : memref<16x20x16x128xi32, #tpu.memory_space<hbm>> -> memref<1x20x16x128xi32, #tpu.memory_space<hbm>>
          %dma_wait3A_55 = tpu.memref_squeeze %dma_wait3A_54 : memref<1x20x16x128xi32, #tpu.memory_space<hbm>> -> memref<20x16x128xi32, #tpu.memory_space<hbm>>
          %dma_wait3A_56 = arith.constant 0 : i32
          %dma_wait3A_57 = arith.constant 0 : i32
          %dma_wait3A_58 = tpu.memref_slice %dma_wait3A_55[%scan3A_18, %dma_wait3A_56, %dma_wait3A_57] : memref<20x16x128xi32, #tpu.memory_space<hbm>> -> memref<1x16x128xi32, #tpu.memory_space<hbm>>
          %dma_wait3A_59 = tpu.memref_squeeze %dma_wait3A_58 : memref<1x16x128xi32, #tpu.memory_space<hbm>> -> memref<16x128xi32, #tpu.memory_space<hbm>>
          tpu.wait_dma2 semaphore(%run_scoped3A_25 : memref<!tpu.dma_semaphore, #tpu.memory_space<semaphore_mem>>) src(%dma_wait3A_59 : memref<16x128xi32, #tpu.memory_space<hbm>>) dst(%arg9 : memref<16x128xi32, #tpu.memory_space<vmem>>)
          tpu.yield
        }) : () -> ()
        "tpu.region"() ({
          %run_scoped3A_25 = tpu.sem_alloc : memref<!tpu.dma_semaphore, #tpu.memory_space<semaphore_mem>>
          %dma_start3A = arith.constant 0 : i32
          %dma_start3A_26 = arith.constant 0 : i32
          %dma_start3A_27 = arith.constant 0 : i32
          %dma_start3A_28 = tpu.memref_slice %arg3[%arg1, %dma_start3A, %dma_start3A_26, %dma_start3A_27] : memref<16x20x16x128xi32, #tpu.memory_space<hbm>> -> memref<1x20x16x128xi32, #tpu.memory_space<hbm>>
          %dma_start3A_29 = tpu.memref_squeeze %dma_start3A_28 : memref<1x20x16x128xi32, #tpu.memory_space<hbm>> -> memref<20x16x128xi32, #tpu.memory_space<hbm>>
          %dma_start3A_30 = arith.constant 0 : i32
          %dma_start3A_31 = arith.constant 0 : i32
          %dma_start3A_32 = tpu.memref_slice %dma_start3A_29[%scan3A_18, %dma_start3A_30, %dma_start3A_31] : memref<20x16x128xi32, #tpu.memory_space<hbm>> -> memref<1x16x128xi32, #tpu.memory_space<hbm>>
          %dma_start3A_33 = tpu.memref_squeeze %dma_start3A_32 : memref<1x16x128xi32, #tpu.memory_space<hbm>> -> memref<16x128xi32, #tpu.memory_space<hbm>>
          %dma_start3A_34 = arith.constant 0 : i32
          %dma_start3A_35 = arith.constant 0 : i32
          %dma_start3A_36 = arith.constant 0 : i32
          %dma_start3A_37 = tpu.memref_slice %arg3[%arg1, %dma_start3A_34, %dma_start3A_35, %dma_start3A_36] : memref<16x20x16x128xi32, #tpu.memory_space<hbm>> -> memref<1x20x16x128xi32, #tpu.memory_space<hbm>>
          %dma_start3A_38 = tpu.memref_squeeze %dma_start3A_37 : memref<1x20x16x128xi32, #tpu.memory_space<hbm>> -> memref<20x16x128xi32, #tpu.memory_space<hbm>>
          %dma_start3A_39 = arith.constant 0 : i32
          %dma_start3A_40 = arith.constant 0 : i32
          %dma_start3A_41 = tpu.memref_slice %dma_start3A_38[%scan3A_18, %dma_start3A_39, %dma_start3A_40] : memref<20x16x128xi32, #tpu.memory_space<hbm>> -> memref<1x16x128xi32, #tpu.memory_space<hbm>>
          %dma_start3A_42 = tpu.memref_squeeze %dma_start3A_41 : memref<1x16x128xi32, #tpu.memory_space<hbm>> -> memref<16x128xi32, #tpu.memory_space<hbm>>
          tpu.enqueue_dma source(%dma_start3A_42 : memref<16x128xi32, #tpu.memory_space<hbm>>) target(%arg10 : memref<16x128xi32, #tpu.memory_space<vmem>>) target_semaphore(%run_scoped3A_25 : memref<!tpu.dma_semaphore, #tpu.memory_space<semaphore_mem>>)
          %dma_wait3A = arith.constant 0 : i32
          %dma_wait3A_43 = arith.constant 0 : i32
          %dma_wait3A_44 = arith.constant 0 : i32
          %dma_wait3A_45 = tpu.memref_slice %arg3[%arg1, %dma_wait3A, %dma_wait3A_43, %dma_wait3A_44] : memref<16x20x16x128xi32, #tpu.memory_space<hbm>> -> memref<1x20x16x128xi32, #tpu.memory_space<hbm>>
          %dma_wait3A_46 = tpu.memref_squeeze %dma_wait3A_45 : memref<1x20x16x128xi32, #tpu.memory_space<hbm>> -> memref<20x16x128xi32, #tpu.memory_space<hbm>>
          %dma_wait3A_47 = arith.constant 0 : i32
          %dma_wait3A_48 = arith.constant 0 : i32
          %dma_wait3A_49 = tpu.memref_slice %dma_wait3A_46[%scan3A_18, %dma_wait3A_47, %dma_wait3A_48] : memref<20x16x128xi32, #tpu.memory_space<hbm>> -> memref<1x16x128xi32, #tpu.memory_space<hbm>>
          %dma_wait3A_50 = tpu.memref_squeeze %dma_wait3A_49 : memref<1x16x128xi32, #tpu.memory_space<hbm>> -> memref<16x128xi32, #tpu.memory_space<hbm>>
          %dma_wait3A_51 = arith.constant 0 : i32
          %dma_wait3A_52 = arith.constant 0 : i32
          %dma_wait3A_53 = arith.constant 0 : i32
          %dma_wait3A_54 = tpu.memref_slice %arg3[%arg1, %dma_wait3A_51, %dma_wait3A_52, %dma_wait3A_53] : memref<16x20x16x128xi32, #tpu.memory_space<hbm>> -> memref<1x20x16x128xi32, #tpu.memory_space<hbm>>
          %dma_wait3A_55 = tpu.memref_squeeze %dma_wait3A_54 : memref<1x20x16x128xi32, #tpu.memory_space<hbm>> -> memref<20x16x128xi32, #tpu.memory_space<hbm>>
          %dma_wait3A_56 = arith.constant 0 : i32
          %dma_wait3A_57 = arith.constant 0 : i32
          %dma_wait3A_58 = tpu.memref_slice %dma_wait3A_55[%scan3A_18, %dma_wait3A_56, %dma_wait3A_57] : memref<20x16x128xi32, #tpu.memory_space<hbm>> -> memref<1x16x128xi32, #tpu.memory_space<hbm>>
          %dma_wait3A_59 = tpu.memref_squeeze %dma_wait3A_58 : memref<1x16x128xi32, #tpu.memory_space<hbm>> -> memref<16x128xi32, #tpu.memory_space<hbm>>
          tpu.wait_dma2 semaphore(%run_scoped3A_25 : memref<!tpu.dma_semaphore, #tpu.memory_space<semaphore_mem>>) src(%dma_wait3A_59 : memref<16x128xi32, #tpu.memory_space<hbm>>) dst(%arg10 : memref<16x128xi32, #tpu.memory_space<vmem>>)
          tpu.yield
        }) : () -> ()
        %scan3A_19 = arith.constant 0 : i32
        %scan3A_20 = arith.constant 0 : i32
        %scan3A_21 = arith.constant 16 : i32
        %scan3A_22 = arith.addi %scan3A_20, %scan3A_21 : i32
        %scan3A_23 = arith.constant 1 : i32
        scf.for %scan3A_25 = %scan3A_20 to %scan3A_22 step %scan3A_23  : i32 {
          "tpu.region"() ({
            %run_scoped3A_26 = tpu.sem_alloc : memref<!tpu.dma_semaphore, #tpu.memory_space<semaphore_mem>>
            %dma_start3A = arith.constant 0 : i32
            %dma_start3A_27 = tpu.memref_slice %arg9[%scan3A_25, %dma_start3A] : memref<16x128xi32, #tpu.memory_space<vmem>> -> memref<1x128xi32, #tpu.memory_space<vmem>>
            %dma_start3A_28 = tpu.memref_squeeze %dma_start3A_27 : memref<1x128xi32, #tpu.memory_space<vmem>> -> memref<128xi32, #tpu.memory_space<vmem>>
            %dma_start3A_29 = arith.constant 0 : i32
            %dma_start3A_30 = arith.constant 0 : i32
            %dma_start3A_31 = tpu.memref_slice %arg4[%dma_start3A_29, %dma_start3A_30] : memref<10000x48xf32, #tpu.memory_space<hbm>> -> memref<10000x48xf32, #tpu.memory_space<hbm>>
            tpu.enqueue_indirect_dma source(%dma_start3A_31 : memref<10000x48xf32, #tpu.memory_space<hbm>>) target(%arg11 : memref<128x48xf32, #tpu.memory_space<vmem>>) offsets(%dma_start3A_28 : memref<128xi32, #tpu.memory_space<vmem>>) semaphore(%run_scoped3A_26 : memref<!tpu.dma_semaphore, #tpu.memory_space<semaphore_mem>>)
            %dma_wait3A = arith.constant 0 : i32
            %dma_wait3A_32 = tpu.memref_slice %arg9[%scan3A_25, %dma_wait3A] : memref<16x128xi32, #tpu.memory_space<vmem>> -> memref<1x128xi32, #tpu.memory_space<vmem>>
            %dma_wait3A_33 = tpu.memref_squeeze %dma_wait3A_32 : memref<1x128xi32, #tpu.memory_space<vmem>> -> memref<128xi32, #tpu.memory_space<vmem>>
            %dma_wait3A_34 = arith.constant 0 : i32
            %dma_wait3A_35 = arith.constant 0 : i32
            %dma_wait3A_36 = tpu.memref_slice %arg4[%dma_wait3A_34, %dma_wait3A_35] : memref<10000x48xf32, #tpu.memory_space<hbm>> -> memref<10000x48xf32, #tpu.memory_space<hbm>>
            tpu.wait_indirect_dma semaphore(%run_scoped3A_26 : memref<!tpu.dma_semaphore, #tpu.memory_space<semaphore_mem>>) src(%dma_wait3A_36 : memref<10000x48xf32, #tpu.memory_space<hbm>>) dst(%arg11 : memref<128x48xf32, #tpu.memory_space<vmem>>)
            tpu.yield
          }) : () -> ()
          "tpu.region"() ({
            %run_scoped3A_26 = tpu.sem_alloc : memref<!tpu.dma_semaphore, #tpu.memory_space<semaphore_mem>>
            %dma_start3A = arith.constant 0 : i32
            %dma_start3A_27 = tpu.memref_slice %arg10[%scan3A_25, %dma_start3A] : memref<16x128xi32, #tpu.memory_space<vmem>> -> memref<1x128xi32, #tpu.memory_space<vmem>>
            %dma_start3A_28 = tpu.memref_squeeze %dma_start3A_27 : memref<1x128xi32, #tpu.memory_space<vmem>> -> memref<128xi32, #tpu.memory_space<vmem>>
            %dma_start3A_29 = arith.constant 0 : i32
            %dma_start3A_30 = arith.constant 0 : i32
            %dma_start3A_31 = tpu.memref_slice %arg8[%dma_start3A_29, %dma_start3A_30] : memref<40064x48xf32, #tpu.memory_space<vmem_shared>> -> memref<40064x48xf32, #tpu.memory_space<vmem_shared>>
            tpu.enqueue_indirect_dma source(%arg11 : memref<128x48xf32, #tpu.memory_space<vmem>>) target(%dma_start3A_31 : memref<40064x48xf32, #tpu.memory_space<vmem_shared>>) offsets(%dma_start3A_28 : memref<128xi32, #tpu.memory_space<vmem>>) semaphore(%run_scoped3A_26 : memref<!tpu.dma_semaphore, #tpu.memory_space<semaphore_mem>>) {add = true}
            %dma_wait3A = arith.constant 0 : i32
            %dma_wait3A_32 = tpu.memref_slice %arg10[%scan3A_25, %dma_wait3A] : memref<16x128xi32, #tpu.memory_space<vmem>> -> memref<1x128xi32, #tpu.memory_space<vmem>>
            %dma_wait3A_33 = tpu.memref_squeeze %dma_wait3A_32 : memref<1x128xi32, #tpu.memory_space<vmem>> -> memref<128xi32, #tpu.memory_space<vmem>>
            %dma_wait3A_34 = arith.constant 0 : i32
            %dma_wait3A_35 = arith.constant 0 : i32
            %dma_wait3A_36 = tpu.memref_slice %arg8[%dma_wait3A_34, %dma_wait3A_35] : memref<40064x48xf32, #tpu.memory_space<vmem_shared>> -> memref<40064x48xf32, #tpu.memory_space<vmem_shared>>
            tpu.wait_indirect_dma semaphore(%run_scoped3A_26 : memref<!tpu.dma_semaphore, #tpu.memory_space<semaphore_mem>>) src(%arg11 : memref<128x48xf32, #tpu.memory_space<vmem>>) dst(%dma_wait3A_36 : memref<40064x48xf32, #tpu.memory_space<vmem_shared>>)
            tpu.yield
          }) : () -> ()
        }
        %scan3A_24 = arith.constant 16 : i32
      }
      %scan3A_12 = arith.constant 20 : i32
      %barrier3A_13 = arith.constant 0 : index
      tpu.barrier barrier_id(%barrier3A_13)
      %mul3A_14 = arith.constant 2504 : i32
      %mul3A_15 = arith.muli %arg1, %mul3A_14 : i32
      %mul3A_16 = arith.constant 2504 : i32
      %mul3A_17 = arith.muli %arg1, %mul3A_16 : i32
      %run_scoped3A = arith.constant 0 : i32
      "tpu.region"() ({
        %run_scoped3A_18 = tpu.sem_alloc : memref<!tpu.dma_semaphore, #tpu.memory_space<semaphore_mem>>
        %dma_start3A = arith.constant 0 : i32
        %dma_start3A_19 = arith.constant 0 : i32
        %dma_start3A_20 = tpu.memref_slice %arg7[%run_scoped3A, %dma_start3A, %dma_start3A_19] : memref<2x40064x48xf32, #tpu.memory_space<hbm>> -> memref<1x40064x48xf32, #tpu.memory_space<hbm>>
        %dma_start3A_21 = tpu.memref_squeeze %dma_start3A_20 : memref<1x40064x48xf32, #tpu.memory_space<hbm>> -> memref<40064x48xf32, #tpu.memory_space<hbm>>
        %dma_start3A_22 = arith.constant 0 : i32
        %dma_start3A_23 = tpu.memref_slice %dma_start3A_21[%mul3A_17, %dma_start3A_22] : memref<40064x48xf32, #tpu.memory_space<hbm>> -> memref<2504x48xf32, #tpu.memory_space<hbm>>
        %dma_start3A_24 = arith.constant 0 : i32
        %dma_start3A_25 = tpu.memref_slice %arg8[%mul3A_15, %dma_start3A_24] : memref<40064x48xf32, #tpu.memory_space<vmem_shared>> -> memref<2504x48xf32, #tpu.memory_space<vmem_shared>>
        tpu.enqueue_dma source(%dma_start3A_25 : memref<2504x48xf32, #tpu.memory_space<vmem_shared>>) target(%dma_start3A_23 : memref<2504x48xf32, #tpu.memory_space<hbm>>) target_semaphore(%run_scoped3A_18 : memref<!tpu.dma_semaphore, #tpu.memory_space<semaphore_mem>>)
        %dma_wait3A = arith.constant 0 : i32
        %dma_wait3A_26 = arith.constant 0 : i32
        %dma_wait3A_27 = tpu.memref_slice %arg7[%run_scoped3A, %dma_wait3A, %dma_wait3A_26] : memref<2x40064x48xf32, #tpu.memory_space<hbm>> -> memref<1x40064x48xf32, #tpu.memory_space<hbm>>
        %dma_wait3A_28 = tpu.memref_squeeze %dma_wait3A_27 : memref<1x40064x48xf32, #tpu.memory_space<hbm>> -> memref<40064x48xf32, #tpu.memory_space<hbm>>
        %dma_wait3A_29 = arith.constant 0 : i32
        %dma_wait3A_30 = tpu.memref_slice %dma_wait3A_28[%mul3A_17, %dma_wait3A_29] : memref<40064x48xf32, #tpu.memory_space<hbm>> -> memref<2504x48xf32, #tpu.memory_space<hbm>>
        %dma_wait3A_31 = arith.constant 0 : i32
        %dma_wait3A_32 = tpu.memref_slice %arg8[%mul3A_15, %dma_wait3A_31] : memref<40064x48xf32, #tpu.memory_space<vmem_shared>> -> memref<2504x48xf32, #tpu.memory_space<vmem_shared>>
        tpu.wait_dma2 semaphore(%run_scoped3A_18 : memref<!tpu.dma_semaphore, #tpu.memory_space<semaphore_mem>>) src(%dma_wait3A_32 : memref<2504x48xf32, #tpu.memory_space<vmem_shared>>) dst(%dma_wait3A_30 : memref<2504x48xf32, #tpu.memory_space<hbm>>)
        tpu.yield
      }) : () -> ()
    } else {
    }
    %eq3A_2 = arith.constant 1 : i32
    %eq3A_3 = arith.cmpi eq, %arg0, %eq3A_2 : i32
    %convert_element_type3A_4 = arith.extui %eq3A_3 : i1 to i32
    %cond3A_5 = arith.constant 0 : i32
    %cond3A_6 = arith.cmpi ne, %convert_element_type3A_4, %cond3A_5 : i32
    scf.if %cond3A_6 {
      %mul3A = arith.constant 2504 : i32
      %mul3A_7 = arith.muli %arg1, %mul3A : i32
      "tpu.region"() ({
        %run_scoped3A_18 = tpu.sem_alloc : memref<!tpu.dma_semaphore, #tpu.memory_space<semaphore_mem>>
        %dma_start3A = arith.constant 0 : i32
        %dma_start3A_19 = tpu.memref_slice %arg8[%mul3A_7, %dma_start3A] : memref<40064x48xf32, #tpu.memory_space<vmem_shared>> -> memref<2504x48xf32, #tpu.memory_space<vmem_shared>>
        tpu.enqueue_dma source(%arg6 : memref<2504x48xf32, #tpu.memory_space<hbm>>) target(%dma_start3A_19 : memref<2504x48xf32, #tpu.memory_space<vmem_shared>>) target_semaphore(%run_scoped3A_18 : memref<!tpu.dma_semaphore, #tpu.memory_space<semaphore_mem>>)
        %dma_wait3A = arith.constant 0 : i32
        %dma_wait3A_20 = tpu.memref_slice %arg8[%mul3A_7, %dma_wait3A] : memref<40064x48xf32, #tpu.memory_space<vmem_shared>> -> memref<2504x48xf32, #tpu.memory_space<vmem_shared>>
        tpu.wait_dma2 semaphore(%run_scoped3A_18 : memref<!tpu.dma_semaphore, #tpu.memory_space<semaphore_mem>>) src(%arg6 : memref<2504x48xf32, #tpu.memory_space<hbm>>) dst(%dma_wait3A_20 : memref<2504x48xf32, #tpu.memory_space<vmem_shared>>)
        tpu.yield
      }) : () -> ()
      %barrier3A = arith.constant 0 : index
      tpu.barrier barrier_id(%barrier3A)
      %scan3A = arith.constant 0 : i32
      %scan3A_8 = arith.constant 0 : i32
      %scan3A_9 = arith.constant 20 : i32
      %scan3A_10 = arith.addi %scan3A_8, %scan3A_9 : i32
      %scan3A_11 = arith.constant 1 : i32
      scf.for %scan3A_18 = %scan3A_8 to %scan3A_10 step %scan3A_11  : i32 {
        "tpu.region"() ({
          %run_scoped3A_25 = tpu.sem_alloc : memref<!tpu.dma_semaphore, #tpu.memory_space<semaphore_mem>>
          %dma_start3A = arith.constant 0 : i32
          %dma_start3A_26 = arith.constant 0 : i32
          %dma_start3A_27 = arith.constant 0 : i32
          %dma_start3A_28 = tpu.memref_slice %arg2[%arg1, %dma_start3A, %dma_start3A_26, %dma_start3A_27] : memref<16x20x16x128xi32, #tpu.memory_space<hbm>> -> memref<1x20x16x128xi32, #tpu.memory_space<hbm>>
          %dma_start3A_29 = tpu.memref_squeeze %dma_start3A_28 : memref<1x20x16x128xi32, #tpu.memory_space<hbm>> -> memref<20x16x128xi32, #tpu.memory_space<hbm>>
          %dma_start3A_30 = arith.constant 0 : i32
          %dma_start3A_31 = arith.constant 0 : i32
          %dma_start3A_32 = tpu.memref_slice %dma_start3A_29[%scan3A_18, %dma_start3A_30, %dma_start3A_31] : memref<20x16x128xi32, #tpu.memory_space<hbm>> -> memref<1x16x128xi32, #tpu.memory_space<hbm>>
          %dma_start3A_33 = tpu.memref_squeeze %dma_start3A_32 : memref<1x16x128xi32, #tpu.memory_space<hbm>> -> memref<16x128xi32, #tpu.memory_space<hbm>>
          %dma_start3A_34 = arith.constant 0 : i32
          %dma_start3A_35 = arith.constant 0 : i32
          %dma_start3A_36 = arith.constant 0 : i32
          %dma_start3A_37 = tpu.memref_slice %arg2[%arg1, %dma_start3A_34, %dma_start3A_35, %dma_start3A_36] : memref<16x20x16x128xi32, #tpu.memory_space<hbm>> -> memref<1x20x16x128xi32, #tpu.memory_space<hbm>>
          %dma_start3A_38 = tpu.memref_squeeze %dma_start3A_37 : memref<1x20x16x128xi32, #tpu.memory_space<hbm>> -> memref<20x16x128xi32, #tpu.memory_space<hbm>>
          %dma_start3A_39 = arith.constant 0 : i32
          %dma_start3A_40 = arith.constant 0 : i32
          %dma_start3A_41 = tpu.memref_slice %dma_start3A_38[%scan3A_18, %dma_start3A_39, %dma_start3A_40] : memref<20x16x128xi32, #tpu.memory_space<hbm>> -> memref<1x16x128xi32, #tpu.memory_space<hbm>>
          %dma_start3A_42 = tpu.memref_squeeze %dma_start3A_41 : memref<1x16x128xi32, #tpu.memory_space<hbm>> -> memref<16x128xi32, #tpu.memory_space<hbm>>
          tpu.enqueue_dma source(%dma_start3A_42 : memref<16x128xi32, #tpu.memory_space<hbm>>) target(%arg9 : memref<16x128xi32, #tpu.memory_space<vmem>>) target_semaphore(%run_scoped3A_25 : memref<!tpu.dma_semaphore, #tpu.memory_space<semaphore_mem>>)
          %dma_wait3A = arith.constant 0 : i32
          %dma_wait3A_43 = arith.constant 0 : i32
          %dma_wait3A_44 = arith.constant 0 : i32
          %dma_wait3A_45 = tpu.memref_slice %arg2[%arg1, %dma_wait3A, %dma_wait3A_43, %dma_wait3A_44] : memref<16x20x16x128xi32, #tpu.memory_space<hbm>> -> memref<1x20x16x128xi32, #tpu.memory_space<hbm>>
          %dma_wait3A_46 = tpu.memref_squeeze %dma_wait3A_45 : memref<1x20x16x128xi32, #tpu.memory_space<hbm>> -> memref<20x16x128xi32, #tpu.memory_space<hbm>>
          %dma_wait3A_47 = arith.constant 0 : i32
          %dma_wait3A_48 = arith.constant 0 : i32
          %dma_wait3A_49 = tpu.memref_slice %dma_wait3A_46[%scan3A_18, %dma_wait3A_47, %dma_wait3A_48] : memref<20x16x128xi32, #tpu.memory_space<hbm>> -> memref<1x16x128xi32, #tpu.memory_space<hbm>>
          %dma_wait3A_50 = tpu.memref_squeeze %dma_wait3A_49 : memref<1x16x128xi32, #tpu.memory_space<hbm>> -> memref<16x128xi32, #tpu.memory_space<hbm>>
          %dma_wait3A_51 = arith.constant 0 : i32
          %dma_wait3A_52 = arith.constant 0 : i32
          %dma_wait3A_53 = arith.constant 0 : i32
          %dma_wait3A_54 = tpu.memref_slice %arg2[%arg1, %dma_wait3A_51, %dma_wait3A_52, %dma_wait3A_53] : memref<16x20x16x128xi32, #tpu.memory_space<hbm>> -> memref<1x20x16x128xi32, #tpu.memory_space<hbm>>
          %dma_wait3A_55 = tpu.memref_squeeze %dma_wait3A_54 : memref<1x20x16x128xi32, #tpu.memory_space<hbm>> -> memref<20x16x128xi32, #tpu.memory_space<hbm>>
          %dma_wait3A_56 = arith.constant 0 : i32
          %dma_wait3A_57 = arith.constant 0 : i32
          %dma_wait3A_58 = tpu.memref_slice %dma_wait3A_55[%scan3A_18, %dma_wait3A_56, %dma_wait3A_57] : memref<20x16x128xi32, #tpu.memory_space<hbm>> -> memref<1x16x128xi32, #tpu.memory_space<hbm>>
          %dma_wait3A_59 = tpu.memref_squeeze %dma_wait3A_58 : memref<1x16x128xi32, #tpu.memory_space<hbm>> -> memref<16x128xi32, #tpu.memory_space<hbm>>
          tpu.wait_dma2 semaphore(%run_scoped3A_25 : memref<!tpu.dma_semaphore, #tpu.memory_space<semaphore_mem>>) src(%dma_wait3A_59 : memref<16x128xi32, #tpu.memory_space<hbm>>) dst(%arg9 : memref<16x128xi32, #tpu.memory_space<vmem>>)
          tpu.yield
        }) : () -> ()
        "tpu.region"() ({
          %run_scoped3A_25 = tpu.sem_alloc : memref<!tpu.dma_semaphore, #tpu.memory_space<semaphore_mem>>
          %dma_start3A = arith.constant 0 : i32
          %dma_start3A_26 = arith.constant 0 : i32
          %dma_start3A_27 = arith.constant 0 : i32
          %dma_start3A_28 = tpu.memref_slice %arg3[%arg1, %dma_start3A, %dma_start3A_26, %dma_start3A_27] : memref<16x20x16x128xi32, #tpu.memory_space<hbm>> -> memref<1x20x16x128xi32, #tpu.memory_space<hbm>>
          %dma_start3A_29 = tpu.memref_squeeze %dma_start3A_28 : memref<1x20x16x128xi32, #tpu.memory_space<hbm>> -> memref<20x16x128xi32, #tpu.memory_space<hbm>>
          %dma_start3A_30 = arith.constant 0 : i32
          %dma_start3A_31 = arith.constant 0 : i32
          %dma_start3A_32 = tpu.memref_slice %dma_start3A_29[%scan3A_18, %dma_start3A_30, %dma_start3A_31] : memref<20x16x128xi32, #tpu.memory_space<hbm>> -> memref<1x16x128xi32, #tpu.memory_space<hbm>>
          %dma_start3A_33 = tpu.memref_squeeze %dma_start3A_32 : memref<1x16x128xi32, #tpu.memory_space<hbm>> -> memref<16x128xi32, #tpu.memory_space<hbm>>
          %dma_start3A_34 = arith.constant 0 : i32
          %dma_start3A_35 = arith.constant 0 : i32
          %dma_start3A_36 = arith.constant 0 : i32
          %dma_start3A_37 = tpu.memref_slice %arg3[%arg1, %dma_start3A_34, %dma_start3A_35, %dma_start3A_36] : memref<16x20x16x128xi32, #tpu.memory_space<hbm>> -> memref<1x20x16x128xi32, #tpu.memory_space<hbm>>
          %dma_start3A_38 = tpu.memref_squeeze %dma_start3A_37 : memref<1x20x16x128xi32, #tpu.memory_space<hbm>> -> memref<20x16x128xi32, #tpu.memory_space<hbm>>
          %dma_start3A_39 = arith.constant 0 : i32
          %dma_start3A_40 = arith.constant 0 : i32
          %dma_start3A_41 = tpu.memref_slice %dma_start3A_38[%scan3A_18, %dma_start3A_39, %dma_start3A_40] : memref<20x16x128xi32, #tpu.memory_space<hbm>> -> memref<1x16x128xi32, #tpu.memory_space<hbm>>
          %dma_start3A_42 = tpu.memref_squeeze %dma_start3A_41 : memref<1x16x128xi32, #tpu.memory_space<hbm>> -> memref<16x128xi32, #tpu.memory_space<hbm>>
          tpu.enqueue_dma source(%dma_start3A_42 : memref<16x128xi32, #tpu.memory_space<hbm>>) target(%arg10 : memref<16x128xi32, #tpu.memory_space<vmem>>) target_semaphore(%run_scoped3A_25 : memref<!tpu.dma_semaphore, #tpu.memory_space<semaphore_mem>>)
          %dma_wait3A = arith.constant 0 : i32
          %dma_wait3A_43 = arith.constant 0 : i32
          %dma_wait3A_44 = arith.constant 0 : i32
          %dma_wait3A_45 = tpu.memref_slice %arg3[%arg1, %dma_wait3A, %dma_wait3A_43, %dma_wait3A_44] : memref<16x20x16x128xi32, #tpu.memory_space<hbm>> -> memref<1x20x16x128xi32, #tpu.memory_space<hbm>>
          %dma_wait3A_46 = tpu.memref_squeeze %dma_wait3A_45 : memref<1x20x16x128xi32, #tpu.memory_space<hbm>> -> memref<20x16x128xi32, #tpu.memory_space<hbm>>
          %dma_wait3A_47 = arith.constant 0 : i32
          %dma_wait3A_48 = arith.constant 0 : i32
          %dma_wait3A_49 = tpu.memref_slice %dma_wait3A_46[%scan3A_18, %dma_wait3A_47, %dma_wait3A_48] : memref<20x16x128xi32, #tpu.memory_space<hbm>> -> memref<1x16x128xi32, #tpu.memory_space<hbm>>
          %dma_wait3A_50 = tpu.memref_squeeze %dma_wait3A_49 : memref<1x16x128xi32, #tpu.memory_space<hbm>> -> memref<16x128xi32, #tpu.memory_space<hbm>>
          %dma_wait3A_51 = arith.constant 0 : i32
          %dma_wait3A_52 = arith.constant 0 : i32
          %dma_wait3A_53 = arith.constant 0 : i32
          %dma_wait3A_54 = tpu.memref_slice %arg3[%arg1, %dma_wait3A_51, %dma_wait3A_52, %dma_wait3A_53] : memref<16x20x16x128xi32, #tpu.memory_space<hbm>> -> memref<1x20x16x128xi32, #tpu.memory_space<hbm>>
          %dma_wait3A_55 = tpu.memref_squeeze %dma_wait3A_54 : memref<1x20x16x128xi32, #tpu.memory_space<hbm>> -> memref<20x16x128xi32, #tpu.memory_space<hbm>>
          %dma_wait3A_56 = arith.constant 0 : i32
          %dma_wait3A_57 = arith.constant 0 : i32
          %dma_wait3A_58 = tpu.memref_slice %dma_wait3A_55[%scan3A_18, %dma_wait3A_56, %dma_wait3A_57] : memref<20x16x128xi32, #tpu.memory_space<hbm>> -> memref<1x16x128xi32, #tpu.memory_space<hbm>>
          %dma_wait3A_59 = tpu.memref_squeeze %dma_wait3A_58 : memref<1x16x128xi32, #tpu.memory_space<hbm>> -> memref<16x128xi32, #tpu.memory_space<hbm>>
          tpu.wait_dma2 semaphore(%run_scoped3A_25 : memref<!tpu.dma_semaphore, #tpu.memory_space<semaphore_mem>>) src(%dma_wait3A_59 : memref<16x128xi32, #tpu.memory_space<hbm>>) dst(%arg10 : memref<16x128xi32, #tpu.memory_space<vmem>>)
          tpu.yield
        }) : () -> ()
        %scan3A_19 = arith.constant 0 : i32
        %scan3A_20 = arith.constant 0 : i32
        %scan3A_21 = arith.constant 16 : i32
        %scan3A_22 = arith.addi %scan3A_20, %scan3A_21 : i32
        %scan3A_23 = arith.constant 1 : i32
        scf.for %scan3A_25 = %scan3A_20 to %scan3A_22 step %scan3A_23  : i32 {
          "tpu.region"() ({
            %run_scoped3A_26 = tpu.sem_alloc : memref<!tpu.dma_semaphore, #tpu.memory_space<semaphore_mem>>
            %dma_start3A = arith.constant 0 : i32
            %dma_start3A_27 = tpu.memref_slice %arg9[%scan3A_25, %dma_start3A] : memref<16x128xi32, #tpu.memory_space<vmem>> -> memref<1x128xi32, #tpu.memory_space<vmem>>
            %dma_start3A_28 = tpu.memref_squeeze %dma_start3A_27 : memref<1x128xi32, #tpu.memory_space<vmem>> -> memref<128xi32, #tpu.memory_space<vmem>>
            %dma_start3A_29 = arith.constant 0 : i32
            %dma_start3A_30 = arith.constant 0 : i32
            %dma_start3A_31 = tpu.memref_slice %arg5[%dma_start3A_29, %dma_start3A_30] : memref<10000x48xf32, #tpu.memory_space<hbm>> -> memref<10000x48xf32, #tpu.memory_space<hbm>>
            tpu.enqueue_indirect_dma source(%dma_start3A_31 : memref<10000x48xf32, #tpu.memory_space<hbm>>) target(%arg11 : memref<128x48xf32, #tpu.memory_space<vmem>>) offsets(%dma_start3A_28 : memref<128xi32, #tpu.memory_space<vmem>>) semaphore(%run_scoped3A_26 : memref<!tpu.dma_semaphore, #tpu.memory_space<semaphore_mem>>)
            %dma_wait3A = arith.constant 0 : i32
            %dma_wait3A_32 = tpu.memref_slice %arg9[%scan3A_25, %dma_wait3A] : memref<16x128xi32, #tpu.memory_space<vmem>> -> memref<1x128xi32, #tpu.memory_space<vmem>>
            %dma_wait3A_33 = tpu.memref_squeeze %dma_wait3A_32 : memref<1x128xi32, #tpu.memory_space<vmem>> -> memref<128xi32, #tpu.memory_space<vmem>>
            %dma_wait3A_34 = arith.constant 0 : i32
            %dma_wait3A_35 = arith.constant 0 : i32
            %dma_wait3A_36 = tpu.memref_slice %arg5[%dma_wait3A_34, %dma_wait3A_35] : memref<10000x48xf32, #tpu.memory_space<hbm>> -> memref<10000x48xf32, #tpu.memory_space<hbm>>
            tpu.wait_indirect_dma semaphore(%run_scoped3A_26 : memref<!tpu.dma_semaphore, #tpu.memory_space<semaphore_mem>>) src(%dma_wait3A_36 : memref<10000x48xf32, #tpu.memory_space<hbm>>) dst(%arg11 : memref<128x48xf32, #tpu.memory_space<vmem>>)
            tpu.yield
          }) : () -> ()
          "tpu.region"() ({
            %run_scoped3A_26 = tpu.sem_alloc : memref<!tpu.dma_semaphore, #tpu.memory_space<semaphore_mem>>
            %dma_start3A = arith.constant 0 : i32
            %dma_start3A_27 = tpu.memref_slice %arg10[%scan3A_25, %dma_start3A] : memref<16x128xi32, #tpu.memory_space<vmem>> -> memref<1x128xi32, #tpu.memory_space<vmem>>
            %dma_start3A_28 = tpu.memref_squeeze %dma_start3A_27 : memref<1x128xi32, #tpu.memory_space<vmem>> -> memref<128xi32, #tpu.memory_space<vmem>>
            %dma_start3A_29 = arith.constant 0 : i32
            %dma_start3A_30 = arith.constant 0 : i32
            %dma_start3A_31 = tpu.memref_slice %arg8[%dma_start3A_29, %dma_start3A_30] : memref<40064x48xf32, #tpu.memory_space<vmem_shared>> -> memref<40064x48xf32, #tpu.memory_space<vmem_shared>>
            tpu.enqueue_indirect_dma source(%arg11 : memref<128x48xf32, #tpu.memory_space<vmem>>) target(%dma_start3A_31 : memref<40064x48xf32, #tpu.memory_space<vmem_shared>>) offsets(%dma_start3A_28 : memref<128xi32, #tpu.memory_space<vmem>>) semaphore(%run_scoped3A_26 : memref<!tpu.dma_semaphore, #tpu.memory_space<semaphore_mem>>) {add = true}
            %dma_wait3A = arith.constant 0 : i32
            %dma_wait3A_32 = tpu.memref_slice %arg10[%scan3A_25, %dma_wait3A] : memref<16x128xi32, #tpu.memory_space<vmem>> -> memref<1x128xi32, #tpu.memory_space<vmem>>
            %dma_wait3A_33 = tpu.memref_squeeze %dma_wait3A_32 : memref<1x128xi32, #tpu.memory_space<vmem>> -> memref<128xi32, #tpu.memory_space<vmem>>
            %dma_wait3A_34 = arith.constant 0 : i32
            %dma_wait3A_35 = arith.constant 0 : i32
            %dma_wait3A_36 = tpu.memref_slice %arg8[%dma_wait3A_34, %dma_wait3A_35] : memref<40064x48xf32, #tpu.memory_space<vmem_shared>> -> memref<40064x48xf32, #tpu.memory_space<vmem_shared>>
            tpu.wait_indirect_dma semaphore(%run_scoped3A_26 : memref<!tpu.dma_semaphore, #tpu.memory_space<semaphore_mem>>) src(%arg11 : memref<128x48xf32, #tpu.memory_space<vmem>>) dst(%dma_wait3A_36 : memref<40064x48xf32, #tpu.memory_space<vmem_shared>>)
            tpu.yield
          }) : () -> ()
        }
        %scan3A_24 = arith.constant 16 : i32
      }
      %scan3A_12 = arith.constant 20 : i32
      %barrier3A_13 = arith.constant 0 : index
      tpu.barrier barrier_id(%barrier3A_13)
      %mul3A_14 = arith.constant 2504 : i32
      %mul3A_15 = arith.muli %arg1, %mul3A_14 : i32
      %mul3A_16 = arith.constant 2504 : i32
      %mul3A_17 = arith.muli %arg1, %mul3A_16 : i32
      %run_scoped3A = arith.constant 1 : i32
      "tpu.region"() ({
        %run_scoped3A_18 = tpu.sem_alloc : memref<!tpu.dma_semaphore, #tpu.memory_space<semaphore_mem>>
        %dma_start3A = arith.constant 0 : i32
        %dma_start3A_19 = arith.constant 0 : i32
        %dma_start3A_20 = tpu.memref_slice %arg7[%run_scoped3A, %dma_start3A, %dma_start3A_19] : memref<2x40064x48xf32, #tpu.memory_space<hbm>> -> memref<1x40064x48xf32, #tpu.memory_space<hbm>>
        %dma_start3A_21 = tpu.memref_squeeze %dma_start3A_20 : memref<1x40064x48xf32, #tpu.memory_space<hbm>> -> memref<40064x48xf32, #tpu.memory_space<hbm>>
        %dma_start3A_22 = arith.constant 0 : i32
        %dma_start3A_23 = tpu.memref_slice %dma_start3A_21[%mul3A_17, %dma_start3A_22] : memref<40064x48xf32, #tpu.memory_space<hbm>> -> memref<2504x48xf32, #tpu.memory_space<hbm>>
        %dma_start3A_24 = arith.constant 0 : i32
        %dma_start3A_25 = tpu.memref_slice %arg8[%mul3A_15, %dma_start3A_24] : memref<40064x48xf32, #tpu.memory_space<vmem_shared>> -> memref<2504x48xf32, #tpu.memory_space<vmem_shared>>
        tpu.enqueue_dma source(%dma_start3A_25 : memref<2504x48xf32, #tpu.memory_space<vmem_shared>>) target(%dma_start3A_23 : memref<2504x48xf32, #tpu.memory_space<hbm>>) target_semaphore(%run_scoped3A_18 : memref<!tpu.dma_semaphore, #tpu.memory_space<semaphore_mem>>)
        %dma_wait3A = arith.constant 0 : i32
        %dma_wait3A_26 = arith.constant 0 : i32
        %dma_wait3A_27 = tpu.memref_slice %arg7[%run_scoped3A, %dma_wait3A, %dma_wait3A_26] : memref<2x40064x48xf32, #tpu.memory_space<hbm>> -> memref<1x40064x48xf32, #tpu.memory_space<hbm>>
        %dma_wait3A_28 = tpu.memref_squeeze %dma_wait3A_27 : memref<1x40064x48xf32, #tpu.memory_space<hbm>> -> memref<40064x48xf32, #tpu.memory_space<hbm>>
        %dma_wait3A_29 = arith.constant 0 : i32
        %dma_wait3A_30 = tpu.memref_slice %dma_wait3A_28[%mul3A_17, %dma_wait3A_29] : memref<40064x48xf32, #tpu.memory_space<hbm>> -> memref<2504x48xf32, #tpu.memory_space<hbm>>
        %dma_wait3A_31 = arith.constant 0 : i32
        %dma_wait3A_32 = tpu.memref_slice %arg8[%mul3A_15, %dma_wait3A_31] : memref<40064x48xf32, #tpu.memory_space<vmem_shared>> -> memref<2504x48xf32, #tpu.memory_space<vmem_shared>>
        tpu.wait_dma2 semaphore(%run_scoped3A_18 : memref<!tpu.dma_semaphore, #tpu.memory_space<semaphore_mem>>) src(%dma_wait3A_32 : memref<2504x48xf32, #tpu.memory_space<vmem_shared>>) dst(%dma_wait3A_30 : memref<2504x48xf32, #tpu.memory_space<hbm>>)
        tpu.yield
      }) : () -> ()
    } else {
    }
    return
  }
}

#map = affine_map<(d0, d1) -> (0, 0, 0, 0)>
#map1 = affine_map<(d0, d1) -> (0, 0)>
#map2 = affine_map<(d0, d1) -> (0, 0, 0)>
module attributes {stable_mosaic.version = 14 : i64} {
  func.func @body(%arg0: i32, %arg1: i32, %arg2: memref<16x20x16x128xi32, #tpu.memory_space<hbm>>, %arg3: memref<16x20x16x128xi32, #tpu.memory_space<hbm>>, %arg4: memref<10000x32xf32, #tpu.memory_space<hbm>>, %arg5: memref<10000x32xf32, #tpu.memory_space<hbm>>, %arg6: memref<10000x32xf32, #tpu.memory_space<hbm>>, %arg7: memref<10000x32xf32, #tpu.memory_space<hbm>>, %arg8: memref<2504x32xf32, #tpu.memory_space<hbm>>, %arg9: memref<4x40064x32xf32, #tpu.memory_space<hbm>>, %arg10: memref<40064x32xf32, #tpu.memory_space<vmem_shared>>, %arg11: memref<16x128xi32, #tpu.memory_space<vmem>>, %arg12: memref<16x128xi32, #tpu.memory_space<vmem>>, %arg13: memref<128x32xf32, #tpu.memory_space<vmem>>) attributes {dimension_semantics = [#tpu.dimension_semantics<core_parallel>, #tpu.dimension_semantics<subcore_parallel>], iteration_bounds = array<i64: 2, 16>, scalar_prefetch = 0 : i64, scratch_operands = 4 : i64, tpu.core_type = #tpu.core_type<sc_vector_subcore>, window_params = [{transform_indices = #map}, {transform_indices = #map}, {transform_indices = #map1}, {transform_indices = #map1}, {transform_indices = #map1}, {transform_indices = #map1}, {transform_indices = #map1}, {transform_indices = #map2}]} {
    %eq3A = arith.constant 0 : i32
    %eq3A_0 = arith.cmpi eq, %arg0, %eq3A : i32
    %convert_element_type3A = arith.extui %eq3A_0 : i1 to i32
    %cond3A = arith.constant 0 : i32
    %cond3A_1 = arith.cmpi ne, %convert_element_type3A, %cond3A : i32
    scf.if %cond3A_1 {
      %mul3A = arith.constant 2504 : i32
      %mul3A_17 = arith.muli %arg1, %mul3A : i32
      "tpu.region"() ({
        %run_scoped3A_28 = tpu.sem_alloc : memref<!tpu.dma_semaphore, #tpu.memory_space<semaphore_mem>>
        %dma_start3A = arith.constant 0 : i32
        %dma_start3A_29 = tpu.memref_slice %arg10[%mul3A_17, %dma_start3A] : memref<40064x32xf32, #tpu.memory_space<vmem_shared>> -> memref<2504x32xf32, #tpu.memory_space<vmem_shared>>
        tpu.enqueue_dma source(%arg8 : memref<2504x32xf32, #tpu.memory_space<hbm>>) target(%dma_start3A_29 : memref<2504x32xf32, #tpu.memory_space<vmem_shared>>) target_semaphore(%run_scoped3A_28 : memref<!tpu.dma_semaphore, #tpu.memory_space<semaphore_mem>>)
        %dma_wait3A = arith.constant 0 : i32
        %dma_wait3A_30 = tpu.memref_slice %arg10[%mul3A_17, %dma_wait3A] : memref<40064x32xf32, #tpu.memory_space<vmem_shared>> -> memref<2504x32xf32, #tpu.memory_space<vmem_shared>>
        tpu.wait_dma2 semaphore(%run_scoped3A_28 : memref<!tpu.dma_semaphore, #tpu.memory_space<semaphore_mem>>) src(%arg8 : memref<2504x32xf32, #tpu.memory_space<hbm>>) dst(%dma_wait3A_30 : memref<2504x32xf32, #tpu.memory_space<vmem_shared>>)
        tpu.yield
      }) : () -> ()
      %barrier3A = arith.constant 0 : index
      tpu.barrier barrier_id(%barrier3A)
      %scan3A = arith.constant 0 : i32
      %scan3A_18 = arith.constant 0 : i32
      %scan3A_19 = arith.constant 20 : i32
      %scan3A_20 = arith.addi %scan3A_18, %scan3A_19 : i32
      %scan3A_21 = arith.constant 1 : i32
      scf.for %scan3A_28 = %scan3A_18 to %scan3A_20 step %scan3A_21  : i32 {
        "tpu.region"() ({
          %run_scoped3A_35 = tpu.sem_alloc : memref<!tpu.dma_semaphore, #tpu.memory_space<semaphore_mem>>
          %dma_start3A = arith.constant 0 : i32
          %dma_start3A_36 = arith.constant 0 : i32
          %dma_start3A_37 = arith.constant 0 : i32
          %dma_start3A_38 = tpu.memref_slice %arg2[%arg1, %dma_start3A, %dma_start3A_36, %dma_start3A_37] : memref<16x20x16x128xi32, #tpu.memory_space<hbm>> -> memref<1x20x16x128xi32, #tpu.memory_space<hbm>>
          %dma_start3A_39 = tpu.memref_squeeze %dma_start3A_38 : memref<1x20x16x128xi32, #tpu.memory_space<hbm>> -> memref<20x16x128xi32, #tpu.memory_space<hbm>>
          %dma_start3A_40 = arith.constant 0 : i32
          %dma_start3A_41 = arith.constant 0 : i32
          %dma_start3A_42 = tpu.memref_slice %dma_start3A_39[%scan3A_28, %dma_start3A_40, %dma_start3A_41] : memref<20x16x128xi32, #tpu.memory_space<hbm>> -> memref<1x16x128xi32, #tpu.memory_space<hbm>>
          %dma_start3A_43 = tpu.memref_squeeze %dma_start3A_42 : memref<1x16x128xi32, #tpu.memory_space<hbm>> -> memref<16x128xi32, #tpu.memory_space<hbm>>
          %dma_start3A_44 = arith.constant 0 : i32
          %dma_start3A_45 = arith.constant 0 : i32
          %dma_start3A_46 = arith.constant 0 : i32
          %dma_start3A_47 = tpu.memref_slice %arg2[%arg1, %dma_start3A_44, %dma_start3A_45, %dma_start3A_46] : memref<16x20x16x128xi32, #tpu.memory_space<hbm>> -> memref<1x20x16x128xi32, #tpu.memory_space<hbm>>
          %dma_start3A_48 = tpu.memref_squeeze %dma_start3A_47 : memref<1x20x16x128xi32, #tpu.memory_space<hbm>> -> memref<20x16x128xi32, #tpu.memory_space<hbm>>
          %dma_start3A_49 = arith.constant 0 : i32
          %dma_start3A_50 = arith.constant 0 : i32
          %dma_start3A_51 = tpu.memref_slice %dma_start3A_48[%scan3A_28, %dma_start3A_49, %dma_start3A_50] : memref<20x16x128xi32, #tpu.memory_space<hbm>> -> memref<1x16x128xi32, #tpu.memory_space<hbm>>
          %dma_start3A_52 = tpu.memref_squeeze %dma_start3A_51 : memref<1x16x128xi32, #tpu.memory_space<hbm>> -> memref<16x128xi32, #tpu.memory_space<hbm>>
          tpu.enqueue_dma source(%dma_start3A_52 : memref<16x128xi32, #tpu.memory_space<hbm>>) target(%arg11 : memref<16x128xi32, #tpu.memory_space<vmem>>) target_semaphore(%run_scoped3A_35 : memref<!tpu.dma_semaphore, #tpu.memory_space<semaphore_mem>>)
          %dma_wait3A = arith.constant 0 : i32
          %dma_wait3A_53 = arith.constant 0 : i32
          %dma_wait3A_54 = arith.constant 0 : i32
          %dma_wait3A_55 = tpu.memref_slice %arg2[%arg1, %dma_wait3A, %dma_wait3A_53, %dma_wait3A_54] : memref<16x20x16x128xi32, #tpu.memory_space<hbm>> -> memref<1x20x16x128xi32, #tpu.memory_space<hbm>>
          %dma_wait3A_56 = tpu.memref_squeeze %dma_wait3A_55 : memref<1x20x16x128xi32, #tpu.memory_space<hbm>> -> memref<20x16x128xi32, #tpu.memory_space<hbm>>
          %dma_wait3A_57 = arith.constant 0 : i32
          %dma_wait3A_58 = arith.constant 0 : i32
          %dma_wait3A_59 = tpu.memref_slice %dma_wait3A_56[%scan3A_28, %dma_wait3A_57, %dma_wait3A_58] : memref<20x16x128xi32, #tpu.memory_space<hbm>> -> memref<1x16x128xi32, #tpu.memory_space<hbm>>
          %dma_wait3A_60 = tpu.memref_squeeze %dma_wait3A_59 : memref<1x16x128xi32, #tpu.memory_space<hbm>> -> memref<16x128xi32, #tpu.memory_space<hbm>>
          %dma_wait3A_61 = arith.constant 0 : i32
          %dma_wait3A_62 = arith.constant 0 : i32
          %dma_wait3A_63 = arith.constant 0 : i32
          %dma_wait3A_64 = tpu.memref_slice %arg2[%arg1, %dma_wait3A_61, %dma_wait3A_62, %dma_wait3A_63] : memref<16x20x16x128xi32, #tpu.memory_space<hbm>> -> memref<1x20x16x128xi32, #tpu.memory_space<hbm>>
          %dma_wait3A_65 = tpu.memref_squeeze %dma_wait3A_64 : memref<1x20x16x128xi32, #tpu.memory_space<hbm>> -> memref<20x16x128xi32, #tpu.memory_space<hbm>>
          %dma_wait3A_66 = arith.constant 0 : i32
          %dma_wait3A_67 = arith.constant 0 : i32
          %dma_wait3A_68 = tpu.memref_slice %dma_wait3A_65[%scan3A_28, %dma_wait3A_66, %dma_wait3A_67] : memref<20x16x128xi32, #tpu.memory_space<hbm>> -> memref<1x16x128xi32, #tpu.memory_space<hbm>>
          %dma_wait3A_69 = tpu.memref_squeeze %dma_wait3A_68 : memref<1x16x128xi32, #tpu.memory_space<hbm>> -> memref<16x128xi32, #tpu.memory_space<hbm>>
          tpu.wait_dma2 semaphore(%run_scoped3A_35 : memref<!tpu.dma_semaphore, #tpu.memory_space<semaphore_mem>>) src(%dma_wait3A_69 : memref<16x128xi32, #tpu.memory_space<hbm>>) dst(%arg11 : memref<16x128xi32, #tpu.memory_space<vmem>>)
          tpu.yield
        }) : () -> ()
        "tpu.region"() ({
          %run_scoped3A_35 = tpu.sem_alloc : memref<!tpu.dma_semaphore, #tpu.memory_space<semaphore_mem>>
          %dma_start3A = arith.constant 0 : i32
          %dma_start3A_36 = arith.constant 0 : i32
          %dma_start3A_37 = arith.constant 0 : i32
          %dma_start3A_38 = tpu.memref_slice %arg3[%arg1, %dma_start3A, %dma_start3A_36, %dma_start3A_37] : memref<16x20x16x128xi32, #tpu.memory_space<hbm>> -> memref<1x20x16x128xi32, #tpu.memory_space<hbm>>
          %dma_start3A_39 = tpu.memref_squeeze %dma_start3A_38 : memref<1x20x16x128xi32, #tpu.memory_space<hbm>> -> memref<20x16x128xi32, #tpu.memory_space<hbm>>
          %dma_start3A_40 = arith.constant 0 : i32
          %dma_start3A_41 = arith.constant 0 : i32
          %dma_start3A_42 = tpu.memref_slice %dma_start3A_39[%scan3A_28, %dma_start3A_40, %dma_start3A_41] : memref<20x16x128xi32, #tpu.memory_space<hbm>> -> memref<1x16x128xi32, #tpu.memory_space<hbm>>
          %dma_start3A_43 = tpu.memref_squeeze %dma_start3A_42 : memref<1x16x128xi32, #tpu.memory_space<hbm>> -> memref<16x128xi32, #tpu.memory_space<hbm>>
          %dma_start3A_44 = arith.constant 0 : i32
          %dma_start3A_45 = arith.constant 0 : i32
          %dma_start3A_46 = arith.constant 0 : i32
          %dma_start3A_47 = tpu.memref_slice %arg3[%arg1, %dma_start3A_44, %dma_start3A_45, %dma_start3A_46] : memref<16x20x16x128xi32, #tpu.memory_space<hbm>> -> memref<1x20x16x128xi32, #tpu.memory_space<hbm>>
          %dma_start3A_48 = tpu.memref_squeeze %dma_start3A_47 : memref<1x20x16x128xi32, #tpu.memory_space<hbm>> -> memref<20x16x128xi32, #tpu.memory_space<hbm>>
          %dma_start3A_49 = arith.constant 0 : i32
          %dma_start3A_50 = arith.constant 0 : i32
          %dma_start3A_51 = tpu.memref_slice %dma_start3A_48[%scan3A_28, %dma_start3A_49, %dma_start3A_50] : memref<20x16x128xi32, #tpu.memory_space<hbm>> -> memref<1x16x128xi32, #tpu.memory_space<hbm>>
          %dma_start3A_52 = tpu.memref_squeeze %dma_start3A_51 : memref<1x16x128xi32, #tpu.memory_space<hbm>> -> memref<16x128xi32, #tpu.memory_space<hbm>>
          tpu.enqueue_dma source(%dma_start3A_52 : memref<16x128xi32, #tpu.memory_space<hbm>>) target(%arg12 : memref<16x128xi32, #tpu.memory_space<vmem>>) target_semaphore(%run_scoped3A_35 : memref<!tpu.dma_semaphore, #tpu.memory_space<semaphore_mem>>)
          %dma_wait3A = arith.constant 0 : i32
          %dma_wait3A_53 = arith.constant 0 : i32
          %dma_wait3A_54 = arith.constant 0 : i32
          %dma_wait3A_55 = tpu.memref_slice %arg3[%arg1, %dma_wait3A, %dma_wait3A_53, %dma_wait3A_54] : memref<16x20x16x128xi32, #tpu.memory_space<hbm>> -> memref<1x20x16x128xi32, #tpu.memory_space<hbm>>
          %dma_wait3A_56 = tpu.memref_squeeze %dma_wait3A_55 : memref<1x20x16x128xi32, #tpu.memory_space<hbm>> -> memref<20x16x128xi32, #tpu.memory_space<hbm>>
          %dma_wait3A_57 = arith.constant 0 : i32
          %dma_wait3A_58 = arith.constant 0 : i32
          %dma_wait3A_59 = tpu.memref_slice %dma_wait3A_56[%scan3A_28, %dma_wait3A_57, %dma_wait3A_58] : memref<20x16x128xi32, #tpu.memory_space<hbm>> -> memref<1x16x128xi32, #tpu.memory_space<hbm>>
          %dma_wait3A_60 = tpu.memref_squeeze %dma_wait3A_59 : memref<1x16x128xi32, #tpu.memory_space<hbm>> -> memref<16x128xi32, #tpu.memory_space<hbm>>
          %dma_wait3A_61 = arith.constant 0 : i32
          %dma_wait3A_62 = arith.constant 0 : i32
          %dma_wait3A_63 = arith.constant 0 : i32
          %dma_wait3A_64 = tpu.memref_slice %arg3[%arg1, %dma_wait3A_61, %dma_wait3A_62, %dma_wait3A_63] : memref<16x20x16x128xi32, #tpu.memory_space<hbm>> -> memref<1x20x16x128xi32, #tpu.memory_space<hbm>>
          %dma_wait3A_65 = tpu.memref_squeeze %dma_wait3A_64 : memref<1x20x16x128xi32, #tpu.memory_space<hbm>> -> memref<20x16x128xi32, #tpu.memory_space<hbm>>
          %dma_wait3A_66 = arith.constant 0 : i32
          %dma_wait3A_67 = arith.constant 0 : i32
          %dma_wait3A_68 = tpu.memref_slice %dma_wait3A_65[%scan3A_28, %dma_wait3A_66, %dma_wait3A_67] : memref<20x16x128xi32, #tpu.memory_space<hbm>> -> memref<1x16x128xi32, #tpu.memory_space<hbm>>
          %dma_wait3A_69 = tpu.memref_squeeze %dma_wait3A_68 : memref<1x16x128xi32, #tpu.memory_space<hbm>> -> memref<16x128xi32, #tpu.memory_space<hbm>>
          tpu.wait_dma2 semaphore(%run_scoped3A_35 : memref<!tpu.dma_semaphore, #tpu.memory_space<semaphore_mem>>) src(%dma_wait3A_69 : memref<16x128xi32, #tpu.memory_space<hbm>>) dst(%arg12 : memref<16x128xi32, #tpu.memory_space<vmem>>)
          tpu.yield
        }) : () -> ()
        %scan3A_29 = arith.constant 0 : i32
        %scan3A_30 = arith.constant 0 : i32
        %scan3A_31 = arith.constant 16 : i32
        %scan3A_32 = arith.addi %scan3A_30, %scan3A_31 : i32
        %scan3A_33 = arith.constant 1 : i32
        scf.for %scan3A_35 = %scan3A_30 to %scan3A_32 step %scan3A_33  : i32 {
          "tpu.region"() ({
            %run_scoped3A_36 = tpu.sem_alloc : memref<!tpu.dma_semaphore, #tpu.memory_space<semaphore_mem>>
            %dma_start3A = arith.constant 0 : i32
            %dma_start3A_37 = tpu.memref_slice %arg11[%scan3A_35, %dma_start3A] : memref<16x128xi32, #tpu.memory_space<vmem>> -> memref<1x128xi32, #tpu.memory_space<vmem>>
            %dma_start3A_38 = tpu.memref_squeeze %dma_start3A_37 : memref<1x128xi32, #tpu.memory_space<vmem>> -> memref<128xi32, #tpu.memory_space<vmem>>
            %dma_start3A_39 = arith.constant 0 : i32
            %dma_start3A_40 = arith.constant 0 : i32
            %dma_start3A_41 = tpu.memref_slice %arg4[%dma_start3A_39, %dma_start3A_40] : memref<10000x32xf32, #tpu.memory_space<hbm>> -> memref<10000x32xf32, #tpu.memory_space<hbm>>
            tpu.enqueue_indirect_dma source(%dma_start3A_41 : memref<10000x32xf32, #tpu.memory_space<hbm>>) target(%arg13 : memref<128x32xf32, #tpu.memory_space<vmem>>) offsets(%dma_start3A_38 : memref<128xi32, #tpu.memory_space<vmem>>) semaphore(%run_scoped3A_36 : memref<!tpu.dma_semaphore, #tpu.memory_space<semaphore_mem>>)
            %dma_wait3A = arith.constant 0 : i32
            %dma_wait3A_42 = tpu.memref_slice %arg11[%scan3A_35, %dma_wait3A] : memref<16x128xi32, #tpu.memory_space<vmem>> -> memref<1x128xi32, #tpu.memory_space<vmem>>
            %dma_wait3A_43 = tpu.memref_squeeze %dma_wait3A_42 : memref<1x128xi32, #tpu.memory_space<vmem>> -> memref<128xi32, #tpu.memory_space<vmem>>
            %dma_wait3A_44 = arith.constant 0 : i32
            %dma_wait3A_45 = arith.constant 0 : i32
            %dma_wait3A_46 = tpu.memref_slice %arg4[%dma_wait3A_44, %dma_wait3A_45] : memref<10000x32xf32, #tpu.memory_space<hbm>> -> memref<10000x32xf32, #tpu.memory_space<hbm>>
            tpu.wait_indirect_dma semaphore(%run_scoped3A_36 : memref<!tpu.dma_semaphore, #tpu.memory_space<semaphore_mem>>) src(%dma_wait3A_46 : memref<10000x32xf32, #tpu.memory_space<hbm>>) dst(%arg13 : memref<128x32xf32, #tpu.memory_space<vmem>>)
            tpu.yield
          }) : () -> ()
          "tpu.region"() ({
            %run_scoped3A_36 = tpu.sem_alloc : memref<!tpu.dma_semaphore, #tpu.memory_space<semaphore_mem>>
            %dma_start3A = arith.constant 0 : i32
            %dma_start3A_37 = tpu.memref_slice %arg12[%scan3A_35, %dma_start3A] : memref<16x128xi32, #tpu.memory_space<vmem>> -> memref<1x128xi32, #tpu.memory_space<vmem>>
            %dma_start3A_38 = tpu.memref_squeeze %dma_start3A_37 : memref<1x128xi32, #tpu.memory_space<vmem>> -> memref<128xi32, #tpu.memory_space<vmem>>
            %dma_start3A_39 = arith.constant 0 : i32
            %dma_start3A_40 = arith.constant 0 : i32
            %dma_start3A_41 = tpu.memref_slice %arg10[%dma_start3A_39, %dma_start3A_40] : memref<40064x32xf32, #tpu.memory_space<vmem_shared>> -> memref<40064x32xf32, #tpu.memory_space<vmem_shared>>
            tpu.enqueue_indirect_dma source(%arg13 : memref<128x32xf32, #tpu.memory_space<vmem>>) target(%dma_start3A_41 : memref<40064x32xf32, #tpu.memory_space<vmem_shared>>) offsets(%dma_start3A_38 : memref<128xi32, #tpu.memory_space<vmem>>) semaphore(%run_scoped3A_36 : memref<!tpu.dma_semaphore, #tpu.memory_space<semaphore_mem>>) {add = true}
            %dma_wait3A = arith.constant 0 : i32
            %dma_wait3A_42 = tpu.memref_slice %arg12[%scan3A_35, %dma_wait3A] : memref<16x128xi32, #tpu.memory_space<vmem>> -> memref<1x128xi32, #tpu.memory_space<vmem>>
            %dma_wait3A_43 = tpu.memref_squeeze %dma_wait3A_42 : memref<1x128xi32, #tpu.memory_space<vmem>> -> memref<128xi32, #tpu.memory_space<vmem>>
            %dma_wait3A_44 = arith.constant 0 : i32
            %dma_wait3A_45 = arith.constant 0 : i32
            %dma_wait3A_46 = tpu.memref_slice %arg10[%dma_wait3A_44, %dma_wait3A_45] : memref<40064x32xf32, #tpu.memory_space<vmem_shared>> -> memref<40064x32xf32, #tpu.memory_space<vmem_shared>>
            tpu.wait_indirect_dma semaphore(%run_scoped3A_36 : memref<!tpu.dma_semaphore, #tpu.memory_space<semaphore_mem>>) src(%arg13 : memref<128x32xf32, #tpu.memory_space<vmem>>) dst(%dma_wait3A_46 : memref<40064x32xf32, #tpu.memory_space<vmem_shared>>)
            tpu.yield
          }) : () -> ()
        }
        %scan3A_34 = arith.constant 16 : i32
      }
      %scan3A_22 = arith.constant 20 : i32
      %barrier3A_23 = arith.constant 0 : index
      tpu.barrier barrier_id(%barrier3A_23)
      %mul3A_24 = arith.constant 2504 : i32
      %mul3A_25 = arith.muli %arg1, %mul3A_24 : i32
      %mul3A_26 = arith.constant 2504 : i32
      %mul3A_27 = arith.muli %arg1, %mul3A_26 : i32
      %run_scoped3A = arith.constant 0 : i32
      "tpu.region"() ({
        %run_scoped3A_28 = tpu.sem_alloc : memref<!tpu.dma_semaphore, #tpu.memory_space<semaphore_mem>>
        %dma_start3A = arith.constant 0 : i32
        %dma_start3A_29 = arith.constant 0 : i32
        %dma_start3A_30 = tpu.memref_slice %arg9[%run_scoped3A, %dma_start3A, %dma_start3A_29] : memref<4x40064x32xf32, #tpu.memory_space<hbm>> -> memref<1x40064x32xf32, #tpu.memory_space<hbm>>
        %dma_start3A_31 = tpu.memref_squeeze %dma_start3A_30 : memref<1x40064x32xf32, #tpu.memory_space<hbm>> -> memref<40064x32xf32, #tpu.memory_space<hbm>>
        %dma_start3A_32 = arith.constant 0 : i32
        %dma_start3A_33 = tpu.memref_slice %dma_start3A_31[%mul3A_27, %dma_start3A_32] : memref<40064x32xf32, #tpu.memory_space<hbm>> -> memref<2504x32xf32, #tpu.memory_space<hbm>>
        %dma_start3A_34 = arith.constant 0 : i32
        %dma_start3A_35 = tpu.memref_slice %arg10[%mul3A_25, %dma_start3A_34] : memref<40064x32xf32, #tpu.memory_space<vmem_shared>> -> memref<2504x32xf32, #tpu.memory_space<vmem_shared>>
        tpu.enqueue_dma source(%dma_start3A_35 : memref<2504x32xf32, #tpu.memory_space<vmem_shared>>) target(%dma_start3A_33 : memref<2504x32xf32, #tpu.memory_space<hbm>>) target_semaphore(%run_scoped3A_28 : memref<!tpu.dma_semaphore, #tpu.memory_space<semaphore_mem>>)
        %dma_wait3A = arith.constant 0 : i32
        %dma_wait3A_36 = arith.constant 0 : i32
        %dma_wait3A_37 = tpu.memref_slice %arg9[%run_scoped3A, %dma_wait3A, %dma_wait3A_36] : memref<4x40064x32xf32, #tpu.memory_space<hbm>> -> memref<1x40064x32xf32, #tpu.memory_space<hbm>>
        %dma_wait3A_38 = tpu.memref_squeeze %dma_wait3A_37 : memref<1x40064x32xf32, #tpu.memory_space<hbm>> -> memref<40064x32xf32, #tpu.memory_space<hbm>>
        %dma_wait3A_39 = arith.constant 0 : i32
        %dma_wait3A_40 = tpu.memref_slice %dma_wait3A_38[%mul3A_27, %dma_wait3A_39] : memref<40064x32xf32, #tpu.memory_space<hbm>> -> memref<2504x32xf32, #tpu.memory_space<hbm>>
        %dma_wait3A_41 = arith.constant 0 : i32
        %dma_wait3A_42 = tpu.memref_slice %arg10[%mul3A_25, %dma_wait3A_41] : memref<40064x32xf32, #tpu.memory_space<vmem_shared>> -> memref<2504x32xf32, #tpu.memory_space<vmem_shared>>
        tpu.wait_dma2 semaphore(%run_scoped3A_28 : memref<!tpu.dma_semaphore, #tpu.memory_space<semaphore_mem>>) src(%dma_wait3A_42 : memref<2504x32xf32, #tpu.memory_space<vmem_shared>>) dst(%dma_wait3A_40 : memref<2504x32xf32, #tpu.memory_space<hbm>>)
        tpu.yield
      }) : () -> ()
    } else {
    }
    %eq3A_2 = arith.constant 1 : i32
    %eq3A_3 = arith.cmpi eq, %arg0, %eq3A_2 : i32
    %convert_element_type3A_4 = arith.extui %eq3A_3 : i1 to i32
    %cond3A_5 = arith.constant 0 : i32
    %cond3A_6 = arith.cmpi ne, %convert_element_type3A_4, %cond3A_5 : i32
    scf.if %cond3A_6 {
      %mul3A = arith.constant 2504 : i32
      %mul3A_17 = arith.muli %arg1, %mul3A : i32
      "tpu.region"() ({
        %run_scoped3A_28 = tpu.sem_alloc : memref<!tpu.dma_semaphore, #tpu.memory_space<semaphore_mem>>
        %dma_start3A = arith.constant 0 : i32
        %dma_start3A_29 = tpu.memref_slice %arg10[%mul3A_17, %dma_start3A] : memref<40064x32xf32, #tpu.memory_space<vmem_shared>> -> memref<2504x32xf32, #tpu.memory_space<vmem_shared>>
        tpu.enqueue_dma source(%arg8 : memref<2504x32xf32, #tpu.memory_space<hbm>>) target(%dma_start3A_29 : memref<2504x32xf32, #tpu.memory_space<vmem_shared>>) target_semaphore(%run_scoped3A_28 : memref<!tpu.dma_semaphore, #tpu.memory_space<semaphore_mem>>)
        %dma_wait3A = arith.constant 0 : i32
        %dma_wait3A_30 = tpu.memref_slice %arg10[%mul3A_17, %dma_wait3A] : memref<40064x32xf32, #tpu.memory_space<vmem_shared>> -> memref<2504x32xf32, #tpu.memory_space<vmem_shared>>
        tpu.wait_dma2 semaphore(%run_scoped3A_28 : memref<!tpu.dma_semaphore, #tpu.memory_space<semaphore_mem>>) src(%arg8 : memref<2504x32xf32, #tpu.memory_space<hbm>>) dst(%dma_wait3A_30 : memref<2504x32xf32, #tpu.memory_space<vmem_shared>>)
        tpu.yield
      }) : () -> ()
      %barrier3A = arith.constant 0 : index
      tpu.barrier barrier_id(%barrier3A)
      %scan3A = arith.constant 0 : i32
      %scan3A_18 = arith.constant 0 : i32
      %scan3A_19 = arith.constant 20 : i32
      %scan3A_20 = arith.addi %scan3A_18, %scan3A_19 : i32
      %scan3A_21 = arith.constant 1 : i32
      scf.for %scan3A_28 = %scan3A_18 to %scan3A_20 step %scan3A_21  : i32 {
        "tpu.region"() ({
          %run_scoped3A_35 = tpu.sem_alloc : memref<!tpu.dma_semaphore, #tpu.memory_space<semaphore_mem>>
          %dma_start3A = arith.constant 0 : i32
          %dma_start3A_36 = arith.constant 0 : i32
          %dma_start3A_37 = arith.constant 0 : i32
          %dma_start3A_38 = tpu.memref_slice %arg2[%arg1, %dma_start3A, %dma_start3A_36, %dma_start3A_37] : memref<16x20x16x128xi32, #tpu.memory_space<hbm>> -> memref<1x20x16x128xi32, #tpu.memory_space<hbm>>
          %dma_start3A_39 = tpu.memref_squeeze %dma_start3A_38 : memref<1x20x16x128xi32, #tpu.memory_space<hbm>> -> memref<20x16x128xi32, #tpu.memory_space<hbm>>
          %dma_start3A_40 = arith.constant 0 : i32
          %dma_start3A_41 = arith.constant 0 : i32
          %dma_start3A_42 = tpu.memref_slice %dma_start3A_39[%scan3A_28, %dma_start3A_40, %dma_start3A_41] : memref<20x16x128xi32, #tpu.memory_space<hbm>> -> memref<1x16x128xi32, #tpu.memory_space<hbm>>
          %dma_start3A_43 = tpu.memref_squeeze %dma_start3A_42 : memref<1x16x128xi32, #tpu.memory_space<hbm>> -> memref<16x128xi32, #tpu.memory_space<hbm>>
          %dma_start3A_44 = arith.constant 0 : i32
          %dma_start3A_45 = arith.constant 0 : i32
          %dma_start3A_46 = arith.constant 0 : i32
          %dma_start3A_47 = tpu.memref_slice %arg2[%arg1, %dma_start3A_44, %dma_start3A_45, %dma_start3A_46] : memref<16x20x16x128xi32, #tpu.memory_space<hbm>> -> memref<1x20x16x128xi32, #tpu.memory_space<hbm>>
          %dma_start3A_48 = tpu.memref_squeeze %dma_start3A_47 : memref<1x20x16x128xi32, #tpu.memory_space<hbm>> -> memref<20x16x128xi32, #tpu.memory_space<hbm>>
          %dma_start3A_49 = arith.constant 0 : i32
          %dma_start3A_50 = arith.constant 0 : i32
          %dma_start3A_51 = tpu.memref_slice %dma_start3A_48[%scan3A_28, %dma_start3A_49, %dma_start3A_50] : memref<20x16x128xi32, #tpu.memory_space<hbm>> -> memref<1x16x128xi32, #tpu.memory_space<hbm>>
          %dma_start3A_52 = tpu.memref_squeeze %dma_start3A_51 : memref<1x16x128xi32, #tpu.memory_space<hbm>> -> memref<16x128xi32, #tpu.memory_space<hbm>>
          tpu.enqueue_dma source(%dma_start3A_52 : memref<16x128xi32, #tpu.memory_space<hbm>>) target(%arg11 : memref<16x128xi32, #tpu.memory_space<vmem>>) target_semaphore(%run_scoped3A_35 : memref<!tpu.dma_semaphore, #tpu.memory_space<semaphore_mem>>)
          %dma_wait3A = arith.constant 0 : i32
          %dma_wait3A_53 = arith.constant 0 : i32
          %dma_wait3A_54 = arith.constant 0 : i32
          %dma_wait3A_55 = tpu.memref_slice %arg2[%arg1, %dma_wait3A, %dma_wait3A_53, %dma_wait3A_54] : memref<16x20x16x128xi32, #tpu.memory_space<hbm>> -> memref<1x20x16x128xi32, #tpu.memory_space<hbm>>
          %dma_wait3A_56 = tpu.memref_squeeze %dma_wait3A_55 : memref<1x20x16x128xi32, #tpu.memory_space<hbm>> -> memref<20x16x128xi32, #tpu.memory_space<hbm>>
          %dma_wait3A_57 = arith.constant 0 : i32
          %dma_wait3A_58 = arith.constant 0 : i32
          %dma_wait3A_59 = tpu.memref_slice %dma_wait3A_56[%scan3A_28, %dma_wait3A_57, %dma_wait3A_58] : memref<20x16x128xi32, #tpu.memory_space<hbm>> -> memref<1x16x128xi32, #tpu.memory_space<hbm>>
          %dma_wait3A_60 = tpu.memref_squeeze %dma_wait3A_59 : memref<1x16x128xi32, #tpu.memory_space<hbm>> -> memref<16x128xi32, #tpu.memory_space<hbm>>
          %dma_wait3A_61 = arith.constant 0 : i32
          %dma_wait3A_62 = arith.constant 0 : i32
          %dma_wait3A_63 = arith.constant 0 : i32
          %dma_wait3A_64 = tpu.memref_slice %arg2[%arg1, %dma_wait3A_61, %dma_wait3A_62, %dma_wait3A_63] : memref<16x20x16x128xi32, #tpu.memory_space<hbm>> -> memref<1x20x16x128xi32, #tpu.memory_space<hbm>>
          %dma_wait3A_65 = tpu.memref_squeeze %dma_wait3A_64 : memref<1x20x16x128xi32, #tpu.memory_space<hbm>> -> memref<20x16x128xi32, #tpu.memory_space<hbm>>
          %dma_wait3A_66 = arith.constant 0 : i32
          %dma_wait3A_67 = arith.constant 0 : i32
          %dma_wait3A_68 = tpu.memref_slice %dma_wait3A_65[%scan3A_28, %dma_wait3A_66, %dma_wait3A_67] : memref<20x16x128xi32, #tpu.memory_space<hbm>> -> memref<1x16x128xi32, #tpu.memory_space<hbm>>
          %dma_wait3A_69 = tpu.memref_squeeze %dma_wait3A_68 : memref<1x16x128xi32, #tpu.memory_space<hbm>> -> memref<16x128xi32, #tpu.memory_space<hbm>>
          tpu.wait_dma2 semaphore(%run_scoped3A_35 : memref<!tpu.dma_semaphore, #tpu.memory_space<semaphore_mem>>) src(%dma_wait3A_69 : memref<16x128xi32, #tpu.memory_space<hbm>>) dst(%arg11 : memref<16x128xi32, #tpu.memory_space<vmem>>)
          tpu.yield
        }) : () -> ()
        "tpu.region"() ({
          %run_scoped3A_35 = tpu.sem_alloc : memref<!tpu.dma_semaphore, #tpu.memory_space<semaphore_mem>>
          %dma_start3A = arith.constant 0 : i32
          %dma_start3A_36 = arith.constant 0 : i32
          %dma_start3A_37 = arith.constant 0 : i32
          %dma_start3A_38 = tpu.memref_slice %arg3[%arg1, %dma_start3A, %dma_start3A_36, %dma_start3A_37] : memref<16x20x16x128xi32, #tpu.memory_space<hbm>> -> memref<1x20x16x128xi32, #tpu.memory_space<hbm>>
          %dma_start3A_39 = tpu.memref_squeeze %dma_start3A_38 : memref<1x20x16x128xi32, #tpu.memory_space<hbm>> -> memref<20x16x128xi32, #tpu.memory_space<hbm>>
          %dma_start3A_40 = arith.constant 0 : i32
          %dma_start3A_41 = arith.constant 0 : i32
          %dma_start3A_42 = tpu.memref_slice %dma_start3A_39[%scan3A_28, %dma_start3A_40, %dma_start3A_41] : memref<20x16x128xi32, #tpu.memory_space<hbm>> -> memref<1x16x128xi32, #tpu.memory_space<hbm>>
          %dma_start3A_43 = tpu.memref_squeeze %dma_start3A_42 : memref<1x16x128xi32, #tpu.memory_space<hbm>> -> memref<16x128xi32, #tpu.memory_space<hbm>>
          %dma_start3A_44 = arith.constant 0 : i32
          %dma_start3A_45 = arith.constant 0 : i32
          %dma_start3A_46 = arith.constant 0 : i32
          %dma_start3A_47 = tpu.memref_slice %arg3[%arg1, %dma_start3A_44, %dma_start3A_45, %dma_start3A_46] : memref<16x20x16x128xi32, #tpu.memory_space<hbm>> -> memref<1x20x16x128xi32, #tpu.memory_space<hbm>>
          %dma_start3A_48 = tpu.memref_squeeze %dma_start3A_47 : memref<1x20x16x128xi32, #tpu.memory_space<hbm>> -> memref<20x16x128xi32, #tpu.memory_space<hbm>>
          %dma_start3A_49 = arith.constant 0 : i32
          %dma_start3A_50 = arith.constant 0 : i32
          %dma_start3A_51 = tpu.memref_slice %dma_start3A_48[%scan3A_28, %dma_start3A_49, %dma_start3A_50] : memref<20x16x128xi32, #tpu.memory_space<hbm>> -> memref<1x16x128xi32, #tpu.memory_space<hbm>>
          %dma_start3A_52 = tpu.memref_squeeze %dma_start3A_51 : memref<1x16x128xi32, #tpu.memory_space<hbm>> -> memref<16x128xi32, #tpu.memory_space<hbm>>
          tpu.enqueue_dma source(%dma_start3A_52 : memref<16x128xi32, #tpu.memory_space<hbm>>) target(%arg12 : memref<16x128xi32, #tpu.memory_space<vmem>>) target_semaphore(%run_scoped3A_35 : memref<!tpu.dma_semaphore, #tpu.memory_space<semaphore_mem>>)
          %dma_wait3A = arith.constant 0 : i32
          %dma_wait3A_53 = arith.constant 0 : i32
          %dma_wait3A_54 = arith.constant 0 : i32
          %dma_wait3A_55 = tpu.memref_slice %arg3[%arg1, %dma_wait3A, %dma_wait3A_53, %dma_wait3A_54] : memref<16x20x16x128xi32, #tpu.memory_space<hbm>> -> memref<1x20x16x128xi32, #tpu.memory_space<hbm>>
          %dma_wait3A_56 = tpu.memref_squeeze %dma_wait3A_55 : memref<1x20x16x128xi32, #tpu.memory_space<hbm>> -> memref<20x16x128xi32, #tpu.memory_space<hbm>>
          %dma_wait3A_57 = arith.constant 0 : i32
          %dma_wait3A_58 = arith.constant 0 : i32
          %dma_wait3A_59 = tpu.memref_slice %dma_wait3A_56[%scan3A_28, %dma_wait3A_57, %dma_wait3A_58] : memref<20x16x128xi32, #tpu.memory_space<hbm>> -> memref<1x16x128xi32, #tpu.memory_space<hbm>>
          %dma_wait3A_60 = tpu.memref_squeeze %dma_wait3A_59 : memref<1x16x128xi32, #tpu.memory_space<hbm>> -> memref<16x128xi32, #tpu.memory_space<hbm>>
          %dma_wait3A_61 = arith.constant 0 : i32
          %dma_wait3A_62 = arith.constant 0 : i32
          %dma_wait3A_63 = arith.constant 0 : i32
          %dma_wait3A_64 = tpu.memref_slice %arg3[%arg1, %dma_wait3A_61, %dma_wait3A_62, %dma_wait3A_63] : memref<16x20x16x128xi32, #tpu.memory_space<hbm>> -> memref<1x20x16x128xi32, #tpu.memory_space<hbm>>
          %dma_wait3A_65 = tpu.memref_squeeze %dma_wait3A_64 : memref<1x20x16x128xi32, #tpu.memory_space<hbm>> -> memref<20x16x128xi32, #tpu.memory_space<hbm>>
          %dma_wait3A_66 = arith.constant 0 : i32
          %dma_wait3A_67 = arith.constant 0 : i32
          %dma_wait3A_68 = tpu.memref_slice %dma_wait3A_65[%scan3A_28, %dma_wait3A_66, %dma_wait3A_67] : memref<20x16x128xi32, #tpu.memory_space<hbm>> -> memref<1x16x128xi32, #tpu.memory_space<hbm>>
          %dma_wait3A_69 = tpu.memref_squeeze %dma_wait3A_68 : memref<1x16x128xi32, #tpu.memory_space<hbm>> -> memref<16x128xi32, #tpu.memory_space<hbm>>
          tpu.wait_dma2 semaphore(%run_scoped3A_35 : memref<!tpu.dma_semaphore, #tpu.memory_space<semaphore_mem>>) src(%dma_wait3A_69 : memref<16x128xi32, #tpu.memory_space<hbm>>) dst(%arg12 : memref<16x128xi32, #tpu.memory_space<vmem>>)
          tpu.yield
        }) : () -> ()
        %scan3A_29 = arith.constant 0 : i32
        %scan3A_30 = arith.constant 0 : i32
        %scan3A_31 = arith.constant 16 : i32
        %scan3A_32 = arith.addi %scan3A_30, %scan3A_31 : i32
        %scan3A_33 = arith.constant 1 : i32
        scf.for %scan3A_35 = %scan3A_30 to %scan3A_32 step %scan3A_33  : i32 {
          "tpu.region"() ({
            %run_scoped3A_36 = tpu.sem_alloc : memref<!tpu.dma_semaphore, #tpu.memory_space<semaphore_mem>>
            %dma_start3A = arith.constant 0 : i32
            %dma_start3A_37 = tpu.memref_slice %arg11[%scan3A_35, %dma_start3A] : memref<16x128xi32, #tpu.memory_space<vmem>> -> memref<1x128xi32, #tpu.memory_space<vmem>>
            %dma_start3A_38 = tpu.memref_squeeze %dma_start3A_37 : memref<1x128xi32, #tpu.memory_space<vmem>> -> memref<128xi32, #tpu.memory_space<vmem>>
            %dma_start3A_39 = arith.constant 0 : i32
            %dma_start3A_40 = arith.constant 0 : i32
            %dma_start3A_41 = tpu.memref_slice %arg6[%dma_start3A_39, %dma_start3A_40] : memref<10000x32xf32, #tpu.memory_space<hbm>> -> memref<10000x32xf32, #tpu.memory_space<hbm>>
            tpu.enqueue_indirect_dma source(%dma_start3A_41 : memref<10000x32xf32, #tpu.memory_space<hbm>>) target(%arg13 : memref<128x32xf32, #tpu.memory_space<vmem>>) offsets(%dma_start3A_38 : memref<128xi32, #tpu.memory_space<vmem>>) semaphore(%run_scoped3A_36 : memref<!tpu.dma_semaphore, #tpu.memory_space<semaphore_mem>>)
            %dma_wait3A = arith.constant 0 : i32
            %dma_wait3A_42 = tpu.memref_slice %arg11[%scan3A_35, %dma_wait3A] : memref<16x128xi32, #tpu.memory_space<vmem>> -> memref<1x128xi32, #tpu.memory_space<vmem>>
            %dma_wait3A_43 = tpu.memref_squeeze %dma_wait3A_42 : memref<1x128xi32, #tpu.memory_space<vmem>> -> memref<128xi32, #tpu.memory_space<vmem>>
            %dma_wait3A_44 = arith.constant 0 : i32
            %dma_wait3A_45 = arith.constant 0 : i32
            %dma_wait3A_46 = tpu.memref_slice %arg6[%dma_wait3A_44, %dma_wait3A_45] : memref<10000x32xf32, #tpu.memory_space<hbm>> -> memref<10000x32xf32, #tpu.memory_space<hbm>>
            tpu.wait_indirect_dma semaphore(%run_scoped3A_36 : memref<!tpu.dma_semaphore, #tpu.memory_space<semaphore_mem>>) src(%dma_wait3A_46 : memref<10000x32xf32, #tpu.memory_space<hbm>>) dst(%arg13 : memref<128x32xf32, #tpu.memory_space<vmem>>)
            tpu.yield
          }) : () -> ()
          "tpu.region"() ({
            %run_scoped3A_36 = tpu.sem_alloc : memref<!tpu.dma_semaphore, #tpu.memory_space<semaphore_mem>>
            %dma_start3A = arith.constant 0 : i32
            %dma_start3A_37 = tpu.memref_slice %arg12[%scan3A_35, %dma_start3A] : memref<16x128xi32, #tpu.memory_space<vmem>> -> memref<1x128xi32, #tpu.memory_space<vmem>>
            %dma_start3A_38 = tpu.memref_squeeze %dma_start3A_37 : memref<1x128xi32, #tpu.memory_space<vmem>> -> memref<128xi32, #tpu.memory_space<vmem>>
            %dma_start3A_39 = arith.constant 0 : i32
            %dma_start3A_40 = arith.constant 0 : i32
            %dma_start3A_41 = tpu.memref_slice %arg10[%dma_start3A_39, %dma_start3A_40] : memref<40064x32xf32, #tpu.memory_space<vmem_shared>> -> memref<40064x32xf32, #tpu.memory_space<vmem_shared>>
            tpu.enqueue_indirect_dma source(%arg13 : memref<128x32xf32, #tpu.memory_space<vmem>>) target(%dma_start3A_41 : memref<40064x32xf32, #tpu.memory_space<vmem_shared>>) offsets(%dma_start3A_38 : memref<128xi32, #tpu.memory_space<vmem>>) semaphore(%run_scoped3A_36 : memref<!tpu.dma_semaphore, #tpu.memory_space<semaphore_mem>>) {add = true}
            %dma_wait3A = arith.constant 0 : i32
            %dma_wait3A_42 = tpu.memref_slice %arg12[%scan3A_35, %dma_wait3A] : memref<16x128xi32, #tpu.memory_space<vmem>> -> memref<1x128xi32, #tpu.memory_space<vmem>>
            %dma_wait3A_43 = tpu.memref_squeeze %dma_wait3A_42 : memref<1x128xi32, #tpu.memory_space<vmem>> -> memref<128xi32, #tpu.memory_space<vmem>>
            %dma_wait3A_44 = arith.constant 0 : i32
            %dma_wait3A_45 = arith.constant 0 : i32
            %dma_wait3A_46 = tpu.memref_slice %arg10[%dma_wait3A_44, %dma_wait3A_45] : memref<40064x32xf32, #tpu.memory_space<vmem_shared>> -> memref<40064x32xf32, #tpu.memory_space<vmem_shared>>
            tpu.wait_indirect_dma semaphore(%run_scoped3A_36 : memref<!tpu.dma_semaphore, #tpu.memory_space<semaphore_mem>>) src(%arg13 : memref<128x32xf32, #tpu.memory_space<vmem>>) dst(%dma_wait3A_46 : memref<40064x32xf32, #tpu.memory_space<vmem_shared>>)
            tpu.yield
          }) : () -> ()
        }
        %scan3A_34 = arith.constant 16 : i32
      }
      %scan3A_22 = arith.constant 20 : i32
      %barrier3A_23 = arith.constant 0 : index
      tpu.barrier barrier_id(%barrier3A_23)
      %mul3A_24 = arith.constant 2504 : i32
      %mul3A_25 = arith.muli %arg1, %mul3A_24 : i32
      %mul3A_26 = arith.constant 2504 : i32
      %mul3A_27 = arith.muli %arg1, %mul3A_26 : i32
      %run_scoped3A = arith.constant 2 : i32
      "tpu.region"() ({
        %run_scoped3A_28 = tpu.sem_alloc : memref<!tpu.dma_semaphore, #tpu.memory_space<semaphore_mem>>
        %dma_start3A = arith.constant 0 : i32
        %dma_start3A_29 = arith.constant 0 : i32
        %dma_start3A_30 = tpu.memref_slice %arg9[%run_scoped3A, %dma_start3A, %dma_start3A_29] : memref<4x40064x32xf32, #tpu.memory_space<hbm>> -> memref<1x40064x32xf32, #tpu.memory_space<hbm>>
        %dma_start3A_31 = tpu.memref_squeeze %dma_start3A_30 : memref<1x40064x32xf32, #tpu.memory_space<hbm>> -> memref<40064x32xf32, #tpu.memory_space<hbm>>
        %dma_start3A_32 = arith.constant 0 : i32
        %dma_start3A_33 = tpu.memref_slice %dma_start3A_31[%mul3A_27, %dma_start3A_32] : memref<40064x32xf32, #tpu.memory_space<hbm>> -> memref<2504x32xf32, #tpu.memory_space<hbm>>
        %dma_start3A_34 = arith.constant 0 : i32
        %dma_start3A_35 = tpu.memref_slice %arg10[%mul3A_25, %dma_start3A_34] : memref<40064x32xf32, #tpu.memory_space<vmem_shared>> -> memref<2504x32xf32, #tpu.memory_space<vmem_shared>>
        tpu.enqueue_dma source(%dma_start3A_35 : memref<2504x32xf32, #tpu.memory_space<vmem_shared>>) target(%dma_start3A_33 : memref<2504x32xf32, #tpu.memory_space<hbm>>) target_semaphore(%run_scoped3A_28 : memref<!tpu.dma_semaphore, #tpu.memory_space<semaphore_mem>>)
        %dma_wait3A = arith.constant 0 : i32
        %dma_wait3A_36 = arith.constant 0 : i32
        %dma_wait3A_37 = tpu.memref_slice %arg9[%run_scoped3A, %dma_wait3A, %dma_wait3A_36] : memref<4x40064x32xf32, #tpu.memory_space<hbm>> -> memref<1x40064x32xf32, #tpu.memory_space<hbm>>
        %dma_wait3A_38 = tpu.memref_squeeze %dma_wait3A_37 : memref<1x40064x32xf32, #tpu.memory_space<hbm>> -> memref<40064x32xf32, #tpu.memory_space<hbm>>
        %dma_wait3A_39 = arith.constant 0 : i32
        %dma_wait3A_40 = tpu.memref_slice %dma_wait3A_38[%mul3A_27, %dma_wait3A_39] : memref<40064x32xf32, #tpu.memory_space<hbm>> -> memref<2504x32xf32, #tpu.memory_space<hbm>>
        %dma_wait3A_41 = arith.constant 0 : i32
        %dma_wait3A_42 = tpu.memref_slice %arg10[%mul3A_25, %dma_wait3A_41] : memref<40064x32xf32, #tpu.memory_space<vmem_shared>> -> memref<2504x32xf32, #tpu.memory_space<vmem_shared>>
        tpu.wait_dma2 semaphore(%run_scoped3A_28 : memref<!tpu.dma_semaphore, #tpu.memory_space<semaphore_mem>>) src(%dma_wait3A_42 : memref<2504x32xf32, #tpu.memory_space<vmem_shared>>) dst(%dma_wait3A_40 : memref<2504x32xf32, #tpu.memory_space<hbm>>)
        tpu.yield
      }) : () -> ()
    } else {
    }
    %eq3A_7 = arith.constant 0 : i32
    %eq3A_8 = arith.cmpi eq, %arg0, %eq3A_7 : i32
    %convert_element_type3A_9 = arith.extui %eq3A_8 : i1 to i32
    %cond3A_10 = arith.constant 0 : i32
    %cond3A_11 = arith.cmpi ne, %convert_element_type3A_9, %cond3A_10 : i32
    scf.if %cond3A_11 {
      %mul3A = arith.constant 2504 : i32
      %mul3A_17 = arith.muli %arg1, %mul3A : i32
      "tpu.region"() ({
        %run_scoped3A_28 = tpu.sem_alloc : memref<!tpu.dma_semaphore, #tpu.memory_space<semaphore_mem>>
        %dma_start3A = arith.constant 0 : i32
        %dma_start3A_29 = tpu.memref_slice %arg10[%mul3A_17, %dma_start3A] : memref<40064x32xf32, #tpu.memory_space<vmem_shared>> -> memref<2504x32xf32, #tpu.memory_space<vmem_shared>>
        tpu.enqueue_dma source(%arg8 : memref<2504x32xf32, #tpu.memory_space<hbm>>) target(%dma_start3A_29 : memref<2504x32xf32, #tpu.memory_space<vmem_shared>>) target_semaphore(%run_scoped3A_28 : memref<!tpu.dma_semaphore, #tpu.memory_space<semaphore_mem>>)
        %dma_wait3A = arith.constant 0 : i32
        %dma_wait3A_30 = tpu.memref_slice %arg10[%mul3A_17, %dma_wait3A] : memref<40064x32xf32, #tpu.memory_space<vmem_shared>> -> memref<2504x32xf32, #tpu.memory_space<vmem_shared>>
        tpu.wait_dma2 semaphore(%run_scoped3A_28 : memref<!tpu.dma_semaphore, #tpu.memory_space<semaphore_mem>>) src(%arg8 : memref<2504x32xf32, #tpu.memory_space<hbm>>) dst(%dma_wait3A_30 : memref<2504x32xf32, #tpu.memory_space<vmem_shared>>)
        tpu.yield
      }) : () -> ()
      %barrier3A = arith.constant 0 : index
      tpu.barrier barrier_id(%barrier3A)
      %scan3A = arith.constant 0 : i32
      %scan3A_18 = arith.constant 0 : i32
      %scan3A_19 = arith.constant 20 : i32
      %scan3A_20 = arith.addi %scan3A_18, %scan3A_19 : i32
      %scan3A_21 = arith.constant 1 : i32
      scf.for %scan3A_28 = %scan3A_18 to %scan3A_20 step %scan3A_21  : i32 {
        "tpu.region"() ({
          %run_scoped3A_35 = tpu.sem_alloc : memref<!tpu.dma_semaphore, #tpu.memory_space<semaphore_mem>>
          %dma_start3A = arith.constant 0 : i32
          %dma_start3A_36 = arith.constant 0 : i32
          %dma_start3A_37 = arith.constant 0 : i32
          %dma_start3A_38 = tpu.memref_slice %arg2[%arg1, %dma_start3A, %dma_start3A_36, %dma_start3A_37] : memref<16x20x16x128xi32, #tpu.memory_space<hbm>> -> memref<1x20x16x128xi32, #tpu.memory_space<hbm>>
          %dma_start3A_39 = tpu.memref_squeeze %dma_start3A_38 : memref<1x20x16x128xi32, #tpu.memory_space<hbm>> -> memref<20x16x128xi32, #tpu.memory_space<hbm>>
          %dma_start3A_40 = arith.constant 0 : i32
          %dma_start3A_41 = arith.constant 0 : i32
          %dma_start3A_42 = tpu.memref_slice %dma_start3A_39[%scan3A_28, %dma_start3A_40, %dma_start3A_41] : memref<20x16x128xi32, #tpu.memory_space<hbm>> -> memref<1x16x128xi32, #tpu.memory_space<hbm>>
          %dma_start3A_43 = tpu.memref_squeeze %dma_start3A_42 : memref<1x16x128xi32, #tpu.memory_space<hbm>> -> memref<16x128xi32, #tpu.memory_space<hbm>>
          %dma_start3A_44 = arith.constant 0 : i32
          %dma_start3A_45 = arith.constant 0 : i32
          %dma_start3A_46 = arith.constant 0 : i32
          %dma_start3A_47 = tpu.memref_slice %arg2[%arg1, %dma_start3A_44, %dma_start3A_45, %dma_start3A_46] : memref<16x20x16x128xi32, #tpu.memory_space<hbm>> -> memref<1x20x16x128xi32, #tpu.memory_space<hbm>>
          %dma_start3A_48 = tpu.memref_squeeze %dma_start3A_47 : memref<1x20x16x128xi32, #tpu.memory_space<hbm>> -> memref<20x16x128xi32, #tpu.memory_space<hbm>>
          %dma_start3A_49 = arith.constant 0 : i32
          %dma_start3A_50 = arith.constant 0 : i32
          %dma_start3A_51 = tpu.memref_slice %dma_start3A_48[%scan3A_28, %dma_start3A_49, %dma_start3A_50] : memref<20x16x128xi32, #tpu.memory_space<hbm>> -> memref<1x16x128xi32, #tpu.memory_space<hbm>>
          %dma_start3A_52 = tpu.memref_squeeze %dma_start3A_51 : memref<1x16x128xi32, #tpu.memory_space<hbm>> -> memref<16x128xi32, #tpu.memory_space<hbm>>
          tpu.enqueue_dma source(%dma_start3A_52 : memref<16x128xi32, #tpu.memory_space<hbm>>) target(%arg11 : memref<16x128xi32, #tpu.memory_space<vmem>>) target_semaphore(%run_scoped3A_35 : memref<!tpu.dma_semaphore, #tpu.memory_space<semaphore_mem>>)
          %dma_wait3A = arith.constant 0 : i32
          %dma_wait3A_53 = arith.constant 0 : i32
          %dma_wait3A_54 = arith.constant 0 : i32
          %dma_wait3A_55 = tpu.memref_slice %arg2[%arg1, %dma_wait3A, %dma_wait3A_53, %dma_wait3A_54] : memref<16x20x16x128xi32, #tpu.memory_space<hbm>> -> memref<1x20x16x128xi32, #tpu.memory_space<hbm>>
          %dma_wait3A_56 = tpu.memref_squeeze %dma_wait3A_55 : memref<1x20x16x128xi32, #tpu.memory_space<hbm>> -> memref<20x16x128xi32, #tpu.memory_space<hbm>>
          %dma_wait3A_57 = arith.constant 0 : i32
          %dma_wait3A_58 = arith.constant 0 : i32
          %dma_wait3A_59 = tpu.memref_slice %dma_wait3A_56[%scan3A_28, %dma_wait3A_57, %dma_wait3A_58] : memref<20x16x128xi32, #tpu.memory_space<hbm>> -> memref<1x16x128xi32, #tpu.memory_space<hbm>>
          %dma_wait3A_60 = tpu.memref_squeeze %dma_wait3A_59 : memref<1x16x128xi32, #tpu.memory_space<hbm>> -> memref<16x128xi32, #tpu.memory_space<hbm>>
          %dma_wait3A_61 = arith.constant 0 : i32
          %dma_wait3A_62 = arith.constant 0 : i32
          %dma_wait3A_63 = arith.constant 0 : i32
          %dma_wait3A_64 = tpu.memref_slice %arg2[%arg1, %dma_wait3A_61, %dma_wait3A_62, %dma_wait3A_63] : memref<16x20x16x128xi32, #tpu.memory_space<hbm>> -> memref<1x20x16x128xi32, #tpu.memory_space<hbm>>
          %dma_wait3A_65 = tpu.memref_squeeze %dma_wait3A_64 : memref<1x20x16x128xi32, #tpu.memory_space<hbm>> -> memref<20x16x128xi32, #tpu.memory_space<hbm>>
          %dma_wait3A_66 = arith.constant 0 : i32
          %dma_wait3A_67 = arith.constant 0 : i32
          %dma_wait3A_68 = tpu.memref_slice %dma_wait3A_65[%scan3A_28, %dma_wait3A_66, %dma_wait3A_67] : memref<20x16x128xi32, #tpu.memory_space<hbm>> -> memref<1x16x128xi32, #tpu.memory_space<hbm>>
          %dma_wait3A_69 = tpu.memref_squeeze %dma_wait3A_68 : memref<1x16x128xi32, #tpu.memory_space<hbm>> -> memref<16x128xi32, #tpu.memory_space<hbm>>
          tpu.wait_dma2 semaphore(%run_scoped3A_35 : memref<!tpu.dma_semaphore, #tpu.memory_space<semaphore_mem>>) src(%dma_wait3A_69 : memref<16x128xi32, #tpu.memory_space<hbm>>) dst(%arg11 : memref<16x128xi32, #tpu.memory_space<vmem>>)
          tpu.yield
        }) : () -> ()
        "tpu.region"() ({
          %run_scoped3A_35 = tpu.sem_alloc : memref<!tpu.dma_semaphore, #tpu.memory_space<semaphore_mem>>
          %dma_start3A = arith.constant 0 : i32
          %dma_start3A_36 = arith.constant 0 : i32
          %dma_start3A_37 = arith.constant 0 : i32
          %dma_start3A_38 = tpu.memref_slice %arg3[%arg1, %dma_start3A, %dma_start3A_36, %dma_start3A_37] : memref<16x20x16x128xi32, #tpu.memory_space<hbm>> -> memref<1x20x16x128xi32, #tpu.memory_space<hbm>>
          %dma_start3A_39 = tpu.memref_squeeze %dma_start3A_38 : memref<1x20x16x128xi32, #tpu.memory_space<hbm>> -> memref<20x16x128xi32, #tpu.memory_space<hbm>>
          %dma_start3A_40 = arith.constant 0 : i32
          %dma_start3A_41 = arith.constant 0 : i32
          %dma_start3A_42 = tpu.memref_slice %dma_start3A_39[%scan3A_28, %dma_start3A_40, %dma_start3A_41] : memref<20x16x128xi32, #tpu.memory_space<hbm>> -> memref<1x16x128xi32, #tpu.memory_space<hbm>>
          %dma_start3A_43 = tpu.memref_squeeze %dma_start3A_42 : memref<1x16x128xi32, #tpu.memory_space<hbm>> -> memref<16x128xi32, #tpu.memory_space<hbm>>
          %dma_start3A_44 = arith.constant 0 : i32
          %dma_start3A_45 = arith.constant 0 : i32
          %dma_start3A_46 = arith.constant 0 : i32
          %dma_start3A_47 = tpu.memref_slice %arg3[%arg1, %dma_start3A_44, %dma_start3A_45, %dma_start3A_46] : memref<16x20x16x128xi32, #tpu.memory_space<hbm>> -> memref<1x20x16x128xi32, #tpu.memory_space<hbm>>
          %dma_start3A_48 = tpu.memref_squeeze %dma_start3A_47 : memref<1x20x16x128xi32, #tpu.memory_space<hbm>> -> memref<20x16x128xi32, #tpu.memory_space<hbm>>
          %dma_start3A_49 = arith.constant 0 : i32
          %dma_start3A_50 = arith.constant 0 : i32
          %dma_start3A_51 = tpu.memref_slice %dma_start3A_48[%scan3A_28, %dma_start3A_49, %dma_start3A_50] : memref<20x16x128xi32, #tpu.memory_space<hbm>> -> memref<1x16x128xi32, #tpu.memory_space<hbm>>
          %dma_start3A_52 = tpu.memref_squeeze %dma_start3A_51 : memref<1x16x128xi32, #tpu.memory_space<hbm>> -> memref<16x128xi32, #tpu.memory_space<hbm>>
          tpu.enqueue_dma source(%dma_start3A_52 : memref<16x128xi32, #tpu.memory_space<hbm>>) target(%arg12 : memref<16x128xi32, #tpu.memory_space<vmem>>) target_semaphore(%run_scoped3A_35 : memref<!tpu.dma_semaphore, #tpu.memory_space<semaphore_mem>>)
          %dma_wait3A = arith.constant 0 : i32
          %dma_wait3A_53 = arith.constant 0 : i32
          %dma_wait3A_54 = arith.constant 0 : i32
          %dma_wait3A_55 = tpu.memref_slice %arg3[%arg1, %dma_wait3A, %dma_wait3A_53, %dma_wait3A_54] : memref<16x20x16x128xi32, #tpu.memory_space<hbm>> -> memref<1x20x16x128xi32, #tpu.memory_space<hbm>>
          %dma_wait3A_56 = tpu.memref_squeeze %dma_wait3A_55 : memref<1x20x16x128xi32, #tpu.memory_space<hbm>> -> memref<20x16x128xi32, #tpu.memory_space<hbm>>
          %dma_wait3A_57 = arith.constant 0 : i32
          %dma_wait3A_58 = arith.constant 0 : i32
          %dma_wait3A_59 = tpu.memref_slice %dma_wait3A_56[%scan3A_28, %dma_wait3A_57, %dma_wait3A_58] : memref<20x16x128xi32, #tpu.memory_space<hbm>> -> memref<1x16x128xi32, #tpu.memory_space<hbm>>
          %dma_wait3A_60 = tpu.memref_squeeze %dma_wait3A_59 : memref<1x16x128xi32, #tpu.memory_space<hbm>> -> memref<16x128xi32, #tpu.memory_space<hbm>>
          %dma_wait3A_61 = arith.constant 0 : i32
          %dma_wait3A_62 = arith.constant 0 : i32
          %dma_wait3A_63 = arith.constant 0 : i32
          %dma_wait3A_64 = tpu.memref_slice %arg3[%arg1, %dma_wait3A_61, %dma_wait3A_62, %dma_wait3A_63] : memref<16x20x16x128xi32, #tpu.memory_space<hbm>> -> memref<1x20x16x128xi32, #tpu.memory_space<hbm>>
          %dma_wait3A_65 = tpu.memref_squeeze %dma_wait3A_64 : memref<1x20x16x128xi32, #tpu.memory_space<hbm>> -> memref<20x16x128xi32, #tpu.memory_space<hbm>>
          %dma_wait3A_66 = arith.constant 0 : i32
          %dma_wait3A_67 = arith.constant 0 : i32
          %dma_wait3A_68 = tpu.memref_slice %dma_wait3A_65[%scan3A_28, %dma_wait3A_66, %dma_wait3A_67] : memref<20x16x128xi32, #tpu.memory_space<hbm>> -> memref<1x16x128xi32, #tpu.memory_space<hbm>>
          %dma_wait3A_69 = tpu.memref_squeeze %dma_wait3A_68 : memref<1x16x128xi32, #tpu.memory_space<hbm>> -> memref<16x128xi32, #tpu.memory_space<hbm>>
          tpu.wait_dma2 semaphore(%run_scoped3A_35 : memref<!tpu.dma_semaphore, #tpu.memory_space<semaphore_mem>>) src(%dma_wait3A_69 : memref<16x128xi32, #tpu.memory_space<hbm>>) dst(%arg12 : memref<16x128xi32, #tpu.memory_space<vmem>>)
          tpu.yield
        }) : () -> ()
        %scan3A_29 = arith.constant 0 : i32
        %scan3A_30 = arith.constant 0 : i32
        %scan3A_31 = arith.constant 16 : i32
        %scan3A_32 = arith.addi %scan3A_30, %scan3A_31 : i32
        %scan3A_33 = arith.constant 1 : i32
        scf.for %scan3A_35 = %scan3A_30 to %scan3A_32 step %scan3A_33  : i32 {
          "tpu.region"() ({
            %run_scoped3A_36 = tpu.sem_alloc : memref<!tpu.dma_semaphore, #tpu.memory_space<semaphore_mem>>
            %dma_start3A = arith.constant 0 : i32
            %dma_start3A_37 = tpu.memref_slice %arg11[%scan3A_35, %dma_start3A] : memref<16x128xi32, #tpu.memory_space<vmem>> -> memref<1x128xi32, #tpu.memory_space<vmem>>
            %dma_start3A_38 = tpu.memref_squeeze %dma_start3A_37 : memref<1x128xi32, #tpu.memory_space<vmem>> -> memref<128xi32, #tpu.memory_space<vmem>>
            %dma_start3A_39 = arith.constant 0 : i32
            %dma_start3A_40 = arith.constant 0 : i32
            %dma_start3A_41 = tpu.memref_slice %arg5[%dma_start3A_39, %dma_start3A_40] : memref<10000x32xf32, #tpu.memory_space<hbm>> -> memref<10000x32xf32, #tpu.memory_space<hbm>>
            tpu.enqueue_indirect_dma source(%dma_start3A_41 : memref<10000x32xf32, #tpu.memory_space<hbm>>) target(%arg13 : memref<128x32xf32, #tpu.memory_space<vmem>>) offsets(%dma_start3A_38 : memref<128xi32, #tpu.memory_space<vmem>>) semaphore(%run_scoped3A_36 : memref<!tpu.dma_semaphore, #tpu.memory_space<semaphore_mem>>)
            %dma_wait3A = arith.constant 0 : i32
            %dma_wait3A_42 = tpu.memref_slice %arg11[%scan3A_35, %dma_wait3A] : memref<16x128xi32, #tpu.memory_space<vmem>> -> memref<1x128xi32, #tpu.memory_space<vmem>>
            %dma_wait3A_43 = tpu.memref_squeeze %dma_wait3A_42 : memref<1x128xi32, #tpu.memory_space<vmem>> -> memref<128xi32, #tpu.memory_space<vmem>>
            %dma_wait3A_44 = arith.constant 0 : i32
            %dma_wait3A_45 = arith.constant 0 : i32
            %dma_wait3A_46 = tpu.memref_slice %arg5[%dma_wait3A_44, %dma_wait3A_45] : memref<10000x32xf32, #tpu.memory_space<hbm>> -> memref<10000x32xf32, #tpu.memory_space<hbm>>
            tpu.wait_indirect_dma semaphore(%run_scoped3A_36 : memref<!tpu.dma_semaphore, #tpu.memory_space<semaphore_mem>>) src(%dma_wait3A_46 : memref<10000x32xf32, #tpu.memory_space<hbm>>) dst(%arg13 : memref<128x32xf32, #tpu.memory_space<vmem>>)
            tpu.yield
          }) : () -> ()
          "tpu.region"() ({
            %run_scoped3A_36 = tpu.sem_alloc : memref<!tpu.dma_semaphore, #tpu.memory_space<semaphore_mem>>
            %dma_start3A = arith.constant 0 : i32
            %dma_start3A_37 = tpu.memref_slice %arg12[%scan3A_35, %dma_start3A] : memref<16x128xi32, #tpu.memory_space<vmem>> -> memref<1x128xi32, #tpu.memory_space<vmem>>
            %dma_start3A_38 = tpu.memref_squeeze %dma_start3A_37 : memref<1x128xi32, #tpu.memory_space<vmem>> -> memref<128xi32, #tpu.memory_space<vmem>>
            %dma_start3A_39 = arith.constant 0 : i32
            %dma_start3A_40 = arith.constant 0 : i32
            %dma_start3A_41 = tpu.memref_slice %arg10[%dma_start3A_39, %dma_start3A_40] : memref<40064x32xf32, #tpu.memory_space<vmem_shared>> -> memref<40064x32xf32, #tpu.memory_space<vmem_shared>>
            tpu.enqueue_indirect_dma source(%arg13 : memref<128x32xf32, #tpu.memory_space<vmem>>) target(%dma_start3A_41 : memref<40064x32xf32, #tpu.memory_space<vmem_shared>>) offsets(%dma_start3A_38 : memref<128xi32, #tpu.memory_space<vmem>>) semaphore(%run_scoped3A_36 : memref<!tpu.dma_semaphore, #tpu.memory_space<semaphore_mem>>) {add = true}
            %dma_wait3A = arith.constant 0 : i32
            %dma_wait3A_42 = tpu.memref_slice %arg12[%scan3A_35, %dma_wait3A] : memref<16x128xi32, #tpu.memory_space<vmem>> -> memref<1x128xi32, #tpu.memory_space<vmem>>
            %dma_wait3A_43 = tpu.memref_squeeze %dma_wait3A_42 : memref<1x128xi32, #tpu.memory_space<vmem>> -> memref<128xi32, #tpu.memory_space<vmem>>
            %dma_wait3A_44 = arith.constant 0 : i32
            %dma_wait3A_45 = arith.constant 0 : i32
            %dma_wait3A_46 = tpu.memref_slice %arg10[%dma_wait3A_44, %dma_wait3A_45] : memref<40064x32xf32, #tpu.memory_space<vmem_shared>> -> memref<40064x32xf32, #tpu.memory_space<vmem_shared>>
            tpu.wait_indirect_dma semaphore(%run_scoped3A_36 : memref<!tpu.dma_semaphore, #tpu.memory_space<semaphore_mem>>) src(%arg13 : memref<128x32xf32, #tpu.memory_space<vmem>>) dst(%dma_wait3A_46 : memref<40064x32xf32, #tpu.memory_space<vmem_shared>>)
            tpu.yield
          }) : () -> ()
        }
        %scan3A_34 = arith.constant 16 : i32
      }
      %scan3A_22 = arith.constant 20 : i32
      %barrier3A_23 = arith.constant 0 : index
      tpu.barrier barrier_id(%barrier3A_23)
      %mul3A_24 = arith.constant 2504 : i32
      %mul3A_25 = arith.muli %arg1, %mul3A_24 : i32
      %mul3A_26 = arith.constant 2504 : i32
      %mul3A_27 = arith.muli %arg1, %mul3A_26 : i32
      %run_scoped3A = arith.constant 1 : i32
      "tpu.region"() ({
        %run_scoped3A_28 = tpu.sem_alloc : memref<!tpu.dma_semaphore, #tpu.memory_space<semaphore_mem>>
        %dma_start3A = arith.constant 0 : i32
        %dma_start3A_29 = arith.constant 0 : i32
        %dma_start3A_30 = tpu.memref_slice %arg9[%run_scoped3A, %dma_start3A, %dma_start3A_29] : memref<4x40064x32xf32, #tpu.memory_space<hbm>> -> memref<1x40064x32xf32, #tpu.memory_space<hbm>>
        %dma_start3A_31 = tpu.memref_squeeze %dma_start3A_30 : memref<1x40064x32xf32, #tpu.memory_space<hbm>> -> memref<40064x32xf32, #tpu.memory_space<hbm>>
        %dma_start3A_32 = arith.constant 0 : i32
        %dma_start3A_33 = tpu.memref_slice %dma_start3A_31[%mul3A_27, %dma_start3A_32] : memref<40064x32xf32, #tpu.memory_space<hbm>> -> memref<2504x32xf32, #tpu.memory_space<hbm>>
        %dma_start3A_34 = arith.constant 0 : i32
        %dma_start3A_35 = tpu.memref_slice %arg10[%mul3A_25, %dma_start3A_34] : memref<40064x32xf32, #tpu.memory_space<vmem_shared>> -> memref<2504x32xf32, #tpu.memory_space<vmem_shared>>
        tpu.enqueue_dma source(%dma_start3A_35 : memref<2504x32xf32, #tpu.memory_space<vmem_shared>>) target(%dma_start3A_33 : memref<2504x32xf32, #tpu.memory_space<hbm>>) target_semaphore(%run_scoped3A_28 : memref<!tpu.dma_semaphore, #tpu.memory_space<semaphore_mem>>)
        %dma_wait3A = arith.constant 0 : i32
        %dma_wait3A_36 = arith.constant 0 : i32
        %dma_wait3A_37 = tpu.memref_slice %arg9[%run_scoped3A, %dma_wait3A, %dma_wait3A_36] : memref<4x40064x32xf32, #tpu.memory_space<hbm>> -> memref<1x40064x32xf32, #tpu.memory_space<hbm>>
        %dma_wait3A_38 = tpu.memref_squeeze %dma_wait3A_37 : memref<1x40064x32xf32, #tpu.memory_space<hbm>> -> memref<40064x32xf32, #tpu.memory_space<hbm>>
        %dma_wait3A_39 = arith.constant 0 : i32
        %dma_wait3A_40 = tpu.memref_slice %dma_wait3A_38[%mul3A_27, %dma_wait3A_39] : memref<40064x32xf32, #tpu.memory_space<hbm>> -> memref<2504x32xf32, #tpu.memory_space<hbm>>
        %dma_wait3A_41 = arith.constant 0 : i32
        %dma_wait3A_42 = tpu.memref_slice %arg10[%mul3A_25, %dma_wait3A_41] : memref<40064x32xf32, #tpu.memory_space<vmem_shared>> -> memref<2504x32xf32, #tpu.memory_space<vmem_shared>>
        tpu.wait_dma2 semaphore(%run_scoped3A_28 : memref<!tpu.dma_semaphore, #tpu.memory_space<semaphore_mem>>) src(%dma_wait3A_42 : memref<2504x32xf32, #tpu.memory_space<vmem_shared>>) dst(%dma_wait3A_40 : memref<2504x32xf32, #tpu.memory_space<hbm>>)
        tpu.yield
      }) : () -> ()
    } else {
    }
    %eq3A_12 = arith.constant 1 : i32
    %eq3A_13 = arith.cmpi eq, %arg0, %eq3A_12 : i32
    %convert_element_type3A_14 = arith.extui %eq3A_13 : i1 to i32
    %cond3A_15 = arith.constant 0 : i32
    %cond3A_16 = arith.cmpi ne, %convert_element_type3A_14, %cond3A_15 : i32
    scf.if %cond3A_16 {
      %mul3A = arith.constant 2504 : i32
      %mul3A_17 = arith.muli %arg1, %mul3A : i32
      "tpu.region"() ({
        %run_scoped3A_28 = tpu.sem_alloc : memref<!tpu.dma_semaphore, #tpu.memory_space<semaphore_mem>>
        %dma_start3A = arith.constant 0 : i32
        %dma_start3A_29 = tpu.memref_slice %arg10[%mul3A_17, %dma_start3A] : memref<40064x32xf32, #tpu.memory_space<vmem_shared>> -> memref<2504x32xf32, #tpu.memory_space<vmem_shared>>
        tpu.enqueue_dma source(%arg8 : memref<2504x32xf32, #tpu.memory_space<hbm>>) target(%dma_start3A_29 : memref<2504x32xf32, #tpu.memory_space<vmem_shared>>) target_semaphore(%run_scoped3A_28 : memref<!tpu.dma_semaphore, #tpu.memory_space<semaphore_mem>>)
        %dma_wait3A = arith.constant 0 : i32
        %dma_wait3A_30 = tpu.memref_slice %arg10[%mul3A_17, %dma_wait3A] : memref<40064x32xf32, #tpu.memory_space<vmem_shared>> -> memref<2504x32xf32, #tpu.memory_space<vmem_shared>>
        tpu.wait_dma2 semaphore(%run_scoped3A_28 : memref<!tpu.dma_semaphore, #tpu.memory_space<semaphore_mem>>) src(%arg8 : memref<2504x32xf32, #tpu.memory_space<hbm>>) dst(%dma_wait3A_30 : memref<2504x32xf32, #tpu.memory_space<vmem_shared>>)
        tpu.yield
      }) : () -> ()
      %barrier3A = arith.constant 0 : index
      tpu.barrier barrier_id(%barrier3A)
      %scan3A = arith.constant 0 : i32
      %scan3A_18 = arith.constant 0 : i32
      %scan3A_19 = arith.constant 20 : i32
      %scan3A_20 = arith.addi %scan3A_18, %scan3A_19 : i32
      %scan3A_21 = arith.constant 1 : i32
      scf.for %scan3A_28 = %scan3A_18 to %scan3A_20 step %scan3A_21  : i32 {
        "tpu.region"() ({
          %run_scoped3A_35 = tpu.sem_alloc : memref<!tpu.dma_semaphore, #tpu.memory_space<semaphore_mem>>
          %dma_start3A = arith.constant 0 : i32
          %dma_start3A_36 = arith.constant 0 : i32
          %dma_start3A_37 = arith.constant 0 : i32
          %dma_start3A_38 = tpu.memref_slice %arg2[%arg1, %dma_start3A, %dma_start3A_36, %dma_start3A_37] : memref<16x20x16x128xi32, #tpu.memory_space<hbm>> -> memref<1x20x16x128xi32, #tpu.memory_space<hbm>>
          %dma_start3A_39 = tpu.memref_squeeze %dma_start3A_38 : memref<1x20x16x128xi32, #tpu.memory_space<hbm>> -> memref<20x16x128xi32, #tpu.memory_space<hbm>>
          %dma_start3A_40 = arith.constant 0 : i32
          %dma_start3A_41 = arith.constant 0 : i32
          %dma_start3A_42 = tpu.memref_slice %dma_start3A_39[%scan3A_28, %dma_start3A_40, %dma_start3A_41] : memref<20x16x128xi32, #tpu.memory_space<hbm>> -> memref<1x16x128xi32, #tpu.memory_space<hbm>>
          %dma_start3A_43 = tpu.memref_squeeze %dma_start3A_42 : memref<1x16x128xi32, #tpu.memory_space<hbm>> -> memref<16x128xi32, #tpu.memory_space<hbm>>
          %dma_start3A_44 = arith.constant 0 : i32
          %dma_start3A_45 = arith.constant 0 : i32
          %dma_start3A_46 = arith.constant 0 : i32
          %dma_start3A_47 = tpu.memref_slice %arg2[%arg1, %dma_start3A_44, %dma_start3A_45, %dma_start3A_46] : memref<16x20x16x128xi32, #tpu.memory_space<hbm>> -> memref<1x20x16x128xi32, #tpu.memory_space<hbm>>
          %dma_start3A_48 = tpu.memref_squeeze %dma_start3A_47 : memref<1x20x16x128xi32, #tpu.memory_space<hbm>> -> memref<20x16x128xi32, #tpu.memory_space<hbm>>
          %dma_start3A_49 = arith.constant 0 : i32
          %dma_start3A_50 = arith.constant 0 : i32
          %dma_start3A_51 = tpu.memref_slice %dma_start3A_48[%scan3A_28, %dma_start3A_49, %dma_start3A_50] : memref<20x16x128xi32, #tpu.memory_space<hbm>> -> memref<1x16x128xi32, #tpu.memory_space<hbm>>
          %dma_start3A_52 = tpu.memref_squeeze %dma_start3A_51 : memref<1x16x128xi32, #tpu.memory_space<hbm>> -> memref<16x128xi32, #tpu.memory_space<hbm>>
          tpu.enqueue_dma source(%dma_start3A_52 : memref<16x128xi32, #tpu.memory_space<hbm>>) target(%arg11 : memref<16x128xi32, #tpu.memory_space<vmem>>) target_semaphore(%run_scoped3A_35 : memref<!tpu.dma_semaphore, #tpu.memory_space<semaphore_mem>>)
          %dma_wait3A = arith.constant 0 : i32
          %dma_wait3A_53 = arith.constant 0 : i32
          %dma_wait3A_54 = arith.constant 0 : i32
          %dma_wait3A_55 = tpu.memref_slice %arg2[%arg1, %dma_wait3A, %dma_wait3A_53, %dma_wait3A_54] : memref<16x20x16x128xi32, #tpu.memory_space<hbm>> -> memref<1x20x16x128xi32, #tpu.memory_space<hbm>>
          %dma_wait3A_56 = tpu.memref_squeeze %dma_wait3A_55 : memref<1x20x16x128xi32, #tpu.memory_space<hbm>> -> memref<20x16x128xi32, #tpu.memory_space<hbm>>
          %dma_wait3A_57 = arith.constant 0 : i32
          %dma_wait3A_58 = arith.constant 0 : i32
          %dma_wait3A_59 = tpu.memref_slice %dma_wait3A_56[%scan3A_28, %dma_wait3A_57, %dma_wait3A_58] : memref<20x16x128xi32, #tpu.memory_space<hbm>> -> memref<1x16x128xi32, #tpu.memory_space<hbm>>
          %dma_wait3A_60 = tpu.memref_squeeze %dma_wait3A_59 : memref<1x16x128xi32, #tpu.memory_space<hbm>> -> memref<16x128xi32, #tpu.memory_space<hbm>>
          %dma_wait3A_61 = arith.constant 0 : i32
          %dma_wait3A_62 = arith.constant 0 : i32
          %dma_wait3A_63 = arith.constant 0 : i32
          %dma_wait3A_64 = tpu.memref_slice %arg2[%arg1, %dma_wait3A_61, %dma_wait3A_62, %dma_wait3A_63] : memref<16x20x16x128xi32, #tpu.memory_space<hbm>> -> memref<1x20x16x128xi32, #tpu.memory_space<hbm>>
          %dma_wait3A_65 = tpu.memref_squeeze %dma_wait3A_64 : memref<1x20x16x128xi32, #tpu.memory_space<hbm>> -> memref<20x16x128xi32, #tpu.memory_space<hbm>>
          %dma_wait3A_66 = arith.constant 0 : i32
          %dma_wait3A_67 = arith.constant 0 : i32
          %dma_wait3A_68 = tpu.memref_slice %dma_wait3A_65[%scan3A_28, %dma_wait3A_66, %dma_wait3A_67] : memref<20x16x128xi32, #tpu.memory_space<hbm>> -> memref<1x16x128xi32, #tpu.memory_space<hbm>>
          %dma_wait3A_69 = tpu.memref_squeeze %dma_wait3A_68 : memref<1x16x128xi32, #tpu.memory_space<hbm>> -> memref<16x128xi32, #tpu.memory_space<hbm>>
          tpu.wait_dma2 semaphore(%run_scoped3A_35 : memref<!tpu.dma_semaphore, #tpu.memory_space<semaphore_mem>>) src(%dma_wait3A_69 : memref<16x128xi32, #tpu.memory_space<hbm>>) dst(%arg11 : memref<16x128xi32, #tpu.memory_space<vmem>>)
          tpu.yield
        }) : () -> ()
        "tpu.region"() ({
          %run_scoped3A_35 = tpu.sem_alloc : memref<!tpu.dma_semaphore, #tpu.memory_space<semaphore_mem>>
          %dma_start3A = arith.constant 0 : i32
          %dma_start3A_36 = arith.constant 0 : i32
          %dma_start3A_37 = arith.constant 0 : i32
          %dma_start3A_38 = tpu.memref_slice %arg3[%arg1, %dma_start3A, %dma_start3A_36, %dma_start3A_37] : memref<16x20x16x128xi32, #tpu.memory_space<hbm>> -> memref<1x20x16x128xi32, #tpu.memory_space<hbm>>
          %dma_start3A_39 = tpu.memref_squeeze %dma_start3A_38 : memref<1x20x16x128xi32, #tpu.memory_space<hbm>> -> memref<20x16x128xi32, #tpu.memory_space<hbm>>
          %dma_start3A_40 = arith.constant 0 : i32
          %dma_start3A_41 = arith.constant 0 : i32
          %dma_start3A_42 = tpu.memref_slice %dma_start3A_39[%scan3A_28, %dma_start3A_40, %dma_start3A_41] : memref<20x16x128xi32, #tpu.memory_space<hbm>> -> memref<1x16x128xi32, #tpu.memory_space<hbm>>
          %dma_start3A_43 = tpu.memref_squeeze %dma_start3A_42 : memref<1x16x128xi32, #tpu.memory_space<hbm>> -> memref<16x128xi32, #tpu.memory_space<hbm>>
          %dma_start3A_44 = arith.constant 0 : i32
          %dma_start3A_45 = arith.constant 0 : i32
          %dma_start3A_46 = arith.constant 0 : i32
          %dma_start3A_47 = tpu.memref_slice %arg3[%arg1, %dma_start3A_44, %dma_start3A_45, %dma_start3A_46] : memref<16x20x16x128xi32, #tpu.memory_space<hbm>> -> memref<1x20x16x128xi32, #tpu.memory_space<hbm>>
          %dma_start3A_48 = tpu.memref_squeeze %dma_start3A_47 : memref<1x20x16x128xi32, #tpu.memory_space<hbm>> -> memref<20x16x128xi32, #tpu.memory_space<hbm>>
          %dma_start3A_49 = arith.constant 0 : i32
          %dma_start3A_50 = arith.constant 0 : i32
          %dma_start3A_51 = tpu.memref_slice %dma_start3A_48[%scan3A_28, %dma_start3A_49, %dma_start3A_50] : memref<20x16x128xi32, #tpu.memory_space<hbm>> -> memref<1x16x128xi32, #tpu.memory_space<hbm>>
          %dma_start3A_52 = tpu.memref_squeeze %dma_start3A_51 : memref<1x16x128xi32, #tpu.memory_space<hbm>> -> memref<16x128xi32, #tpu.memory_space<hbm>>
          tpu.enqueue_dma source(%dma_start3A_52 : memref<16x128xi32, #tpu.memory_space<hbm>>) target(%arg12 : memref<16x128xi32, #tpu.memory_space<vmem>>) target_semaphore(%run_scoped3A_35 : memref<!tpu.dma_semaphore, #tpu.memory_space<semaphore_mem>>)
          %dma_wait3A = arith.constant 0 : i32
          %dma_wait3A_53 = arith.constant 0 : i32
          %dma_wait3A_54 = arith.constant 0 : i32
          %dma_wait3A_55 = tpu.memref_slice %arg3[%arg1, %dma_wait3A, %dma_wait3A_53, %dma_wait3A_54] : memref<16x20x16x128xi32, #tpu.memory_space<hbm>> -> memref<1x20x16x128xi32, #tpu.memory_space<hbm>>
          %dma_wait3A_56 = tpu.memref_squeeze %dma_wait3A_55 : memref<1x20x16x128xi32, #tpu.memory_space<hbm>> -> memref<20x16x128xi32, #tpu.memory_space<hbm>>
          %dma_wait3A_57 = arith.constant 0 : i32
          %dma_wait3A_58 = arith.constant 0 : i32
          %dma_wait3A_59 = tpu.memref_slice %dma_wait3A_56[%scan3A_28, %dma_wait3A_57, %dma_wait3A_58] : memref<20x16x128xi32, #tpu.memory_space<hbm>> -> memref<1x16x128xi32, #tpu.memory_space<hbm>>
          %dma_wait3A_60 = tpu.memref_squeeze %dma_wait3A_59 : memref<1x16x128xi32, #tpu.memory_space<hbm>> -> memref<16x128xi32, #tpu.memory_space<hbm>>
          %dma_wait3A_61 = arith.constant 0 : i32
          %dma_wait3A_62 = arith.constant 0 : i32
          %dma_wait3A_63 = arith.constant 0 : i32
          %dma_wait3A_64 = tpu.memref_slice %arg3[%arg1, %dma_wait3A_61, %dma_wait3A_62, %dma_wait3A_63] : memref<16x20x16x128xi32, #tpu.memory_space<hbm>> -> memref<1x20x16x128xi32, #tpu.memory_space<hbm>>
          %dma_wait3A_65 = tpu.memref_squeeze %dma_wait3A_64 : memref<1x20x16x128xi32, #tpu.memory_space<hbm>> -> memref<20x16x128xi32, #tpu.memory_space<hbm>>
          %dma_wait3A_66 = arith.constant 0 : i32
          %dma_wait3A_67 = arith.constant 0 : i32
          %dma_wait3A_68 = tpu.memref_slice %dma_wait3A_65[%scan3A_28, %dma_wait3A_66, %dma_wait3A_67] : memref<20x16x128xi32, #tpu.memory_space<hbm>> -> memref<1x16x128xi32, #tpu.memory_space<hbm>>
          %dma_wait3A_69 = tpu.memref_squeeze %dma_wait3A_68 : memref<1x16x128xi32, #tpu.memory_space<hbm>> -> memref<16x128xi32, #tpu.memory_space<hbm>>
          tpu.wait_dma2 semaphore(%run_scoped3A_35 : memref<!tpu.dma_semaphore, #tpu.memory_space<semaphore_mem>>) src(%dma_wait3A_69 : memref<16x128xi32, #tpu.memory_space<hbm>>) dst(%arg12 : memref<16x128xi32, #tpu.memory_space<vmem>>)
          tpu.yield
        }) : () -> ()
        %scan3A_29 = arith.constant 0 : i32
        %scan3A_30 = arith.constant 0 : i32
        %scan3A_31 = arith.constant 16 : i32
        %scan3A_32 = arith.addi %scan3A_30, %scan3A_31 : i32
        %scan3A_33 = arith.constant 1 : i32
        scf.for %scan3A_35 = %scan3A_30 to %scan3A_32 step %scan3A_33  : i32 {
          "tpu.region"() ({
            %run_scoped3A_36 = tpu.sem_alloc : memref<!tpu.dma_semaphore, #tpu.memory_space<semaphore_mem>>
            %dma_start3A = arith.constant 0 : i32
            %dma_start3A_37 = tpu.memref_slice %arg11[%scan3A_35, %dma_start3A] : memref<16x128xi32, #tpu.memory_space<vmem>> -> memref<1x128xi32, #tpu.memory_space<vmem>>
            %dma_start3A_38 = tpu.memref_squeeze %dma_start3A_37 : memref<1x128xi32, #tpu.memory_space<vmem>> -> memref<128xi32, #tpu.memory_space<vmem>>
            %dma_start3A_39 = arith.constant 0 : i32
            %dma_start3A_40 = arith.constant 0 : i32
            %dma_start3A_41 = tpu.memref_slice %arg7[%dma_start3A_39, %dma_start3A_40] : memref<10000x32xf32, #tpu.memory_space<hbm>> -> memref<10000x32xf32, #tpu.memory_space<hbm>>
            tpu.enqueue_indirect_dma source(%dma_start3A_41 : memref<10000x32xf32, #tpu.memory_space<hbm>>) target(%arg13 : memref<128x32xf32, #tpu.memory_space<vmem>>) offsets(%dma_start3A_38 : memref<128xi32, #tpu.memory_space<vmem>>) semaphore(%run_scoped3A_36 : memref<!tpu.dma_semaphore, #tpu.memory_space<semaphore_mem>>)
            %dma_wait3A = arith.constant 0 : i32
            %dma_wait3A_42 = tpu.memref_slice %arg11[%scan3A_35, %dma_wait3A] : memref<16x128xi32, #tpu.memory_space<vmem>> -> memref<1x128xi32, #tpu.memory_space<vmem>>
            %dma_wait3A_43 = tpu.memref_squeeze %dma_wait3A_42 : memref<1x128xi32, #tpu.memory_space<vmem>> -> memref<128xi32, #tpu.memory_space<vmem>>
            %dma_wait3A_44 = arith.constant 0 : i32
            %dma_wait3A_45 = arith.constant 0 : i32
            %dma_wait3A_46 = tpu.memref_slice %arg7[%dma_wait3A_44, %dma_wait3A_45] : memref<10000x32xf32, #tpu.memory_space<hbm>> -> memref<10000x32xf32, #tpu.memory_space<hbm>>
            tpu.wait_indirect_dma semaphore(%run_scoped3A_36 : memref<!tpu.dma_semaphore, #tpu.memory_space<semaphore_mem>>) src(%dma_wait3A_46 : memref<10000x32xf32, #tpu.memory_space<hbm>>) dst(%arg13 : memref<128x32xf32, #tpu.memory_space<vmem>>)
            tpu.yield
          }) : () -> ()
          "tpu.region"() ({
            %run_scoped3A_36 = tpu.sem_alloc : memref<!tpu.dma_semaphore, #tpu.memory_space<semaphore_mem>>
            %dma_start3A = arith.constant 0 : i32
            %dma_start3A_37 = tpu.memref_slice %arg12[%scan3A_35, %dma_start3A] : memref<16x128xi32, #tpu.memory_space<vmem>> -> memref<1x128xi32, #tpu.memory_space<vmem>>
            %dma_start3A_38 = tpu.memref_squeeze %dma_start3A_37 : memref<1x128xi32, #tpu.memory_space<vmem>> -> memref<128xi32, #tpu.memory_space<vmem>>
            %dma_start3A_39 = arith.constant 0 : i32
            %dma_start3A_40 = arith.constant 0 : i32
            %dma_start3A_41 = tpu.memref_slice %arg10[%dma_start3A_39, %dma_start3A_40] : memref<40064x32xf32, #tpu.memory_space<vmem_shared>> -> memref<40064x32xf32, #tpu.memory_space<vmem_shared>>
            tpu.enqueue_indirect_dma source(%arg13 : memref<128x32xf32, #tpu.memory_space<vmem>>) target(%dma_start3A_41 : memref<40064x32xf32, #tpu.memory_space<vmem_shared>>) offsets(%dma_start3A_38 : memref<128xi32, #tpu.memory_space<vmem>>) semaphore(%run_scoped3A_36 : memref<!tpu.dma_semaphore, #tpu.memory_space<semaphore_mem>>) {add = true}
            %dma_wait3A = arith.constant 0 : i32
            %dma_wait3A_42 = tpu.memref_slice %arg12[%scan3A_35, %dma_wait3A] : memref<16x128xi32, #tpu.memory_space<vmem>> -> memref<1x128xi32, #tpu.memory_space<vmem>>
            %dma_wait3A_43 = tpu.memref_squeeze %dma_wait3A_42 : memref<1x128xi32, #tpu.memory_space<vmem>> -> memref<128xi32, #tpu.memory_space<vmem>>
            %dma_wait3A_44 = arith.constant 0 : i32
            %dma_wait3A_45 = arith.constant 0 : i32
            %dma_wait3A_46 = tpu.memref_slice %arg10[%dma_wait3A_44, %dma_wait3A_45] : memref<40064x32xf32, #tpu.memory_space<vmem_shared>> -> memref<40064x32xf32, #tpu.memory_space<vmem_shared>>
            tpu.wait_indirect_dma semaphore(%run_scoped3A_36 : memref<!tpu.dma_semaphore, #tpu.memory_space<semaphore_mem>>) src(%arg13 : memref<128x32xf32, #tpu.memory_space<vmem>>) dst(%dma_wait3A_46 : memref<40064x32xf32, #tpu.memory_space<vmem_shared>>)
            tpu.yield
          }) : () -> ()
        }
        %scan3A_34 = arith.constant 16 : i32
      }
      %scan3A_22 = arith.constant 20 : i32
      %barrier3A_23 = arith.constant 0 : index
      tpu.barrier barrier_id(%barrier3A_23)
      %mul3A_24 = arith.constant 2504 : i32
      %mul3A_25 = arith.muli %arg1, %mul3A_24 : i32
      %mul3A_26 = arith.constant 2504 : i32
      %mul3A_27 = arith.muli %arg1, %mul3A_26 : i32
      %run_scoped3A = arith.constant 3 : i32
      "tpu.region"() ({
        %run_scoped3A_28 = tpu.sem_alloc : memref<!tpu.dma_semaphore, #tpu.memory_space<semaphore_mem>>
        %dma_start3A = arith.constant 0 : i32
        %dma_start3A_29 = arith.constant 0 : i32
        %dma_start3A_30 = tpu.memref_slice %arg9[%run_scoped3A, %dma_start3A, %dma_start3A_29] : memref<4x40064x32xf32, #tpu.memory_space<hbm>> -> memref<1x40064x32xf32, #tpu.memory_space<hbm>>
        %dma_start3A_31 = tpu.memref_squeeze %dma_start3A_30 : memref<1x40064x32xf32, #tpu.memory_space<hbm>> -> memref<40064x32xf32, #tpu.memory_space<hbm>>
        %dma_start3A_32 = arith.constant 0 : i32
        %dma_start3A_33 = tpu.memref_slice %dma_start3A_31[%mul3A_27, %dma_start3A_32] : memref<40064x32xf32, #tpu.memory_space<hbm>> -> memref<2504x32xf32, #tpu.memory_space<hbm>>
        %dma_start3A_34 = arith.constant 0 : i32
        %dma_start3A_35 = tpu.memref_slice %arg10[%mul3A_25, %dma_start3A_34] : memref<40064x32xf32, #tpu.memory_space<vmem_shared>> -> memref<2504x32xf32, #tpu.memory_space<vmem_shared>>
        tpu.enqueue_dma source(%dma_start3A_35 : memref<2504x32xf32, #tpu.memory_space<vmem_shared>>) target(%dma_start3A_33 : memref<2504x32xf32, #tpu.memory_space<hbm>>) target_semaphore(%run_scoped3A_28 : memref<!tpu.dma_semaphore, #tpu.memory_space<semaphore_mem>>)
        %dma_wait3A = arith.constant 0 : i32
        %dma_wait3A_36 = arith.constant 0 : i32
        %dma_wait3A_37 = tpu.memref_slice %arg9[%run_scoped3A, %dma_wait3A, %dma_wait3A_36] : memref<4x40064x32xf32, #tpu.memory_space<hbm>> -> memref<1x40064x32xf32, #tpu.memory_space<hbm>>
        %dma_wait3A_38 = tpu.memref_squeeze %dma_wait3A_37 : memref<1x40064x32xf32, #tpu.memory_space<hbm>> -> memref<40064x32xf32, #tpu.memory_space<hbm>>
        %dma_wait3A_39 = arith.constant 0 : i32
        %dma_wait3A_40 = tpu.memref_slice %dma_wait3A_38[%mul3A_27, %dma_wait3A_39] : memref<40064x32xf32, #tpu.memory_space<hbm>> -> memref<2504x32xf32, #tpu.memory_space<hbm>>
        %dma_wait3A_41 = arith.constant 0 : i32
        %dma_wait3A_42 = tpu.memref_slice %arg10[%mul3A_25, %dma_wait3A_41] : memref<40064x32xf32, #tpu.memory_space<vmem_shared>> -> memref<2504x32xf32, #tpu.memory_space<vmem_shared>>
        tpu.wait_dma2 semaphore(%run_scoped3A_28 : memref<!tpu.dma_semaphore, #tpu.memory_space<semaphore_mem>>) src(%dma_wait3A_42 : memref<2504x32xf32, #tpu.memory_space<vmem_shared>>) dst(%dma_wait3A_40 : memref<2504x32xf32, #tpu.memory_space<hbm>>)
        tpu.yield
      }) : () -> ()
    } else {
    }
    return
  }
}

module attributes {stable_mosaic.version = 14 : i64} {
  func.func @_cmb_body(%arg0: memref<5000x128xi32, #tpu.memory_space<vmem>>, %arg1: memref<5000x128xi32, #tpu.memory_space<vmem>>, %arg2: memref<5000x128xi32, #tpu.memory_space<vmem>>) attributes {dimension_semantics = [], scalar_prefetch = 0 : i64, scratch_operands = 0 : i64, tpu.core_type = #tpu.core_type<tc>} {
    %get3A = arith.constant 0 : index
    %get3A_0 = arith.constant 0 : index
    %get3A_1 = vector.load %arg0[%get3A, %get3A_0] : memref<5000x128xi32, #tpu.memory_space<vmem>>, vector<5000x128xi32>
    %mul3A = arith.constant 10000 : i32
    %mul3A_2 = vector.broadcast %mul3A : i32 to vector<5000x128xi32>
    %mul3A_3 = arith.muli %get3A_1, %mul3A_2 : vector<5000x128xi32>
    %get3A_4 = arith.constant 0 : index
    %get3A_5 = arith.constant 0 : index
    %get3A_6 = vector.load %arg1[%get3A_4, %get3A_5] : memref<5000x128xi32, #tpu.memory_space<vmem>>, vector<5000x128xi32>
    %add3A = arith.addi %mul3A_3, %get3A_6 : vector<5000x128xi32>
    %swap3A = arith.constant 0 : index
    %swap3A_7 = arith.constant 0 : index
    %swap3A_8 = vector.load %arg2[%swap3A, %swap3A_7] : memref<5000x128xi32, #tpu.memory_space<vmem>>, vector<5000x128xi32>
    tpu.vector_store %arg2[%swap3A, %swap3A_7], %add3A {strides = array<i32>} : memref<5000x128xi32, #tpu.memory_space<vmem>>, vector<5000x128xi32>,
    return
  }
}

module attributes {stable_mosaic.version = 14 : i64} {
  func.func @_wexp_body(%arg0: memref<4x30xf32, #tpu.memory_space<vmem>>, %arg1: memref<30x11008xf32, #tpu.memory_space<vmem>>, %arg2: memref<4x30xf32, #tpu.memory_space<vmem>>, %arg3: memref<30x16384xf32, #tpu.memory_space<vmem>>, %arg4: memref<4x11008xf32, #tpu.memory_space<vmem>>, %arg5: memref<4x16384xf32, #tpu.memory_space<vmem>>) attributes {dimension_semantics = [], scalar_prefetch = 0 : i64, scratch_operands = 0 : i64, tpu.core_type = #tpu.core_type<tc>} {
    %get3A = arith.constant 0 : index
    %get3A_0 = arith.constant 0 : index
    %get3A_1 = vector.load %arg0[%get3A, %get3A_0] : memref<4x30xf32, #tpu.memory_space<vmem>>, vector<4x30xf32>
    %get3A_2 = arith.constant 0 : index
    %get3A_3 = arith.constant 0 : index
    %get3A_4 = vector.load %arg1[%get3A_2, %get3A_3] : memref<30x11008xf32, #tpu.memory_space<vmem>>, vector<30x11008xf32>
    %dot_general3A = arith.constant dense<0.000000e+00> : vector<4x11008xf32>
    %dot_general3A_5 = tpu.matmul %get3A_1, %get3A_4, %dot_general3A {dimension_numbers = #tpu.dot_dimension_numbers<[1], [0], [0], [1], [0, 0, 1, 1], [], []>, transpose_lhs_hint = false} : vector<4x30xf32>, vector<30x11008xf32>, vector<4x11008xf32> -> vector<4x11008xf32>
    %swap3A = arith.constant 0 : index
    %swap3A_6 = arith.constant 0 : index
    %swap3A_7 = vector.load %arg4[%swap3A, %swap3A_6] : memref<4x11008xf32, #tpu.memory_space<vmem>>, vector<4x11008xf32>
    tpu.vector_store %arg4[%swap3A, %swap3A_6], %dot_general3A_5 {strides = array<i32>} : memref<4x11008xf32, #tpu.memory_space<vmem>>, vector<4x11008xf32>,
    %get3A_8 = arith.constant 0 : index
    %get3A_9 = arith.constant 0 : index
    %get3A_10 = vector.load %arg2[%get3A_8, %get3A_9] : memref<4x30xf32, #tpu.memory_space<vmem>>, vector<4x30xf32>
    %get3A_11 = arith.constant 0 : index
    %get3A_12 = arith.constant 0 : index
    %get3A_13 = vector.load %arg3[%get3A_11, %get3A_12] : memref<30x16384xf32, #tpu.memory_space<vmem>>, vector<30x16384xf32>
    %dot_general3A_14 = arith.constant dense<0.000000e+00> : vector<4x16384xf32>
    %dot_general3A_15 = tpu.matmul %get3A_10, %get3A_13, %dot_general3A_14 {dimension_numbers = #tpu.dot_dimension_numbers<[1], [0], [0], [1], [0, 0, 1, 1], [], []>, transpose_lhs_hint = false} : vector<4x30xf32>, vector<30x16384xf32>, vector<4x16384xf32> -> vector<4x16384xf32>
    %swap3A_16 = arith.constant 0 : index
    %swap3A_17 = arith.constant 0 : index
    %swap3A_18 = vector.load %arg5[%swap3A_16, %swap3A_17] : memref<4x16384xf32, #tpu.memory_space<vmem>>, vector<4x16384xf32>
    tpu.vector_store %arg5[%swap3A_16, %swap3A_17], %dot_general3A_15 {strides = array<i32>} : memref<4x16384xf32, #tpu.memory_space<vmem>>, vector<4x16384xf32>,
    return
  }
}

module attributes {stable_mosaic.version = 14 : i64} {
  func.func @_dense1_body(%arg0: i32, %arg1: i32, %arg2: memref<2000x96xf32, #tpu.memory_space<vmem>>, %arg3: memref<96x128xf32, #tpu.memory_space<vmem>>, %arg4: memref<1x2000x48xf32, #tpu.memory_space<vmem>>, %arg5: memref<1x2000x48xf32, #tpu.memory_space<vmem>>, %arg6: memref<1x96x128xf32, #tpu.memory_space<vmem>>, %arg7: memref<2000x128xf32, #tpu.memory_space<vmem>>) attributes {dimension_semantics = [#tpu.dimension_semantics<arbitrary>, #tpu.dimension_semantics<arbitrary>], iteration_bounds = array<i64: 5, 5>, scalar_prefetch = 0 : i64, scratch_operands = 0 : i64, tpu.core_type = #tpu.core_type<tc>, window_params = [{transform_indices = @transform_0, window_bounds = array<i64: 2000, 96>}, {pipeline_mode = #tpu.pipeline_mode<synchronous>, transform_indices = @transform_1, window_bounds = array<i64: 96, 128>}, {transform_indices = @transform_2, window_bounds = array<i64: 1, 2000, 48>}, {transform_indices = @transform_3, window_bounds = array<i64: 1, 2000, 48>}, {transform_indices = @transform_4, window_bounds = array<i64: 1, 96, 128>}, {transform_indices = @transform_5, window_bounds = array<i64: 2000, 128>}]} {
    %eq3A = arith.constant 0 : i32
    %eq3A_0 = arith.cmpi eq, %arg1, %eq3A : i32
    %convert_element_type3A = arith.extui %eq3A_0 : i1 to i32
    %cond3A = arith.constant 0 : i32
    %cond3A_1 = arith.cmpi ne, %convert_element_type3A, %cond3A : i32
    scf.if %cond3A_1 {
      %get3A = arith.constant 0 : index
      %get3A_11 = arith.constant 0 : index
      %get3A_12 = vector.load %arg2[%get3A, %get3A_11] : memref<2000x96xf32, #tpu.memory_space<vmem>>, vector<2000x96xf32>
      %get3A_13 = arith.constant 0 : index
      %get3A_14 = arith.constant 0 : index
      %get3A_15 = vector.load %arg3[%get3A_13, %get3A_14] : memref<96x128xf32, #tpu.memory_space<vmem>>, vector<96x128xf32>
      %dot_general3A = arith.constant dense<0.000000e+00> : vector<2000x128xf32>
      %dot_general3A_16 = tpu.matmul %get3A_12, %get3A_15, %dot_general3A {dimension_numbers = #tpu.dot_dimension_numbers<[1], [0], [0], [1], [0, 0, 1, 1], [], []>, transpose_lhs_hint = false} : vector<2000x96xf32>, vector<96x128xf32>, vector<2000x128xf32> -> vector<2000x128xf32>
      %swap3A = arith.constant 0 : index
      %swap3A_17 = arith.constant 0 : index
      %swap3A_18 = vector.load %arg7[%swap3A, %swap3A_17] : memref<2000x128xf32, #tpu.memory_space<vmem>>, vector<2000x128xf32>
      tpu.vector_store %arg7[%swap3A, %swap3A_17], %dot_general3A_16 {strides = array<i32>} : memref<2000x128xf32, #tpu.memory_space<vmem>>, vector<2000x128xf32>,
    } else {
    }
    %gt3A = arith.constant 0 : i32
    %gt3A_2 = arith.cmpi sgt, %arg1, %gt3A : i32
    %convert_element_type3A_3 = arith.extui %gt3A_2 : i1 to i32
    %cond3A_4 = arith.constant 0 : i32
    %cond3A_5 = arith.cmpi ne, %convert_element_type3A_3, %cond3A_4 : i32
    scf.if %cond3A_5 {
      %get3A = arith.constant 0 : index
      %get3A_11 = arith.constant 0 : index
      %get3A_12 = arith.constant 0 : index
      %get3A_13 = vector.load %arg4[%get3A, %get3A_11, %get3A_12] : memref<1x2000x48xf32, #tpu.memory_space<vmem>>, vector<1x2000x48xf32>
      %get3A_14 = vector.shape_cast %get3A_13 : vector<1x2000x48xf32> to vector<2000x48xf32>
      %get3A_15 = arith.constant 0 : index
      %get3A_16 = arith.constant 0 : index
      %get3A_17 = arith.constant 0 : index
      %get3A_18 = vector.load %arg5[%get3A_15, %get3A_16, %get3A_17] : memref<1x2000x48xf32, #tpu.memory_space<vmem>>, vector<1x2000x48xf32>
      %get3A_19 = vector.shape_cast %get3A_18 : vector<1x2000x48xf32> to vector<2000x48xf32>
      %slice3A = vector.extract_strided_slice %get3A_19 {offsets = [0, 38], sizes = [2000, 1], strides = [1, 1]} : vector<2000x48xf32> to vector<2000x1xf32>
      %max3A = arith.constant 1.000000e+00 : f32
      %max3A_20 = vector.broadcast %max3A : f32 to vector<2000x1xf32>
      %max3A_21 = arith.maximumf %slice3A, %max3A_20 : vector<2000x1xf32>
      %get3A_22 = arith.constant 0 : index
      %get3A_23 = arith.constant 0 : index
      %get3A_24 = arith.constant 0 : index
      %get3A_25 = vector.load %arg6[%get3A_22, %get3A_23, %get3A_24] : memref<1x96x128xf32, #tpu.memory_space<vmem>>, vector<1x96x128xf32>
      %get3A_26 = vector.shape_cast %get3A_25 : vector<1x96x128xf32> to vector<96x128xf32>
      %slice3A_27 = vector.extract_strided_slice %get3A_26 {offsets = [0, 0], sizes = [48, 128], strides = [1, 1]} : vector<96x128xf32> to vector<48x128xf32>
      %dot_general3A = arith.constant dense<0.000000e+00> : vector<2000x128xf32>
      %dot_general3A_28 = tpu.matmul %get3A_14, %slice3A_27, %dot_general3A {dimension_numbers = #tpu.dot_dimension_numbers<[1], [0], [0], [1], [0, 0, 1, 1], [], []>, transpose_lhs_hint = false} : vector<2000x48xf32>, vector<48x128xf32>, vector<2000x128xf32> -> vector<2000x128xf32>
      %slice3A_29 = vector.extract_strided_slice %get3A_26 {offsets = [48, 0], sizes = [48, 128], strides = [1, 1]} : vector<96x128xf32> to vector<48x128xf32>
      %dot_general3A_30 = arith.constant dense<0.000000e+00> : vector<2000x128xf32>
      %dot_general3A_31 = tpu.matmul %get3A_19, %slice3A_29, %dot_general3A_30 {dimension_numbers = #tpu.dot_dimension_numbers<[1], [0], [0], [1], [0, 0, 1, 1], [], []>, transpose_lhs_hint = false} : vector<2000x48xf32>, vector<48x128xf32>, vector<2000x128xf32> -> vector<2000x128xf32>
      %add3A = arith.addf %dot_general3A_28, %dot_general3A_31 : vector<2000x128xf32>
      %get3A_32 = arith.constant 0 : index
      %get3A_33 = arith.constant 0 : index
      %get3A_34 = vector.load %arg7[%get3A_32, %get3A_33] : memref<2000x128xf32, #tpu.memory_space<vmem>>, vector<2000x128xf32>
      %div3A = vector.broadcast %max3A_21 : vector<2000x1xf32> to vector<2000x128xf32>
      %div3A_35 = arith.divf %add3A, %div3A : vector<2000x128xf32>
      %add3A_36 = arith.addf %get3A_34, %div3A_35 : vector<2000x128xf32>
      %swap3A = arith.constant 0 : index
      %swap3A_37 = arith.constant 0 : index
      %swap3A_38 = vector.load %arg7[%swap3A, %swap3A_37] : memref<2000x128xf32, #tpu.memory_space<vmem>>, vector<2000x128xf32>
      tpu.vector_store %arg7[%swap3A, %swap3A_37], %add3A_36 {strides = array<i32>} : memref<2000x128xf32, #tpu.memory_space<vmem>>, vector<2000x128xf32>,
    } else {
    }
    %eq3A_6 = arith.constant 4 : i32
    %eq3A_7 = arith.cmpi eq, %arg1, %eq3A_6 : i32
    %convert_element_type3A_8 = arith.extui %eq3A_7 : i1 to i32
    %cond3A_9 = arith.constant 0 : i32
    %cond3A_10 = arith.cmpi ne, %convert_element_type3A_8, %cond3A_9 : i32
    scf.if %cond3A_10 {
      %get3A = arith.constant 0 : index
      %get3A_11 = arith.constant 0 : index
      %get3A_12 = vector.load %arg7[%get3A, %get3A_11] : memref<2000x128xf32, #tpu.memory_space<vmem>>, vector<2000x128xf32>
      %max3A = arith.constant 0.000000e+00 : f32
      %max3A_13 = vector.broadcast %max3A : f32 to vector<2000x128xf32>
      %max3A_14 = arith.maximumf %get3A_12, %max3A_13 : vector<2000x128xf32>
      %swap3A = arith.constant 0 : index
      %swap3A_15 = arith.constant 0 : index
      %swap3A_16 = vector.load %arg7[%swap3A, %swap3A_15] : memref<2000x128xf32, #tpu.memory_space<vmem>>, vector<2000x128xf32>
      tpu.vector_store %arg7[%swap3A, %swap3A_15], %max3A_14 {strides = array<i32>} : memref<2000x128xf32, #tpu.memory_space<vmem>>, vector<2000x128xf32>,
    } else {
    }
    return
  }
  func.func @transform_0(%arg0: i32, %arg1: i32) -> (i32, i32) {
    %c0_i32 = arith.constant 0 : i32
    %c0_i32_0 = arith.constant 0 : i32
    return %arg0, %c0_i32 : i32, i32
  }
  func.func @transform_1(%arg0: i32, %arg1: i32) -> (i32, i32) {
    %c0_i32 = arith.constant 0 : i32
    %c0_i32_0 = arith.constant 0 : i32
    %c0_i32_1 = arith.constant 0 : i32
    return %c0_i32, %c0_i32_0 : i32, i32
  }
  func.func @transform_2(%arg0: i32, %arg1: i32) -> (i32, i32, i32) {
    %sub3A = arith.constant 1 : i32
    %sub3A_0 = arith.subi %arg1, %sub3A : i32
    %max3A = arith.constant 0 : i32
    %max3A_1 = arith.maxsi %sub3A_0, %max3A : i32
    %mul3A = arith.constant 5 : i32
    %mul3A_2 = arith.muli %max3A_1, %mul3A : i32
    %add3A = arith.addi %mul3A_2, %arg0 : i32
    %c0_i32 = arith.constant 0 : i32
    %c0_i32_3 = arith.constant 0 : i32
    %c0_i32_4 = arith.constant 0 : i32
    return %c0_i32, %add3A, %c0_i32_3 : i32, i32, i32
  }
  func.func @transform_3(%arg0: i32, %arg1: i32) -> (i32, i32, i32) {
    %sub3A = arith.constant 1 : i32
    %sub3A_0 = arith.subi %arg1, %sub3A : i32
    %max3A = arith.constant 0 : i32
    %max3A_1 = arith.maxsi %sub3A_0, %max3A : i32
    %mul3A = arith.constant 5 : i32
    %mul3A_2 = arith.muli %max3A_1, %mul3A : i32
    %add3A = arith.addi %mul3A_2, %arg0 : i32
    %c1_i32 = arith.constant 1 : i32
    %c0_i32 = arith.constant 0 : i32
    %c0_i32_3 = arith.constant 0 : i32
    return %c1_i32, %add3A, %c0_i32 : i32, i32, i32
  }
  func.func @transform_4(%arg0: i32, %arg1: i32) -> (i32, i32, i32) {
    %sub3A = arith.constant 1 : i32
    %sub3A_0 = arith.subi %arg1, %sub3A : i32
    %max3A = arith.constant 0 : i32
    %max3A_1 = arith.maxsi %sub3A_0, %max3A : i32
    %c0_i32 = arith.constant 0 : i32
    %c0_i32_2 = arith.constant 0 : i32
    %c0_i32_3 = arith.constant 0 : i32
    return %max3A_1, %c0_i32, %c0_i32_2 : i32, i32, i32
  }
  func.func @transform_5(%arg0: i32, %arg1: i32) -> (i32, i32) {
    %c0_i32 = arith.constant 0 : i32
    %c0_i32_0 = arith.constant 0 : i32
    return %arg0, %c0_i32 : i32, i32
  }
}

module attributes {stable_mosaic.version = 14 : i64} {
  func.func @_dense2_body(%arg0: i32, %arg1: i32, %arg2: memref<2000x128xf32, #tpu.memory_space<vmem>>, %arg3: memref<128x128xf32, #tpu.memory_space<vmem>>, %arg4: memref<1x128xf32, #tpu.memory_space<vmem>>, %arg5: memref<1x2000x32xf32, #tpu.memory_space<vmem>>, %arg6: memref<1x2000x32xf32, #tpu.memory_space<vmem>>, %arg7: memref<1x2000x32xf32, #tpu.memory_space<vmem>>, %arg8: memref<1x2000x32xf32, #tpu.memory_space<vmem>>, %arg9: memref<1x2000x48xf32, #tpu.memory_space<vmem>>, %arg10: memref<1x128x128xf32, #tpu.memory_space<vmem>>, %arg11: memref<1x1x2000xi32, #tpu.memory_space<vmem>>, %arg12: memref<64x128xf32, #tpu.memory_space<vmem>>, %arg13: memref<2000x128xf32, #tpu.memory_space<vmem>>) attributes {dimension_semantics = [#tpu.dimension_semantics<arbitrary>, #tpu.dimension_semantics<arbitrary>], iteration_bounds = array<i64: 5, 5>, scalar_prefetch = 0 : i64, scratch_operands = 1 : i64, tpu.core_type = #tpu.core_type<tc>, window_params = [{transform_indices = @transform_0, window_bounds = array<i64: 2000, 128>}, {pipeline_mode = #tpu.pipeline_mode<synchronous>, transform_indices = @transform_1, window_bounds = array<i64: 128, 128>}, {pipeline_mode = #tpu.pipeline_mode<synchronous>, transform_indices = @transform_2, window_bounds = array<i64: 1, 128>}, {transform_indices = @transform_3, window_bounds = array<i64: 1, 2000, 32>}, {transform_indices = @transform_4, window_bounds = array<i64: 1, 2000, 32>}, {transform_indices = @transform_5, window_bounds = array<i64: 1, 2000, 32>}, {transform_indices = @transform_6, window_bounds = array<i64: 1, 2000, 32>}, {transform_indices = @transform_7, window_bounds = array<i64: 1, 2000, 48>}, {transform_indices = @transform_8, window_bounds = array<i64: 1, 128, 128>}, {transform_indices = @transform_9, window_bounds = array<i64: 1, 1, 2000>}, {pipeline_mode = #tpu.pipeline_mode<synchronous>, transform_indices = @transform_10, window_bounds = array<i64: 64, 128>}]} {
    %eq3A = arith.constant 0 : i32
    %eq3A_0 = arith.cmpi eq, %arg1, %eq3A : i32
    %convert_element_type3A = arith.extui %eq3A_0 : i1 to i32
    %cond3A = arith.constant 0 : i32
    %cond3A_1 = arith.cmpi ne, %convert_element_type3A, %cond3A : i32
    scf.if %cond3A_1 {
      %get3A = arith.constant 0 : index
      %get3A_11 = arith.constant 0 : index
      %get3A_12 = vector.load %arg2[%get3A, %get3A_11] : memref<2000x128xf32, #tpu.memory_space<vmem>>, vector<2000x128xf32>
      %get3A_13 = arith.constant 0 : index
      %get3A_14 = arith.constant 0 : index
      %get3A_15 = vector.load %arg3[%get3A_13, %get3A_14] : memref<128x128xf32, #tpu.memory_space<vmem>>, vector<128x128xf32>
      %dot_general3A = arith.constant dense<0.000000e+00> : vector<2000x128xf32>
      %dot_general3A_16 = tpu.matmul %get3A_12, %get3A_15, %dot_general3A {dimension_numbers = #tpu.dot_dimension_numbers<[1], [0], [0], [1], [0, 0, 1, 1], [], []>, transpose_lhs_hint = false} : vector<2000x128xf32>, vector<128x128xf32>, vector<2000x128xf32> -> vector<2000x128xf32>
      %get3A_17 = arith.constant 0 : index
      %get3A_18 = arith.constant 0 : index
      %get3A_19 = vector.load %arg4[%get3A_17, %get3A_18] : memref<1x128xf32, #tpu.memory_space<vmem>>, vector<1x128xf32>
      %add3A = vector.broadcast %get3A_19 : vector<1x128xf32> to vector<2000x128xf32>
      %add3A_20 = arith.addf %dot_general3A_16, %add3A : vector<2000x128xf32>
      %swap3A = arith.constant 0 : index
      %swap3A_21 = arith.constant 0 : index
      %swap3A_22 = vector.load %arg13[%swap3A, %swap3A_21] : memref<2000x128xf32, #tpu.memory_space<vmem>>, vector<2000x128xf32>
      tpu.vector_store %arg13[%swap3A, %swap3A_21], %add3A_20 {strides = array<i32>} : memref<2000x128xf32, #tpu.memory_space<vmem>>, vector<2000x128xf32>,
    } else {
    }
    %gt3A = arith.constant 0 : i32
    %gt3A_2 = arith.cmpi sgt, %arg1, %gt3A : i32
    %convert_element_type3A_3 = arith.extui %gt3A_2 : i1 to i32
    %cond3A_4 = arith.constant 0 : i32
    %cond3A_5 = arith.cmpi ne, %convert_element_type3A_3, %cond3A_4 : i32
    scf.if %cond3A_5 {
      %get3A = arith.constant 0 : index
      %get3A_11 = arith.constant 0 : index
      %get3A_12 = arith.constant 0 : index
      %get3A_13 = vector.load %arg10[%get3A, %get3A_11, %get3A_12] : memref<1x128x128xf32, #tpu.memory_space<vmem>>, vector<1x128x128xf32>
      %get3A_14 = vector.shape_cast %get3A_13 : vector<1x128x128xf32> to vector<128x128xf32>
      %get3A_15 = arith.constant 0 : index
      %get3A_16 = arith.constant 0 : index
      %get3A_17 = arith.constant 0 : index
      %get3A_18 = vector.load %arg5[%get3A_15, %get3A_16, %get3A_17] : memref<1x2000x32xf32, #tpu.memory_space<vmem>>, vector<1x2000x32xf32>
      %get3A_19 = vector.shape_cast %get3A_18 : vector<1x2000x32xf32> to vector<2000x32xf32>
      %slice3A = vector.extract_strided_slice %get3A_14 {offsets = [0, 0], sizes = [32, 128], strides = [1, 1]} : vector<128x128xf32> to vector<32x128xf32>
      %dot_general3A = arith.constant dense<0.000000e+00> : vector<2000x128xf32>
      %dot_general3A_20 = tpu.matmul %get3A_19, %slice3A, %dot_general3A {dimension_numbers = #tpu.dot_dimension_numbers<[1], [0], [0], [1], [0, 0, 1, 1], [], []>, transpose_lhs_hint = false} : vector<2000x32xf32>, vector<32x128xf32>, vector<2000x128xf32> -> vector<2000x128xf32>
      %get3A_21 = arith.constant 0 : index
      %get3A_22 = arith.constant 0 : index
      %get3A_23 = arith.constant 0 : index
      %get3A_24 = vector.load %arg6[%get3A_21, %get3A_22, %get3A_23] : memref<1x2000x32xf32, #tpu.memory_space<vmem>>, vector<1x2000x32xf32>
      %get3A_25 = vector.shape_cast %get3A_24 : vector<1x2000x32xf32> to vector<2000x32xf32>
      %slice3A_26 = vector.extract_strided_slice %get3A_14 {offsets = [32, 0], sizes = [32, 128], strides = [1, 1]} : vector<128x128xf32> to vector<32x128xf32>
      %dot_general3A_27 = arith.constant dense<0.000000e+00> : vector<2000x128xf32>
      %dot_general3A_28 = tpu.matmul %get3A_25, %slice3A_26, %dot_general3A_27 {dimension_numbers = #tpu.dot_dimension_numbers<[1], [0], [0], [1], [0, 0, 1, 1], [], []>, transpose_lhs_hint = false} : vector<2000x32xf32>, vector<32x128xf32>, vector<2000x128xf32> -> vector<2000x128xf32>
      %add3A = arith.addf %dot_general3A_20, %dot_general3A_28 : vector<2000x128xf32>
      %get3A_29 = arith.constant 0 : index
      %get3A_30 = arith.constant 0 : index
      %get3A_31 = arith.constant 0 : index
      %get3A_32 = vector.load %arg7[%get3A_29, %get3A_30, %get3A_31] : memref<1x2000x32xf32, #tpu.memory_space<vmem>>, vector<1x2000x32xf32>
      %get3A_33 = vector.shape_cast %get3A_32 : vector<1x2000x32xf32> to vector<2000x32xf32>
      %slice3A_34 = vector.extract_strided_slice %get3A_14 {offsets = [64, 0], sizes = [32, 128], strides = [1, 1]} : vector<128x128xf32> to vector<32x128xf32>
      %dot_general3A_35 = arith.constant dense<0.000000e+00> : vector<2000x128xf32>
      %dot_general3A_36 = tpu.matmul %get3A_33, %slice3A_34, %dot_general3A_35 {dimension_numbers = #tpu.dot_dimension_numbers<[1], [0], [0], [1], [0, 0, 1, 1], [], []>, transpose_lhs_hint = false} : vector<2000x32xf32>, vector<32x128xf32>, vector<2000x128xf32> -> vector<2000x128xf32>
      %add3A_37 = arith.addf %add3A, %dot_general3A_36 : vector<2000x128xf32>
      %get3A_38 = arith.constant 0 : index
      %get3A_39 = arith.constant 0 : index
      %get3A_40 = arith.constant 0 : index
      %get3A_41 = vector.load %arg8[%get3A_38, %get3A_39, %get3A_40] : memref<1x2000x32xf32, #tpu.memory_space<vmem>>, vector<1x2000x32xf32>
      %get3A_42 = vector.shape_cast %get3A_41 : vector<1x2000x32xf32> to vector<2000x32xf32>
      %slice3A_43 = vector.extract_strided_slice %get3A_14 {offsets = [96, 0], sizes = [32, 128], strides = [1, 1]} : vector<128x128xf32> to vector<32x128xf32>
      %dot_general3A_44 = arith.constant dense<0.000000e+00> : vector<2000x128xf32>
      %dot_general3A_45 = tpu.matmul %get3A_42, %slice3A_43, %dot_general3A_44 {dimension_numbers = #tpu.dot_dimension_numbers<[1], [0], [0], [1], [0, 0, 1, 1], [], []>, transpose_lhs_hint = false} : vector<2000x32xf32>, vector<32x128xf32>, vector<2000x128xf32> -> vector<2000x128xf32>
      %add3A_46 = arith.addf %add3A_37, %dot_general3A_45 : vector<2000x128xf32>
      %get3A_47 = arith.constant 0 : index
      %get3A_48 = arith.constant 0 : index
      %get3A_49 = arith.constant 0 : index
      %get3A_50 = vector.load %arg9[%get3A_47, %get3A_48, %get3A_49] : memref<1x2000x48xf32, #tpu.memory_space<vmem>>, vector<1x2000x48xf32>
      %get3A_51 = vector.shape_cast %get3A_50 : vector<1x2000x48xf32> to vector<2000x48xf32>
      %slice3A_52 = vector.extract_strided_slice %get3A_51 {offsets = [0, 38], sizes = [2000, 1], strides = [1, 1]} : vector<2000x48xf32> to vector<2000x1xf32>
      %max3A = arith.constant 1.000000e+00 : f32
      %max3A_53 = vector.broadcast %max3A : f32 to vector<2000x1xf32>
      %max3A_54 = arith.maximumf %slice3A_52, %max3A_53 : vector<2000x1xf32>
      %get3A_55 = arith.constant 0 : index
      %get3A_56 = arith.constant 0 : index
      %get3A_57 = vector.load %arg13[%get3A_55, %get3A_56] : memref<2000x128xf32, #tpu.memory_space<vmem>>, vector<2000x128xf32>
      %div3A = vector.broadcast %max3A_54 : vector<2000x1xf32> to vector<2000x128xf32>
      %div3A_58 = arith.divf %add3A_46, %div3A : vector<2000x128xf32>
      %add3A_59 = arith.addf %get3A_57, %div3A_58 : vector<2000x128xf32>
      %swap3A = arith.constant 0 : index
      %swap3A_60 = arith.constant 0 : index
      %swap3A_61 = vector.load %arg13[%swap3A, %swap3A_60] : memref<2000x128xf32, #tpu.memory_space<vmem>>, vector<2000x128xf32>
      tpu.vector_store %arg13[%swap3A, %swap3A_60], %add3A_59 {strides = array<i32>} : memref<2000x128xf32, #tpu.memory_space<vmem>>, vector<2000x128xf32>,
    } else {
    }
    %eq3A_6 = arith.constant 4 : i32
    %eq3A_7 = arith.cmpi eq, %arg1, %eq3A_6 : i32
    %convert_element_type3A_8 = arith.extui %eq3A_7 : i1 to i32
    %cond3A_9 = arith.constant 0 : i32
    %cond3A_10 = arith.cmpi ne, %convert_element_type3A_8, %cond3A_9 : i32
    scf.if %cond3A_10 {
      %get3A = arith.constant 0 : index
      %get3A_11 = arith.constant 0 : index
      %get3A_12 = arith.constant 0 : index
      %get3A_13 = vector.load %arg11[%get3A, %get3A_11, %get3A_12] : memref<1x1x2000xi32, #tpu.memory_space<vmem>>, vector<1x1x2000xi32>
      %get3A_14 = vector.shape_cast %get3A_13 : vector<1x1x2000xi32> to vector<1x2000xi32>
      %iota3A = tpu.iota {dimensions = array<i32: 0>} : vector<64x2000xi32>
      %broadcast_in_dim3A = vector.shape_cast %get3A_14 : vector<1x2000xi32> to vector<1x2000xi32>
      %broadcast_in_dim3A_15 = vector.broadcast %broadcast_in_dim3A : vector<1x2000xi32> to vector<64x2000xi32>
      %eq3A_16 = arith.cmpi eq, %iota3A, %broadcast_in_dim3A_15 : vector<64x2000xi32>
      %convert_element_type3A_17 = arith.extui %eq3A_16 : vector<64x2000xi1> to vector<64x2000xi32>
      %convert_element_type3A_18 = arith.sitofp %convert_element_type3A_17 : vector<64x2000xi32> to vector<64x2000xf32>
      %get3A_19 = arith.constant 0 : index
      %get3A_20 = arith.constant 0 : index
      %get3A_21 = vector.load %arg13[%get3A_19, %get3A_20] : memref<2000x128xf32, #tpu.memory_space<vmem>>, vector<2000x128xf32>
      %dot_general3A = arith.constant dense<0.000000e+00> : vector<64x128xf32>
      %dot_general3A_22 = tpu.matmul %convert_element_type3A_18, %get3A_21, %dot_general3A {dimension_numbers = #tpu.dot_dimension_numbers<[1], [0], [0], [1], [0, 0, 1, 1], [], []>, transpose_lhs_hint = false} : vector<64x2000xf32>, vector<2000x128xf32>, vector<64x128xf32> -> vector<64x128xf32>
      %eq3A_23 = arith.constant 0 : i32
      %eq3A_24 = arith.cmpi eq, %arg0, %eq3A_23 : i32
      %get3A_25 = arith.constant 0 : index
      %get3A_26 = arith.constant 0 : index
      %get3A_27 = vector.load %arg12[%get3A_25, %get3A_26] : memref<64x128xf32, #tpu.memory_space<vmem>>, vector<64x128xf32>
      %add3A = arith.addf %get3A_27, %dot_general3A_22 : vector<64x128xf32>
      %select_n3A = arith.select %eq3A_24, %dot_general3A_22, %add3A : vector<64x128xf32>
      %swap3A = arith.constant 0 : index
      %swap3A_28 = arith.constant 0 : index
      %swap3A_29 = vector.load %arg12[%swap3A, %swap3A_28] : memref<64x128xf32, #tpu.memory_space<vmem>>, vector<64x128xf32>
      tpu.vector_store %arg12[%swap3A, %swap3A_28], %select_n3A {strides = array<i32>} : memref<64x128xf32, #tpu.memory_space<vmem>>, vector<64x128xf32>,
    } else {
    }
    return
  }
  func.func @transform_0(%arg0: i32, %arg1: i32) -> (i32, i32) {
    %c0_i32 = arith.constant 0 : i32
    %c0_i32_0 = arith.constant 0 : i32
    return %arg0, %c0_i32 : i32, i32
  }
  func.func @transform_1(%arg0: i32, %arg1: i32) -> (i32, i32) {
    %c0_i32 = arith.constant 0 : i32
    %c0_i32_0 = arith.constant 0 : i32
    %c0_i32_1 = arith.constant 0 : i32
    return %c0_i32, %c0_i32_0 : i32, i32
  }
  func.func @transform_2(%arg0: i32, %arg1: i32) -> (i32, i32) {
    %c0_i32 = arith.constant 0 : i32
    %c0_i32_0 = arith.constant 0 : i32
    %c0_i32_1 = arith.constant 0 : i32
    return %c0_i32, %c0_i32_0 : i32, i32
  }
  func.func @transform_3(%arg0: i32, %arg1: i32) -> (i32, i32, i32) {
    %sub3A = arith.constant 1 : i32
    %sub3A_0 = arith.subi %arg1, %sub3A : i32
    %max3A = arith.constant 0 : i32
    %max3A_1 = arith.maxsi %sub3A_0, %max3A : i32
    %mul3A = arith.constant 5 : i32
    %mul3A_2 = arith.muli %max3A_1, %mul3A : i32
    %add3A = arith.addi %mul3A_2, %arg0 : i32
    %c0_i32 = arith.constant 0 : i32
    %c0_i32_3 = arith.constant 0 : i32
    %c0_i32_4 = arith.constant 0 : i32
    return %c0_i32, %add3A, %c0_i32_3 : i32, i32, i32
  }
  func.func @transform_4(%arg0: i32, %arg1: i32) -> (i32, i32, i32) {
    %sub3A = arith.constant 1 : i32
    %sub3A_0 = arith.subi %arg1, %sub3A : i32
    %max3A = arith.constant 0 : i32
    %max3A_1 = arith.maxsi %sub3A_0, %max3A : i32
    %mul3A = arith.constant 5 : i32
    %mul3A_2 = arith.muli %max3A_1, %mul3A : i32
    %add3A = arith.addi %mul3A_2, %arg0 : i32
    %c1_i32 = arith.constant 1 : i32
    %c0_i32 = arith.constant 0 : i32
    %c0_i32_3 = arith.constant 0 : i32
    return %c1_i32, %add3A, %c0_i32 : i32, i32, i32
  }
  func.func @transform_5(%arg0: i32, %arg1: i32) -> (i32, i32, i32) {
    %sub3A = arith.constant 1 : i32
    %sub3A_0 = arith.subi %arg1, %sub3A : i32
    %max3A = arith.constant 0 : i32
    %max3A_1 = arith.maxsi %sub3A_0, %max3A : i32
    %mul3A = arith.constant 5 : i32
    %mul3A_2 = arith.muli %max3A_1, %mul3A : i32
    %add3A = arith.addi %mul3A_2, %arg0 : i32
    %c2_i32 = arith.constant 2 : i32
    %c0_i32 = arith.constant 0 : i32
    %c0_i32_3 = arith.constant 0 : i32
    return %c2_i32, %add3A, %c0_i32 : i32, i32, i32
  }
  func.func @transform_6(%arg0: i32, %arg1: i32) -> (i32, i32, i32) {
    %sub3A = arith.constant 1 : i32
    %sub3A_0 = arith.subi %arg1, %sub3A : i32
    %max3A = arith.constant 0 : i32
    %max3A_1 = arith.maxsi %sub3A_0, %max3A : i32
    %mul3A = arith.constant 5 : i32
    %mul3A_2 = arith.muli %max3A_1, %mul3A : i32
    %add3A = arith.addi %mul3A_2, %arg0 : i32
    %c3_i32 = arith.constant 3 : i32
    %c0_i32 = arith.constant 0 : i32
    %c0_i32_3 = arith.constant 0 : i32
    return %c3_i32, %add3A, %c0_i32 : i32, i32, i32
  }
  func.func @transform_7(%arg0: i32, %arg1: i32) -> (i32, i32, i32) {
    %sub3A = arith.constant 1 : i32
    %sub3A_0 = arith.subi %arg1, %sub3A : i32
    %max3A = arith.constant 0 : i32
    %max3A_1 = arith.maxsi %sub3A_0, %max3A : i32
    %mul3A = arith.constant 5 : i32
    %mul3A_2 = arith.muli %max3A_1, %mul3A : i32
    %add3A = arith.addi %mul3A_2, %arg0 : i32
    %c1_i32 = arith.constant 1 : i32
    %c0_i32 = arith.constant 0 : i32
    %c0_i32_3 = arith.constant 0 : i32
    return %c1_i32, %add3A, %c0_i32 : i32, i32, i32
  }
  func.func @transform_8(%arg0: i32, %arg1: i32) -> (i32, i32, i32) {
    %sub3A = arith.constant 1 : i32
    %sub3A_0 = arith.subi %arg1, %sub3A : i32
    %max3A = arith.constant 0 : i32
    %max3A_1 = arith.maxsi %sub3A_0, %max3A : i32
    %c0_i32 = arith.constant 0 : i32
    %c0_i32_2 = arith.constant 0 : i32
    %c0_i32_3 = arith.constant 0 : i32
    return %max3A_1, %c0_i32, %c0_i32_2 : i32, i32, i32
  }
  func.func @transform_9(%arg0: i32, %arg1: i32) -> (i32, i32, i32) {
    %c0_i32 = arith.constant 0 : i32
    %c0_i32_0 = arith.constant 0 : i32
    %c0_i32_1 = arith.constant 0 : i32
    return %arg0, %c0_i32, %c0_i32_0 : i32, i32, i32
  }
  func.func @transform_10(%arg0: i32, %arg1: i32) -> (i32, i32) {
    %c0_i32 = arith.constant 0 : i32
    %c0_i32_0 = arith.constant 0 : i32
    %c0_i32_1 = arith.constant 0 : i32
    return %c0_i32, %c0_i32_0 : i32, i32
  }
}

module attributes {stable_mosaic.version = 14 : i64} {
  func.func @_head_body(%arg0: memref<64x128xf32, #tpu.memory_space<vmem>>, %arg1: memref<1x128xf32, #tpu.memory_space<vmem>>, %arg2: memref<1x128xf32, #tpu.memory_space<vmem>>, %arg3: memref<128x128xf32, #tpu.memory_space<vmem>>, %arg4: memref<1x128xf32, #tpu.memory_space<vmem>>, %arg5: memref<128x128xf32, #tpu.memory_space<vmem>>, %arg6: memref<1x128xf32, #tpu.memory_space<vmem>>, %arg7: memref<64x128xf32, #tpu.memory_space<vmem>>) attributes {dimension_semantics = [], scalar_prefetch = 0 : i64, scratch_operands = 0 : i64, tpu.core_type = #tpu.core_type<tc>} {
    %get3A = arith.constant 0 : index
    %get3A_0 = arith.constant 0 : index
    %get3A_1 = vector.load %arg0[%get3A, %get3A_0] : memref<64x128xf32, #tpu.memory_space<vmem>>, vector<64x128xf32>
    %reduce_sum3A = arith.constant dense<0.000000e+00> : vector<128xf32>
    %reduce_sum3A_2 = vector.multi_reduction <add>, %get3A_1, %reduce_sum3A [0] : vector<64x128xf32> to vector<128xf32>
    %broadcast_in_dim3A = vector.shape_cast %reduce_sum3A_2 : vector<128xf32> to vector<1x128xf32>
    %div3A = arith.constant 6.400000e+01 : f32
    %div3A_3 = vector.broadcast %div3A : f32 to vector<1x128xf32>
    %div3A_4 = arith.divf %broadcast_in_dim3A, %div3A_3 : vector<1x128xf32>
    %sub3A = vector.broadcast %div3A_4 : vector<1x128xf32> to vector<64x128xf32>
    %sub3A_5 = arith.subf %get3A_1, %sub3A : vector<64x128xf32>
    %sub3A_6 = vector.broadcast %div3A_4 : vector<1x128xf32> to vector<64x128xf32>
    %sub3A_7 = arith.subf %get3A_1, %sub3A_6 : vector<64x128xf32>
    %mul3A = arith.mulf %sub3A_5, %sub3A_7 : vector<64x128xf32>
    %reduce_sum3A_8 = arith.constant dense<0.000000e+00> : vector<128xf32>
    %reduce_sum3A_9 = vector.multi_reduction <add>, %mul3A, %reduce_sum3A_8 [0] : vector<64x128xf32> to vector<128xf32>
    %broadcast_in_dim3A_10 = vector.shape_cast %reduce_sum3A_9 : vector<128xf32> to vector<1x128xf32>
    %div3A_11 = arith.constant 6.400000e+01 : f32
    %div3A_12 = vector.broadcast %div3A_11 : f32 to vector<1x128xf32>
    %div3A_13 = arith.divf %broadcast_in_dim3A_10, %div3A_12 : vector<1x128xf32>
    %sub3A_14 = vector.broadcast %div3A_4 : vector<1x128xf32> to vector<64x128xf32>
    %sub3A_15 = arith.subf %get3A_1, %sub3A_14 : vector<64x128xf32>
    %add3A = arith.constant 9.99999974E-6 : f32
    %add3A_16 = vector.broadcast %add3A : f32 to vector<1x128xf32>
    %add3A_17 = arith.addf %div3A_13, %add3A_16 : vector<1x128xf32>
    %sqrt3A = math.sqrt %add3A_17 : vector<1x128xf32>
    %div3A_18 = vector.broadcast %sqrt3A : vector<1x128xf32> to vector<64x128xf32>
    %div3A_19 = arith.divf %sub3A_15, %div3A_18 : vector<64x128xf32>
    %get3A_20 = arith.constant 0 : index
    %get3A_21 = arith.constant 0 : index
    %get3A_22 = vector.load %arg1[%get3A_20, %get3A_21] : memref<1x128xf32, #tpu.memory_space<vmem>>, vector<1x128xf32>
    %mul3A_23 = vector.broadcast %get3A_22 : vector<1x128xf32> to vector<64x128xf32>
    %mul3A_24 = arith.mulf %div3A_19, %mul3A_23 : vector<64x128xf32>
    %get3A_25 = arith.constant 0 : index
    %get3A_26 = arith.constant 0 : index
    %get3A_27 = vector.load %arg2[%get3A_25, %get3A_26] : memref<1x128xf32, #tpu.memory_space<vmem>>, vector<1x128xf32>
    %add3A_28 = vector.broadcast %get3A_27 : vector<1x128xf32> to vector<64x128xf32>
    %add3A_29 = arith.addf %mul3A_24, %add3A_28 : vector<64x128xf32>
    %get3A_30 = arith.constant 0 : index
    %get3A_31 = arith.constant 0 : index
    %get3A_32 = vector.load %arg3[%get3A_30, %get3A_31] : memref<128x128xf32, #tpu.memory_space<vmem>>, vector<128x128xf32>
    %dot_general3A = arith.constant dense<0.000000e+00> : vector<64x128xf32>
    %dot_general3A_33 = tpu.matmul %add3A_29, %get3A_32, %dot_general3A {dimension_numbers = #tpu.dot_dimension_numbers<[1], [0], [0], [1], [0, 0, 1, 1], [], []>, transpose_lhs_hint = false} : vector<64x128xf32>, vector<128x128xf32>, vector<64x128xf32> -> vector<64x128xf32>
    %get3A_34 = arith.constant 0 : index
    %get3A_35 = arith.constant 0 : index
    %get3A_36 = vector.load %arg4[%get3A_34, %get3A_35] : memref<1x128xf32, #tpu.memory_space<vmem>>, vector<1x128xf32>
    %add3A_37 = vector.broadcast %get3A_36 : vector<1x128xf32> to vector<64x128xf32>
    %add3A_38 = arith.addf %dot_general3A_33, %add3A_37 : vector<64x128xf32>
    %max3A = arith.constant 0.000000e+00 : f32
    %max3A_39 = vector.broadcast %max3A : f32 to vector<64x128xf32>
    %max3A_40 = arith.maximumf %add3A_38, %max3A_39 : vector<64x128xf32>
    %get3A_41 = arith.constant 0 : index
    %get3A_42 = arith.constant 0 : index
    %get3A_43 = vector.load %arg5[%get3A_41, %get3A_42] : memref<128x128xf32, #tpu.memory_space<vmem>>, vector<128x128xf32>
    %dot_general3A_44 = arith.constant dense<0.000000e+00> : vector<64x128xf32>
    %dot_general3A_45 = tpu.matmul %max3A_40, %get3A_43, %dot_general3A_44 {dimension_numbers = #tpu.dot_dimension_numbers<[1], [0], [0], [1], [0, 0, 1, 1], [], []>, transpose_lhs_hint = false} : vector<64x128xf32>, vector<128x128xf32>, vector<64x128xf32> -> vector<64x128xf32>
    %get3A_46 = arith.constant 0 : index
    %get3A_47 = arith.constant 0 : index
    %get3A_48 = vector.load %arg6[%get3A_46, %get3A_47] : memref<1x128xf32, #tpu.memory_space<vmem>>, vector<1x128xf32>
    %add3A_49 = vector.broadcast %get3A_48 : vector<1x128xf32> to vector<64x128xf32>
    %add3A_50 = arith.addf %dot_general3A_45, %add3A_49 : vector<64x128xf32>
    %iota3A = tpu.iota {dimensions = array<i32: 1>} : vector<64x128xi32>
    %lt3A = arith.constant 18 : i32
    %lt3A_51 = vector.broadcast %lt3A : i32 to vector<64x128xi32>
    %lt3A_52 = arith.cmpi slt, %iota3A, %lt3A_51 : vector<64x128xi32>
    %jit3A = arith.constant -1.000000e+30 : f32
    %broadcast_in_dim3A_53 = vector.broadcast %jit3A : f32 to vector<64x128xf32>
    %select_n3A = arith.select %lt3A_52, %add3A_50, %broadcast_in_dim3A_53 : vector<64x128xi1>, vector<64x128xf32>
    %reduce_max3A = arith.constant dense<0xFF800000> : vector<64xf32>
    %reduce_max3A_54 = vector.multi_reduction <maximumf>, %select_n3A, %reduce_max3A [1] : vector<64x128xf32> to vector<64xf32>
    %broadcast_in_dim3A_55 = vector.shape_cast %reduce_max3A_54 : vector<64xf32> to vector<64x1xf32>
    %sub3A_56 = vector.broadcast %broadcast_in_dim3A_55 : vector<64x1xf32> to vector<64x128xf32>
    %sub3A_57 = arith.subf %select_n3A, %sub3A_56 : vector<64x128xf32>
    %exp3A = math.exp %sub3A_57 : vector<64x128xf32>
    %reduce_sum3A_58 = arith.constant dense<0.000000e+00> : vector<64xf32>
    %reduce_sum3A_59 = vector.multi_reduction <add>, %exp3A, %reduce_sum3A_58 [1] : vector<64x128xf32> to vector<64xf32>
    %broadcast_in_dim3A_60 = vector.shape_cast %reduce_sum3A_59 : vector<64xf32> to vector<64x1xf32>
    %log3A = math.log %broadcast_in_dim3A_60 : vector<64x1xf32>
    %add3A_61 = arith.addf %broadcast_in_dim3A_55, %log3A : vector<64x1xf32>
    %sub3A_62 = vector.broadcast %add3A_61 : vector<64x1xf32> to vector<64x128xf32>
    %sub3A_63 = arith.subf %select_n3A, %sub3A_62 : vector<64x128xf32>
    %swap3A = arith.constant 0 : index
    %swap3A_64 = arith.constant 0 : index
    %swap3A_65 = vector.load %arg7[%swap3A, %swap3A_64] : memref<64x128xf32, #tpu.memory_space<vmem>>, vector<64x128xf32>
    tpu.vector_store %arg7[%swap3A, %swap3A_64], %sub3A_63 {strides = array<i32>} : memref<64x128xf32, #tpu.memory_space<vmem>>, vector<64x128xf32>,
    return
  }
}

</mosaic_0001>

<sc_bundles>
// kernel: kernel.12.cloned.1.call-start
scs
__scs_entry_jumppad:
0x0: {  	(pc) =	sbr.rel $0x88, $3  }
0x1: {  	(tag) =	ssettag $0x0;
	lr =	simm.s32 $0x1  }
0x2: {  	[smem:$0x3F8F] =	sst lr;
	_ =	strace $0xD0000000  }
0x3: {  	_ = 	snop  }
0x4: {  	_ = 	snop  }
0x5: {  	_ = 	snop  }
0x6: {  	_ = 	snop  }
0x7: {  	_ = 	snop  }
__scs_overlays_trampoline_lowered:
0x8: {  	[smem:$0x3F9E] =	sst s0  }
0x9: {  	[smem:$0x3F9F] =	sst s1  }
0xa: {  	[smem:$0x3FA0] =	sst s2  }
0xb: {  	[smem:$0x3FA1] =	sst s3  }
0xc: {  	[smem:$0x3FA2] =	sst s4  }
0xd: {  	[smem:$0x3FA3] =	sst s5  }
0xe: {  	[smem:$0x3FA4] =	sst s6  }
0xf: {  	[smem:$0x3FA5] =	sst s7  }
0x10: {  	[smem:$0x3FA6] =	sst s8  }
0x11: {  	[smem:$0x3FA7] =	sst s9;
	s0 =	simm.s32 @!p0 $0x0  }
0x12: {  	s1 =	sld [smem:$0x3F8D];
	s0 =	simm.s32 @p0 $0x1  }
0x13: {  	[smem:$0x3FA8] =	sst s0;
	s0 =	simm.s32 @!p1 $0x0  }
0x14: {  	s2 =	sld [smem:$0x3F8C];
	s0 =	simm.s32 @p1 $0x1  }
0x15: {  	[smem:$0x3FA9] =	sst s0;
	s0 =	simm.s32 @!p2 $0x0  }
0x16: {  	s3 =	sld [smem:$0x3FDB];
	s0 =	simm.s32 @p2 $0x1  }
0x17: {  	s4 =	simm.s32 $0x1BF5;
	[smem:$0x3FAB] =	sst s0  }
0x18: {  	s0 =	sld [smem:$0x3F8E];
	_ =	swait.ge [sflag:s4], $0x0  }
0x19: {  	s7 =	sld [smem:$0x3F8F]  }
0x1a: {  	s8 =	sadd.s32 $0xFFFFE003, lr  }
0x1b: {  	s9 =	sadd.s32 $0xFFFFFEF7, lr;
	s5 =	simm.s32 $0xFFFFFFFF;
	p2 =	slt.u32 s8, $0xFFFFF086  }
0x1c: {  	p1 =	slt.u32 s9, $0xF7A;
	s5 =	simm.s32 @!p2 $0x0  }
0x1d: {  	s5 =	simm.s32 @p1 $0x1;
	p0 =	seq.s32 s7, s2  }
0x1e: {  	s7 =	smul.u32 @!p0 $0xF7A, s2;
	p2 =	seq.s32 @!p0 s5, $0x0  }
0x1f: {  	s9 =	smul.u32 $0xF7A, s1;
	s8 =	simm.s32 @!p0 $0x1BF5;
	p2 =	por !p2, p0  }
0x20: {  	[sflag:s8] =	ssyncset.s32 @!p0 $0xFFFFF086;
	s6 =	sadd.s32 @!p0 s3, s7;
	s7 =	simm.s32 @!p0 $0x108  }
0x21: {  	s3 =	sadd.s32 s3, s9;
	s6 =	sadd.s32 @!p0 $0x88, s6;
	s7 =	simm.s32 @p2 $0x1082  }
0x22: {  	[simem:s7], [sflag:s8] =	dma.local @!p0 [hbm:s6], $0xF7A  }
0x23: {  	s9 =	sor.u32 $0xD0000000, s2;
	s6 =	simm.s32 $0x108;
	_ =	swait.ge @!p0 [sflag:s8], $0x0  }
0x24: {  	s3 =	sadd.s32 $0x88, s3;
	s6 =	simm.s32 @!p1 $0x1082;
	[sflag:s4] =	ssyncset.s32 $0xFFFFF086  }
0x25: {  	[simem:s6], [sflag:s4] =	dma.local [hbm:s3], $0xF7A  }
0x26: {  	[smem:$0x3F8F] =	sst s1;
	(tag) =	ssettag s2;
	_ =	strace s9  }
0x27: {  	s1 =	sld [smem:$0x3F9F]  }
0x28: {  	s2 =	sld [smem:$0x3FA0]  }
0x29: {  	s4 =	sld [smem:$0x3FA2]  }
0x2a: {  	p0 =	seq.s32 s5, $0x0;
	s5 =	sld [smem:$0x3FA3]  }
0x2b: {  	s6 =	sld [smem:$0x3FA4]  }
0x2c: {  	s7 =	sld [smem:$0x3FA5]  }
0x2d: {  	s3 =	simm.s32 $0x108;
	s8 =	sld [smem:$0x3FA6]  }
0x2e: {  	s3 =	simm.s32 @!p0 $0x1082;
	s9 =	sld [smem:$0x3FA7]  }
0x2f: {  	lr =	sadd.s32 s0, s3;
	s0 =	sld [smem:$0x3F9E]  }
0x30: {  	s3 =	sld [smem:$0x3FA1]  }
0x31: {  	[smem:$0x3FAA] =	sst s10  }
0x32: {  	s10 =	sld [smem:$0x3FA8];
	_ =	sdelay $0x3  }
0x33: {  	p0 =	seq.s32 s10, $0x1;
	s10 =	sld [smem:$0x3FAA];
	_ =	sdelay $0x3  }
0x34: {  	[smem:$0x3FAA] =	sst s10  }
0x35: {  	s10 =	sld [smem:$0x3FA9];
	_ =	sdelay $0x3  }
0x36: {  	p1 =	seq.s32 s10, $0x1;
	s10 =	sld [smem:$0x3FAA];
	_ =	sdelay $0x3  }
0x37: {  	[smem:$0x3FAA] =	sst s10  }
0x38: {  	s10 =	sld [smem:$0x3FAB]  }
0x39: {  	_ = 	snop;
	(pc) =	sbr.ind lr, $3  }
0x3a: {  	_ = 	snop  }
0x3b: {  	_ = 	snop  }
0x3c: {  	p2 =	seq.s32 s10, $0x1;
	s10 =	sld [smem:$0x3FAA]  }
0x3d: {  	_ =	shalt  }
0x3e: {  	_ =	shalt  }
0x3f: {  	_ =	shalt  }
0x40: {  	_ =	shalt  }
0x41: {  	_ =	shalt  }
0x42: {  	_ =	shalt  }
0x43: {  	_ =	shalt  }
0x44: {  	_ =	shalt  }
0x45: {  	_ =	shalt  }
0x46: {  	_ =	shalt  }
0x47: {  	_ =	shalt  }
0x48: {  	_ =	shalt  }
0x49: {  	_ =	shalt  }
0x4a: {  	_ =	shalt  }
0x4b: {  	_ =	shalt  }
0x4c: {  	_ =	shalt  }
0x4d: {  	_ =	shalt  }
0x4e: {  	_ =	shalt  }
0x4f: {  	_ =	shalt  }
0x50: {  	_ =	shalt  }
0x51: {  	_ =	shalt  }
0x52: {  	_ =	shalt  }
0x53: {  	_ =	shalt  }
0x54: {  	_ =	shalt  }
0x55: {  	_ =	shalt  }
0x56: {  	_ =	shalt  }
0x57: {  	_ =	shalt  }
0x58: {  	_ =	shalt  }
0x59: {  	_ =	shalt  }
0x5a: {  	_ =	shalt  }
0x5b: {  	_ =	shalt  }
0x5c: {  	_ =	shalt  }
0x5d: {  	_ =	shalt  }
0x5e: {  	_ =	shalt  }
0x5f: {  	_ =	shalt  }
0x60: {  	_ =	shalt  }
0x61: {  	_ =	shalt  }
0x62: {  	_ =	shalt  }
0x63: {  	_ =	shalt  }
0x64: {  	_ =	shalt  }
0x65: {  	_ =	shalt  }
0x66: {  	_ =	shalt  }
0x67: {  	_ =	shalt  }
0x68: {  	_ =	shalt  }
0x69: {  	_ =	shalt  }
0x6a: {  	_ =	shalt  }
0x6b: {  	_ =	shalt  }
0x6c: {  	_ =	shalt  }
0x6d: {  	_ =	shalt  }
0x6e: {  	_ =	shalt  }
0x6f: {  	_ =	shalt  }
0x70: {  	_ =	shalt  }
0x71: {  	_ =	shalt  }
0x72: {  	_ =	shalt  }
0x73: {  	_ =	shalt  }
0x74: {  	_ =	shalt  }
0x75: {  	_ =	shalt  }
0x76: {  	_ =	shalt  }
0x77: {  	_ =	shalt  }
0x78: {  	_ =	shalt  }
0x79: {  	_ =	shalt  }
0x7a: {  	_ =	shalt  }
0x7b: {  	_ =	shalt  }
0x7c: {  	_ =	shalt  }
0x7d: {  	_ =	shalt  }
0x7e: {  	_ =	shalt  }
0x7f: {  	_ =	shalt  }
0x80: {  	_ =	shalt  }
0x81: {  	_ =	shalt  }
0x82: {  	_ =	shalt  }
0x83: {  	_ =	shalt  }
0x84: {  	_ =	shalt  }
0x85: {  	_ =	shalt  }
0x86: {  	_ =	shalt  }
0x87: {  	_ =	shalt  }
.Lfunc_end0:
.L_simem_size_0:
called_computation.1_lowered:
.L_overlay_start_0:
0x88: {  	s2 =	sld [smem:$0x3FD9]  }
0x89: {  	s3 =	sld [smem:$0x3FFE];
	_ =	sdelay $0x1  }
0x8a: {  	s1 =	srdreg.scid  }
0x8b: {  	s0 =	sand.u32 $0x1, s1  }
0x8c: {  	s16 =	sshll.u32 s0, $0xA;
	s2 =	sadd.s32 s3, s2  }
0x8d: {  	s2 =	sadd.s32 s2, s16  }
0x8e: {  	[smem:$0x3FB6] =	sst s2  }
0x8f: {  	_ = 	snop  }
0x90: {  	(tm) =	ssettm $0x1  }
0x91: {  	s17 =	sld [smem:$0x3FFB];
	_ =	sdelay $0x3  }
0x92: {  	_ =	strace s17  }
0x93: {  	s2 =	sld [smem:$0x3FFC];
	_ =	sdelay $0x3  }
0x94: {  	_ =	strace s2  }
0x95: {  	s2 =	sld [smem:$0x3FFD];
	_ =	sdelay $0x3  }
0x96: {  	_ =	strace s2  }
0x97: {  	_ =	strace $0x8FFFFFFF  }
0x98: {  	s18 =	sld [smem:$0x3FDB];
	_ =	sdelay $0x1  }
0x99: {  	s19 =	simm.s32 $_scs_section_size  }
0x9a: {  	s4 =	simm.s32 $_size__tile_overlayer_lowered;
	s5 =	simm.s32 $_tile_overlayer_lowered  }
0x9b: {  	s22 =	simm.s32 $0x1BFF;
	s21 =	sshll.u32 s5, $0x1;
	s2 =	sadd.s32 s19, s18  }
0x9c: {  	s6 =	simm.s32 $0x0;
	s20 =	sshll.u32 s4, $0x1;
	s4 =	sadd.s32 s21, s2  }
0x9d: {  	[timem:s6], [sflag:s22] =	dma.local [hbm:s4], s20  }
0x9e: {  	_ =	swait.ge [sflag:s22], s20  }
0x9f: {  	s3 =	ssub.s32 $0x0, s20;
	[sflag:s22] =	ssyncset.done $0x0  }
0xa0: {  	[sflag:s22] =	ssyncadd.s32 s3;
	_ =	sdelay $0x1  }
0xa1: {  	s23 =	simm.s32 $0x1B8B  }
0xa2: {  	_ =	swait.ge [sflag:s23], $0x1  }
0xa3: {  	[sflag:s23] =	ssyncset.done $0x0  }
0xa4: {  	s25 =	simm.s32 $0x1B8E;
	s24 =	sld [smem:$0x3FFE];
	[sflag:s23] =	ssyncadd.s32 $0xFFFFFFFF  }
0xa5: {  	s26 =	simm.s32 $execute0_lowered;
	[smem:$0x3FD2] =	sst s25  }
0xa6: {  	s4 =	sshll.u32 s26, $0x1;
	_ =	strace $0x80000049;
	[dreg:$0x1] =	wrdreg $0xFFFFFFFF  }
0xa7: {  	s28 =	simm.s32 $_size_execute0_lowered;
	s2 =	sadd.s32 s2, s4;
	[dreg:$0x0] =	wrdreg $0x0  }
0xa8: {  	s4 =	sshll.u32 s28, $0x1;
	[dreg:$0x2] =	wrdreg s2  }
0xa9: {  	[dreg:$0x3] =	wrdreg s4  }
0xaa: {  	[dreg:$0x4] =	wrdreg $0xC0  }
0xab: {  	_ =	task [dreg:s6], $0x5FFFF  }
0xac: {  	[dreg:$0x1] =	wrdreg $0xFFFFFFFF  }
0xad: {  	[dreg:$0x0] =	wrdreg $0x60  }
0xae: {  	[dreg:$0x2] =	wrdreg s24  }
0xaf: {  	[dreg:$0x3] =	wrdreg $0x0  }
0xb0: {  	[dreg:$0x4] =	wrdreg $0x9  }
0xb1: {  	_ =	task.clear_ibuf [dreg:s6], $0x5FFFF;
	_ =	strace $0x90000049  }
0xb2: {  	s29 =	simm.s32 $0x9;
	_ =	strace $0x8000004B  }
0xb3: {  	_ =	swait.ge [sflag:s29], $0x1  }
0xb4: {  	[sflag:s29] =	ssyncadd.s32 $0xFFFFFFFF  }
0xb5: {  	_ =	strace $0x9000004B  }
0xb6: {  	_ =	sfence  }
0xb7: {  	s30 =	sld [smem:$0x0];
	_ =	sdelay $0x2  }
0xb8: {  	s31 =	sshll.u32 s1, $0xD;
	s1 =	sshrl.u32 s1, $0x2  }
0xb9: {  	s3 =	sand.u32 $0x4000, s31;
	s1 =	sadd.s32 s1, s30  }
0xba: {  	s0 =	sor.u32 s3, s0;
	s1 =	sshll.u32 s1, $0x11  }
0xbb: {  	s0 =	sor.u32 s1, s0  }
0xbc: {  	s0 =	sadd.s32 $0x8F2B, s0  }
0xbd: {  	[sflag:s0] =	ssyncadd.remote.s32 $0x1  }
0xbe: {  	_ =	sfence.sel $0xFFFF  }
0xbf: {  	[dreg:$0x0] =	wrdreg $0xFFFFFFFF;
	(pc) =	sbr.abs _section_cstart, $3  }
0xc0: {  	[dreg:$0x1] =	wrdreg $0xFFFFFFFF  }
0xc1: {  	_ =	task.clear_ibuf [dreg:s6], $0x2FFFF;
	_ =	strace $0x9FFFFFFF  }
0xc2: {  	(tm) =	ssettm $0x7FFFFFFF  }
0xc3: {  	_ =	shalt  }
tec
execute0_lowered:
.L_overlay_start_1:
0x0: {  	(tag) =	ssettag $0x1  }
0x1: {  	s14 =	rddreg [dreg:$0x0]  }
0x2: {  	s2 =	rddreg [dreg:$0x1]  }
0x3: {  	s1 =	stileid.u32;
	s0 =	rddreg [dreg:$0x2];
	s3 =	simm.s32 $0x0  }
0x4: {  	s5 =	srdreg.scid;
	s19 =	simm.s32 $0x13900;
	s20 =	simm.s32 $0x14100  }
0x5: {  	s21 =	simm.s32 $0x80;
	s22 =	simm.s32 $0x14900;
	s4 =	smul.u32 $0x1400, s1  }
0x6: {  	[smem:$0x7FF] =	sst s3;
	s10 =	smul.u32 $0x13900, s1;
	s17 =	sand.u32 $0x1, s5  }
0x7: {  	s5 =	sadd.s32 $0x48E00, s14;
	s6 =	sadd.s32 $0xD400, s14;
	s7 =	sadd.s32 $0x3600, s14  }
0x8: {  	s9 =	sadd.s32 $0x17200, s14;
	s23 =	sadd.s32 $0x249400, s14;
	s31 =	sshll.u32 s1, $0x6  }
0x9: {  	_ =	strace $0x8000004A;
	s12 =	ssub.s32 $0x2, s17;
	p0 =	sne.s32 s17, $0x0  }
0xa: {  	s11 =	sadd.s32 s4, s14;
	s4 =	sadd.s32 $0x52C00, s14;
	s8 =	sshrl.u32 s10, $0x3  }
.Ltmp0:
0xb: {  	s13 =	sshrl.u32 s12, $0x1;
	s18 =	sadd.s32 s10, s2;
	(pc) =	sbr.rel .LBB2_1-.Ltmp0, $4  }
0xc: {  	s15 =	sadd.s32 s8, s14;
	s10 =	sadd.s32 $0x34E00, s11;
	s11 =	sadd.s32 $0x20E00, s11  }
0xd: {  	s16 =	ssub.s32 s12, s13;
	s13 =	sadd.s32 $0x222200, s14;
	s14 =	sadd.s32 $0x270600, s14  }
0xe: {  	s17 =	sshrl.u32 s18, $0x3;
	s18 =	simm.s32 $0x1;
	s23 =	sadd.s32 s8, s23  }
0xf: {  	s12 =	sadd.s32 $0x1FB000, s15;
	s15 =	smax.u32 s16, $0x1;
	s16 =	sor.u32 $0x1C01, s31  }
.LBB2_18:
0x10: {  	s3 =	sadd.s32 $0x1, s3  }
0x11: {  	p1 =	sne.s32 s3, s15  }
.Ltmp1:
0x12: {  	[bflag:$0x0] =	sbarrier.arrive $0xFFFF;
	s24 =	sadd.s32 s8, s24;
	(pc) =	sbr.rel @!p1 .LBB2_19-.Ltmp1, $4  }
0x13: {  	[hbm:s24], [sflag:s16] =	dma.local [spmem:s17], $0x2720  }
0x14: {  	_ =	swait.ge [sflag:s18], $0x2720  }
0x15: {  	[sflag:s18] =	ssyncset.done $0x0  }
0x16: {  	[sflag:s18] =	ssyncadd.s32 $0xFFFFD8E0  }
.LBB2_1:
0x17: {  	[spmem:s17], [sflag:s16] =	dma.local [hbm:s9], $0x2720  }
.Ltmp2:
0x18: {  	_ =	swait.ge [sflag:s18], $0x2720;
	(pc) =	sbr.rel @p0 .LBB2_10-.Ltmp2, $4  }
0x19: {  	[sflag:s18] =	ssyncset.done $0x0  }
0x1a: {  	[sflag:s18] =	ssyncadd.s32 $0xFFFFD8E0  }
0x1b: {  	[bflag:$0x0] =	sbarrier.arrive $0xFFFF  }
0x1c: {  	s24 =	simm.s32 $0x0;
	s25 =	simm.s32 $0x0  }
.LBB2_2:
0x1d: {  	s25 =	sshll.u32 s24, $0x8  }
0x1e: {  	s28 =	simm.s32 $0x0;
	s26 =	sadd.s32 s25, s10  }
0x1f: {  	[tilespmem:s19], [sflag:$0x1] =	stream.linear.gather [hbm4b:s26+s28], $0x800, $0x38;
	[tilespmem:$0x15900] =	vst v63  }
0x20: {  	_ =	swait.ge [sflag:s18], $0x800  }
0x21: {  	[sflag:s18] =	ssyncset.done $0x0  }
0x22: {  	s25 =	sadd.s32 s25, s11;
	[sflag:s18] =	ssyncadd.s32 $0xFFFFF800  }
0x23: {  	[tilespmem:s20], [sflag:$0x1] =	stream.linear.gather [hbm4b:s25+s28], $0x800, $0x38;
	[tilespmem:$0x15900] =	vst v63  }
0x24: {  	_ =	swait.ge [sflag:s18], $0x800  }
0x25: {  	[sflag:s18] =	ssyncset.done $0x0  }
0x26: {  	s30 =	simm.s32 $0x13900;
	[sflag:s18] =	ssyncadd.s32 $0xFFFFF800  }
0x27: {  	[tilespmem:s22], [sflag:$0x1] =	stream.indirect.gather [hbm4b:s4+s21], $0x20, s30, s21, $0xb8;
	[tilespmem:$0x15900] =	vst v63  }
0x28: {  	_ =	swait.ge [sflag:s18], $0x1000  }
0x29: {  	[sflag:s18] =	ssyncset.done $0x0  }
0x2a: {  	s31 =	simm.s32 $0x14100;
	[sflag:s18] =	ssyncadd.s32 $0xFFFFF000  }
0x2b: {  	[spmem:s2] =	stream.indirect.scatter.add.f32 [tilespmem:s22], [sflag:$0x1], $0x20, s31, s21, $0xb8;
	[tilespmem:$0x15900] =	vst v63  }
0x2c: {  	_ =	swait.ge [sflag:s18], $0x1000  }
0x2d: {  	s26 =	simm.s32 $0x400;
	s25 =	simm.s32 $0x80;
	[sflag:s18] =	ssyncset.done $0x0  }
.LBB2_3:
0x2e: {  	s28 =	sadd.s32 $0x13900, s25  }
0x2f: {  	[sflag:s18] =	ssyncadd.s32 $0xFFFFF000;
	s29 =	smov.u32 s26;
	s30 =	sadd.s32 $0x200, s26  }
0x30: {  	[tilespmem:s22], [sflag:$0x1] =	stream.indirect.gather [hbm4b:s4+s21], $0x20, s28, s21, $0xb8;
	[tilespmem:$0x15900] =	vst v63  }
0x31: {  	p1 =	sne.s32 s26, $0x1E00;
	_ =	swait.ge [sflag:s18], $0x1000  }
.Ltmp3:
0x32: {  	[sflag:s18] =	ssyncset.done $0x0;
	(pc) =	sbr.rel @p1 .LBB2_3-.Ltmp3, $4  }
0x33: {  	s25 =	sadd.s32 $0x14100, s25;
	[sflag:s18] =	ssyncadd.s32 $0xFFFFF000  }
0x34: {  	[spmem:s2] =	stream.indirect.scatter.add.f32 [tilespmem:s22], [sflag:$0x1], $0x20, s25, s21, $0xb8;
	[tilespmem:$0x15900] =	vst v63  }
0x35: {  	_ =	swait.ge [sflag:s18], $0x1000  }
0x36: {  	s26 =	smov.u32 s30;
	s25 =	sshra.s32 s29, $0x2;
	[sflag:s18] =	ssyncset.done $0x0  }
0x37: {  	s26 =	sadd.s32 $0x13900, s25;
	[sflag:s18] =	ssyncadd.s32 $0xFFFFF000  }
0x38: {  	[tilespmem:s22], [sflag:$0x1] =	stream.indirect.gather [hbm4b:s4+s21], $0x20, s26, s21, $0xb8;
	[tilespmem:$0x15900] =	vst v63  }
0x39: {  	s24 =	sadd.s32 $0x1, s24;
	_ =	swait.ge [sflag:s18], $0x1000  }
0x3a: {  	p1 =	sne.s32 s24, $0x14;
	[sflag:s18] =	ssyncset.done $0x0  }
.Ltmp4:
0x3b: {  	s31 =	sadd.s32 $0x14100, s25;
	[sflag:s18] =	ssyncadd.s32 $0xFFFFF000;
	(pc) =	sbr.rel @p1 .LBB2_2-.Ltmp4, $4  }
0x3c: {  	[spmem:s2] =	stream.indirect.scatter.add.f32 [tilespmem:s22], [sflag:$0x1], $0x20, s31, s21, $0xb8;
	[tilespmem:$0x15900] =	vst v63  }
0x3d: {  	_ =	swait.ge [sflag:s18], $0x1000  }
0x3e: {  	[sflag:s18] =	ssyncset.done $0x0  }
0x3f: {  	[sflag:s18] =	ssyncadd.s32 $0xFFFFF000  }
0x40: {  	[bflag:$0x0] =	sbarrier.arrive $0xFFFF  }
0x41: {  	[hbm:s12], [sflag:s16] =	dma.local [spmem:s17], $0x2720  }
0x42: {  	_ =	swait.ge [sflag:s18], $0x2720  }
0x43: {  	[sflag:s18] =	ssyncset.done $0x0  }
0x44: {  	[sflag:s18] =	ssyncadd.s32 $0xFFFFD8E0  }
0x45: {  	[spmem:s17], [sflag:s16] =	dma.local [hbm:s9], $0x2720  }
0x46: {  	_ =	swait.ge [sflag:s18], $0x2720  }
0x47: {  	[sflag:s18] =	ssyncset.done $0x0  }
0x48: {  	[sflag:s18] =	ssyncadd.s32 $0xFFFFD8E0  }
0x49: {  	s24 =	simm.s32 $0x0;
	s25 =	simm.s32 $0x0;
	[bflag:$0x0] =	sbarrier.arrive $0xFFFF  }
.LBB2_6:
0x4a: {  	s26 =	sshll.u32 s25, $0x8  }
0x4b: {  	s28 =	sadd.s32 s26, s10  }
0x4c: {  	[tilespmem:s19], [sflag:$0x1] =	stream.linear.gather [hbm4b:s28+s24], $0x800, $0x38;
	[tilespmem:$0x15900] =	vst v63  }
0x4d: {  	_ =	swait.ge [sflag:s18], $0x800  }
0x4e: {  	[sflag:s18] =	ssyncset.done $0x0  }
0x4f: {  	s26 =	sadd.s32 s26, s11;
	[sflag:s18] =	ssyncadd.s32 $0xFFFFF800  }
0x50: {  	[tilespmem:s20], [sflag:$0x1] =	stream.linear.gather [hbm4b:s26+s24], $0x800, $0x38;
	[tilespmem:$0x15900] =	vst v63  }
0x51: {  	_ =	swait.ge [sflag:s18], $0x800  }
0x52: {  	[sflag:s18] =	ssyncset.done $0x0  }
0x53: {  	s30 =	simm.s32 $0x13900;
	[sflag:s18] =	ssyncadd.s32 $0xFFFFF800  }
0x54: {  	[tilespmem:s22], [sflag:$0x1] =	stream.indirect.gather [hbm4b:s5+s21], $0x20, s30, s21, $0xb8;
	[tilespmem:$0x15900] =	vst v63  }
0x55: {  	_ =	swait.ge [sflag:s18], $0x1000  }
0x56: {  	[sflag:s18] =	ssyncset.done $0x0  }
0x57: {  	s31 =	simm.s32 $0x14100;
	[sflag:s18] =	ssyncadd.s32 $0xFFFFF000  }
0x58: {  	[spmem:s2] =	stream.indirect.scatter.add.f32 [tilespmem:s22], [sflag:$0x1], $0x20, s31, s21, $0xb8;
	[tilespmem:$0x15900] =	vst v63  }
0x59: {  	_ =	swait.ge [sflag:s18], $0x1000  }
0x5a: {  	s28 =	simm.s32 $0x400;
	s26 =	simm.s32 $0x80;
	[sflag:s18] =	ssyncset.done $0x0  }
.LBB2_7:
0x5b: {  	s29 =	sadd.s32 $0x13900, s26  }
0x5c: {  	[sflag:s18] =	ssyncadd.s32 $0xFFFFF000;
	s30 =	smov.u32 s28;
	s31 =	sadd.s32 $0x200, s28  }
0x5d: {  	[tilespmem:s22], [sflag:$0x1] =	stream.indirect.gather [hbm4b:s5+s21], $0x20, s29, s21, $0xb8;
	[tilespmem:$0x15900] =	vst v63  }
0x5e: {  	p1 =	sne.s32 s28, $0x1E00;
	_ =	swait.ge [sflag:s18], $0x1000  }
.Ltmp5:
0x5f: {  	[sflag:s18] =	ssyncset.done $0x0;
	(pc) =	sbr.rel @p1 .LBB2_7-.Ltmp5, $4  }
0x60: {  	s26 =	sadd.s32 $0x14100, s26;
	[sflag:s18] =	ssyncadd.s32 $0xFFFFF000  }
0x61: {  	[spmem:s2] =	stream.indirect.scatter.add.f32 [tilespmem:s22], [sflag:$0x1], $0x20, s26, s21, $0xb8;
	[tilespmem:$0x15900] =	vst v63  }
0x62: {  	_ =	swait.ge [sflag:s18], $0x1000  }
0x63: {  	s28 =	smov.u32 s31;
	s26 =	sshra.s32 s30, $0x2;
	[sflag:s18] =	ssyncset.done $0x0  }
0x64: {  	s28 =	sadd.s32 $0x13900, s26;
	[sflag:s18] =	ssyncadd.s32 $0xFFFFF000  }
0x65: {  	[tilespmem:s22], [sflag:$0x1] =	stream.indirect.gather [hbm4b:s5+s21], $0x20, s28, s21, $0xb8;
	[tilespmem:$0x15900] =	vst v63  }
0x66: {  	s25 =	sadd.s32 $0x1, s25;
	_ =	swait.ge [sflag:s18], $0x1000  }
0x67: {  	p1 =	seq.s32 s25, $0x14;
	[sflag:s18] =	ssyncset.done $0x0  }
.Ltmp6:
0x68: {  	s31 =	sadd.s32 $0x14100, s26;
	[sflag:s18] =	ssyncadd.s32 $0xFFFFF000;
	(pc) =	sbr.rel @!p1 .LBB2_6-.Ltmp6, $4  }
0x69: {  	[spmem:s2] =	stream.indirect.scatter.add.f32 [tilespmem:s22], [sflag:$0x1], $0x20, s31, s21, $0xb8;
	[tilespmem:$0x15900] =	vst v63  }
0x6a: {  	_ =	swait.ge [sflag:s18], $0x1000  }
0x6b: {  	[sflag:s18] =	ssyncset.done $0x0  }
0x6c: {  	[sflag:s18] =	ssyncadd.s32 $0xFFFFF000  }
.Ltmp7:
0x6d: {  	(pc) =	sbr.rel .LBB2_18-.Ltmp7, $2  }
0x6e: {  	_ =	sdelay $0x2  }
0x6f: {  	s24 =	smov.u32 s13  }
.LBB2_10:
0x70: {  	s24 =	sshll.u32 s25, $0x8  }
0x71: {  	s28 =	simm.s32 $0x0;
	s26 =	sadd.s32 s24, s10  }
0x72: {  	[tilespmem:s19], [sflag:$0x1] =	stream.linear.gather [hbm4b:s26+s28], $0x800, $0x38;
	[tilespmem:$0x15900] =	vst v63  }
0x73: {  	_ =	swait.ge [sflag:s18], $0x800  }
0x74: {  	[sflag:s18] =	ssyncset.done $0x0  }
0x75: {  	s24 =	sadd.s32 s24, s11;
	[sflag:s18] =	ssyncadd.s32 $0xFFFFF800  }
0x76: {  	[tilespmem:s20], [sflag:$0x1] =	stream.linear.gather [hbm4b:s24+s28], $0x800, $0x38;
	[tilespmem:$0x15900] =	vst v63  }
0x77: {  	_ =	swait.ge [sflag:s18], $0x800  }
0x78: {  	[sflag:s18] =	ssyncset.done $0x0  }
0x79: {  	s30 =	simm.s32 $0x13900;
	[sflag:s18] =	ssyncadd.s32 $0xFFFFF800  }
0x7a: {  	[tilespmem:s22], [sflag:$0x1] =	stream.indirect.gather [hbm4b:s6+s21], $0x20, s30, s21, $0xb8;
	[tilespmem:$0x15900] =	vst v63  }
0x7b: {  	_ =	swait.ge [sflag:s18], $0x1000  }
0x7c: {  	[sflag:s18] =	ssyncset.done $0x0  }
0x7d: {  	s31 =	simm.s32 $0x14100;
	[sflag:s18] =	ssyncadd.s32 $0xFFFFF000  }
0x7e: {  	[spmem:s2] =	stream.indirect.scatter.add.f32 [tilespmem:s22], [sflag:$0x1], $0x20, s31, s21, $0xb8;
	[tilespmem:$0x15900] =	vst v63  }
0x7f: {  	_ =	swait.ge [sflag:s18], $0x1000  }
0x80: {  	s26 =	simm.s32 $0x400;
	s24 =	simm.s32 $0x80;
	[sflag:s18] =	ssyncset.done $0x0  }
.LBB2_11:
0x81: {  	s28 =	sadd.s32 $0x13900, s24  }
0x82: {  	[sflag:s18] =	ssyncadd.s32 $0xFFFFF000;
	s29 =	smov.u32 s26;
	s30 =	sadd.s32 $0x200, s26  }
0x83: {  	[tilespmem:s22], [sflag:$0x1] =	stream.indirect.gather [hbm4b:s6+s21], $0x20, s28, s21, $0xb8;
	[tilespmem:$0x15900] =	vst v63  }
0x84: {  	p1 =	sne.s32 s26, $0x1E00;
	_ =	swait.ge [sflag:s18], $0x1000  }
.Ltmp8:
0x85: {  	[sflag:s18] =	ssyncset.done $0x0;
	(pc) =	sbr.rel @p1 .LBB2_11-.Ltmp8, $4  }
0x86: {  	s24 =	sadd.s32 $0x14100, s24;
	[sflag:s18] =	ssyncadd.s32 $0xFFFFF000  }
0x87: {  	[spmem:s2] =	stream.indirect.scatter.add.f32 [tilespmem:s22], [sflag:$0x1], $0x20, s24, s21, $0xb8;
	[tilespmem:$0x15900] =	vst v63  }
0x88: {  	_ =	swait.ge [sflag:s18], $0x1000  }
0x89: {  	s26 =	smov.u32 s30;
	s24 =	sshra.s32 s29, $0x2;
	[sflag:s18] =	ssyncset.done $0x0  }
0x8a: {  	s26 =	sadd.s32 $0x13900, s24;
	[sflag:s18] =	ssyncadd.s32 $0xFFFFF000  }
0x8b: {  	[tilespmem:s22], [sflag:$0x1] =	stream.indirect.gather [hbm4b:s6+s21], $0x20, s26, s21, $0xb8;
	[tilespmem:$0x15900] =	vst v63  }
0x8c: {  	s25 =	sadd.s32 $0x1, s25;
	_ =	swait.ge [sflag:s18], $0x1000  }
0x8d: {  	p1 =	seq.s32 s25, $0x14;
	[sflag:s18] =	ssyncset.done $0x0  }
.Ltmp9:
0x8e: {  	s31 =	sadd.s32 $0x14100, s24;
	[sflag:s18] =	ssyncadd.s32 $0xFFFFF000;
	(pc) =	sbr.rel @!p1 .LBB2_10-.Ltmp9, $4  }
0x8f: {  	[spmem:s2] =	stream.indirect.scatter.add.f32 [tilespmem:s22], [sflag:$0x1], $0x20, s31, s21, $0xb8;
	[tilespmem:$0x15900] =	vst v63  }
0x90: {  	_ =	swait.ge [sflag:s18], $0x1000  }
0x91: {  	[sflag:s18] =	ssyncset.done $0x0  }
0x92: {  	[sflag:s18] =	ssyncadd.s32 $0xFFFFF000  }
0x93: {  	[bflag:$0x0] =	sbarrier.arrive $0xFFFF  }
0x94: {  	[hbm:s23], [sflag:s16] =	dma.local [spmem:s17], $0x2720  }
0x95: {  	_ =	swait.ge [sflag:s18], $0x2720  }
0x96: {  	[sflag:s18] =	ssyncset.done $0x0  }
0x97: {  	[sflag:s18] =	ssyncadd.s32 $0xFFFFD8E0  }
0x98: {  	[spmem:s17], [sflag:s16] =	dma.local [hbm:s9], $0x2720  }
0x99: {  	_ =	swait.ge [sflag:s18], $0x2720  }
0x9a: {  	[sflag:s18] =	ssyncset.done $0x0  }
0x9b: {  	[sflag:s18] =	ssyncadd.s32 $0xFFFFD8E0  }
0x9c: {  	s24 =	simm.s32 $0x0;
	s25 =	simm.s32 $0x0;
	[bflag:$0x0] =	sbarrier.arrive $0xFFFF  }
.LBB2_14:
0x9d: {  	s26 =	sshll.u32 s25, $0x8  }
0x9e: {  	s28 =	sadd.s32 s26, s10  }
0x9f: {  	[tilespmem:s19], [sflag:$0x1] =	stream.linear.gather [hbm4b:s28+s24], $0x800, $0x38;
	[tilespmem:$0x15900] =	vst v63  }
0xa0: {  	_ =	swait.ge [sflag:s18], $0x800  }
0xa1: {  	[sflag:s18] =	ssyncset.done $0x0  }
0xa2: {  	s26 =	sadd.s32 s26, s11;
	[sflag:s18] =	ssyncadd.s32 $0xFFFFF800  }
0xa3: {  	[tilespmem:s20], [sflag:$0x1] =	stream.linear.gather [hbm4b:s26+s24], $0x800, $0x38;
	[tilespmem:$0x15900] =	vst v63  }
0xa4: {  	_ =	swait.ge [sflag:s18], $0x800  }
0xa5: {  	[sflag:s18] =	ssyncset.done $0x0  }
0xa6: {  	s30 =	simm.s32 $0x13900;
	[sflag:s18] =	ssyncadd.s32 $0xFFFFF800  }
0xa7: {  	[tilespmem:s22], [sflag:$0x1] =	stream.indirect.gather [hbm4b:s7+s21], $0x20, s30, s21, $0xb8;
	[tilespmem:$0x15900] =	vst v63  }
0xa8: {  	_ =	swait.ge [sflag:s18], $0x1000  }
0xa9: {  	[sflag:s18] =	ssyncset.done $0x0  }
0xaa: {  	s31 =	simm.s32 $0x14100;
	[sflag:s18] =	ssyncadd.s32 $0xFFFFF000  }
0xab: {  	[spmem:s2] =	stream.indirect.scatter.add.f32 [tilespmem:s22], [sflag:$0x1], $0x20, s31, s21, $0xb8;
	[tilespmem:$0x15900] =	vst v63  }
0xac: {  	_ =	swait.ge [sflag:s18], $0x1000  }
0xad: {  	s28 =	simm.s32 $0x400;
	s26 =	simm.s32 $0x80;
	[sflag:s18] =	ssyncset.done $0x0  }
.LBB2_15:
0xae: {  	s29 =	sadd.s32 $0x13900, s26  }
0xaf: {  	[sflag:s18] =	ssyncadd.s32 $0xFFFFF000;
	s30 =	smov.u32 s28;
	s31 =	sadd.s32 $0x200, s28  }
0xb0: {  	[tilespmem:s22], [sflag:$0x1] =	stream.indirect.gather [hbm4b:s7+s21], $0x20, s29, s21, $0xb8;
	[tilespmem:$0x15900] =	vst v63  }
0xb1: {  	p1 =	sne.s32 s28, $0x1E00;
	_ =	swait.ge [sflag:s18], $0x1000  }
.Ltmp10:
0xb2: {  	[sflag:s18] =	ssyncset.done $0x0;
	(pc) =	sbr.rel @p1 .LBB2_15-.Ltmp10, $4  }
0xb3: {  	s26 =	sadd.s32 $0x14100, s26;
	[sflag:s18] =	ssyncadd.s32 $0xFFFFF000  }
0xb4: {  	[spmem:s2] =	stream.indirect.scatter.add.f32 [tilespmem:s22], [sflag:$0x1], $0x20, s26, s21, $0xb8;
	[tilespmem:$0x15900] =	vst v63  }
0xb5: {  	_ =	swait.ge [sflag:s18], $0x1000  }
0xb6: {  	s28 =	smov.u32 s31;
	s26 =	sshra.s32 s30, $0x2;
	[sflag:s18] =	ssyncset.done $0x0  }
0xb7: {  	s28 =	sadd.s32 $0x13900, s26;
	[sflag:s18] =	ssyncadd.s32 $0xFFFFF000  }
0xb8: {  	[tilespmem:s22], [sflag:$0x1] =	stream.indirect.gather [hbm4b:s7+s21], $0x20, s28, s21, $0xb8;
	[tilespmem:$0x15900] =	vst v63  }
0xb9: {  	s25 =	sadd.s32 $0x1, s25;
	_ =	swait.ge [sflag:s18], $0x1000  }
0xba: {  	p1 =	sne.s32 s25, $0x14;
	[sflag:s18] =	ssyncset.done $0x0  }
.Ltmp11:
0xbb: {  	s31 =	sadd.s32 $0x14100, s26;
	[sflag:s18] =	ssyncadd.s32 $0xFFFFF000;
	(pc) =	sbr.rel @p1 .LBB2_14-.Ltmp11, $4  }
0xbc: {  	[spmem:s2] =	stream.indirect.scatter.add.f32 [tilespmem:s22], [sflag:$0x1], $0x20, s31, s21, $0xb8;
	[tilespmem:$0x15900] =	vst v63  }
0xbd: {  	_ =	swait.ge [sflag:s18], $0x1000  }
0xbe: {  	[sflag:s18] =	ssyncset.done $0x0  }
0xbf: {  	[sflag:s18] =	ssyncadd.s32 $0xFFFFF000  }
.Ltmp12:
0xc0: {  	(pc) =	sbr.rel .LBB2_18-.Ltmp12, $2  }
0xc1: {  	_ =	sdelay $0x2  }
0xc2: {  	s24 =	smov.u32 s14  }
.LBB2_19:
0xc3: {  	_ =	sfence.sel $0x180000  }
0xc4: {  	[bflag:$0x0] =	sbarrier.arrive $0xFFFF  }
0xc5: {  	p0 =	sne.s32 s1, $0x0;
	_ =	strace $0x9000004A  }
0xc6: {  	s0 =	sadd.s32 @!p0 $0x100000, s0;
	[bflag:$0x2] =	sbarrier.arrive $0xFFFF  }
0xc7: {  	[sflag:s0] =	ssyncadd.tile.s32 @!p0 $0x1;
	_ =	shalt  }
.Lfunc_end2:
_tile_overlayer_lowered:
.L_overlay_start_2:
0xc8: {  	(tag) =	ssettag $0x2  }
0xc9: {  	s0 =	rddreg [dreg:$0x0];
	s2 =	stileid.u32  }
0xca: {  	s1 =	rddreg [dreg:$0x1];
	p0 =	sne.s32 s2, $0x0  }
0xcb: {  	s3 =	rddreg [dreg:$0x2];
	[bflag:$0x3] =	sbarrier.arrive $0xFFFF;
	s2 =	simm.s32 @!p0 $0x1C01  }
0xcc: {  	[timem:s3], [sflag:s2] =	dma.local @!p0 [hbm:s0], s1  }
0xcd: {  	s0 =	simm.s32 @!p0 $0x1  }
0xce: {  	_ =	swait.ge @!p0 [sflag:s0], s1  }
0xcf: {  	s1 =	ssub.s32 @!p0 $0x0, s1;
	[sflag:s0] =	ssyncset.done @!p0 $0x0  }
0xd0: {  	[sflag:s0] =	ssyncadd.s32 @!p0 s1  }
0xd1: {  	[bflag:$0x3] =	sbarrier.arrive $0xFFFF  }
0xd2: {  	_ =	shalt  }

// kernel: kernel.9.cloned.1.call-start
scs
__scs_entry_jumppad:
0x0: {  	(pc) =	sbr.rel $0x88, $3  }
0x1: {  	(tag) =	ssettag $0x0;
	lr =	simm.s32 $0x1  }
0x2: {  	[smem:$0x3F8F] =	sst lr;
	_ =	strace $0xD0000000  }
0x3: {  	_ = 	snop  }
0x4: {  	_ = 	snop  }
0x5: {  	_ = 	snop  }
0x6: {  	_ = 	snop  }
0x7: {  	_ = 	snop  }
__scs_overlays_trampoline_lowered:
0x8: {  	[smem:$0x3F9E] =	sst s0  }
0x9: {  	[smem:$0x3F9F] =	sst s1  }
0xa: {  	[smem:$0x3FA0] =	sst s2  }
0xb: {  	[smem:$0x3FA1] =	sst s3  }
0xc: {  	[smem:$0x3FA2] =	sst s4  }
0xd: {  	[smem:$0x3FA3] =	sst s5  }
0xe: {  	[smem:$0x3FA4] =	sst s6  }
0xf: {  	[smem:$0x3FA5] =	sst s7  }
0x10: {  	[smem:$0x3FA6] =	sst s8  }
0x11: {  	[smem:$0x3FA7] =	sst s9;
	s0 =	simm.s32 @!p0 $0x0  }
0x12: {  	s1 =	sld [smem:$0x3F8D];
	s0 =	simm.s32 @p0 $0x1  }
0x13: {  	[smem:$0x3FA8] =	sst s0;
	s0 =	simm.s32 @!p1 $0x0  }
0x14: {  	s2 =	sld [smem:$0x3F8C];
	s0 =	simm.s32 @p1 $0x1  }
0x15: {  	[smem:$0x3FA9] =	sst s0;
	s0 =	simm.s32 @!p2 $0x0  }
0x16: {  	s3 =	sld [smem:$0x3FDB];
	s0 =	simm.s32 @p2 $0x1  }
0x17: {  	s4 =	simm.s32 $0x1BF5;
	[smem:$0x3FAB] =	sst s0  }
0x18: {  	s0 =	sld [smem:$0x3F8E];
	_ =	swait.ge [sflag:s4], $0x0  }
0x19: {  	s7 =	sld [smem:$0x3F8F]  }
0x1a: {  	s8 =	sadd.s32 $0xFFFFE003, lr  }
0x1b: {  	s9 =	sadd.s32 $0xFFFFFEF7, lr;
	s5 =	simm.s32 $0xFFFFFFFF;
	p2 =	slt.u32 s8, $0xFFFFF086  }
0x1c: {  	p1 =	slt.u32 s9, $0xF7A;
	s5 =	simm.s32 @!p2 $0x0  }
0x1d: {  	s5 =	simm.s32 @p1 $0x1;
	p0 =	seq.s32 s7, s2  }
0x1e: {  	s7 =	smul.u32 @!p0 $0xF7A, s2;
	p2 =	seq.s32 @!p0 s5, $0x0  }
0x1f: {  	s9 =	smul.u32 $0xF7A, s1;
	s8 =	simm.s32 @!p0 $0x1BF5;
	p2 =	por !p2, p0  }
0x20: {  	[sflag:s8] =	ssyncset.s32 @!p0 $0xFFFFF086;
	s6 =	sadd.s32 @!p0 s3, s7;
	s7 =	simm.s32 @!p0 $0x108  }
0x21: {  	s3 =	sadd.s32 s3, s9;
	s6 =	sadd.s32 @!p0 $0x88, s6;
	s7 =	simm.s32 @p2 $0x1082  }
0x22: {  	[simem:s7], [sflag:s8] =	dma.local @!p0 [hbm:s6], $0xF7A  }
0x23: {  	s9 =	sor.u32 $0xD0000000, s2;
	s6 =	simm.s32 $0x108;
	_ =	swait.ge @!p0 [sflag:s8], $0x0  }
0x24: {  	s3 =	sadd.s32 $0x88, s3;
	s6 =	simm.s32 @!p1 $0x1082;
	[sflag:s4] =	ssyncset.s32 $0xFFFFF086  }
0x25: {  	[simem:s6], [sflag:s4] =	dma.local [hbm:s3], $0xF7A  }
0x26: {  	[smem:$0x3F8F] =	sst s1;
	(tag) =	ssettag s2;
	_ =	strace s9  }
0x27: {  	s1 =	sld [smem:$0x3F9F]  }
0x28: {  	s2 =	sld [smem:$0x3FA0]  }
0x29: {  	s4 =	sld [smem:$0x3FA2]  }
0x2a: {  	p0 =	seq.s32 s5, $0x0;
	s5 =	sld [smem:$0x3FA3]  }
0x2b: {  	s6 =	sld [smem:$0x3FA4]  }
0x2c: {  	s7 =	sld [smem:$0x3FA5]  }
0x2d: {  	s3 =	simm.s32 $0x108;
	s8 =	sld [smem:$0x3FA6]  }
0x2e: {  	s3 =	simm.s32 @!p0 $0x1082;
	s9 =	sld [smem:$0x3FA7]  }
0x2f: {  	lr =	sadd.s32 s0, s3;
	s0 =	sld [smem:$0x3F9E]  }
0x30: {  	s3 =	sld [smem:$0x3FA1]  }
0x31: {  	[smem:$0x3FAA] =	sst s10  }
0x32: {  	s10 =	sld [smem:$0x3FA8];
	_ =	sdelay $0x3  }
0x33: {  	p0 =	seq.s32 s10, $0x1;
	s10 =	sld [smem:$0x3FAA];
	_ =	sdelay $0x3  }
0x34: {  	[smem:$0x3FAA] =	sst s10  }
0x35: {  	s10 =	sld [smem:$0x3FA9];
	_ =	sdelay $0x3  }
0x36: {  	p1 =	seq.s32 s10, $0x1;
	s10 =	sld [smem:$0x3FAA];
	_ =	sdelay $0x3  }
0x37: {  	[smem:$0x3FAA] =	sst s10  }
0x38: {  	s10 =	sld [smem:$0x3FAB]  }
0x39: {  	_ = 	snop;
	(pc) =	sbr.ind lr, $3  }
0x3a: {  	_ = 	snop  }
0x3b: {  	_ = 	snop  }
0x3c: {  	p2 =	seq.s32 s10, $0x1;
	s10 =	sld [smem:$0x3FAA]  }
0x3d: {  	_ =	shalt  }
0x3e: {  	_ =	shalt  }
0x3f: {  	_ =	shalt  }
0x40: {  	_ =	shalt  }
0x41: {  	_ =	shalt  }
0x42: {  	_ =	shalt  }
0x43: {  	_ =	shalt  }
0x44: {  	_ =	shalt  }
0x45: {  	_ =	shalt  }
0x46: {  	_ =	shalt  }
0x47: {  	_ =	shalt  }
0x48: {  	_ =	shalt  }
0x49: {  	_ =	shalt  }
0x4a: {  	_ =	shalt  }
0x4b: {  	_ =	shalt  }
0x4c: {  	_ =	shalt  }
0x4d: {  	_ =	shalt  }
0x4e: {  	_ =	shalt  }
0x4f: {  	_ =	shalt  }
0x50: {  	_ =	shalt  }
0x51: {  	_ =	shalt  }
0x52: {  	_ =	shalt  }
0x53: {  	_ =	shalt  }
0x54: {  	_ =	shalt  }
0x55: {  	_ =	shalt  }
0x56: {  	_ =	shalt  }
0x57: {  	_ =	shalt  }
0x58: {  	_ =	shalt  }
0x59: {  	_ =	shalt  }
0x5a: {  	_ =	shalt  }
0x5b: {  	_ =	shalt  }
0x5c: {  	_ =	shalt  }
0x5d: {  	_ =	shalt  }
0x5e: {  	_ =	shalt  }
0x5f: {  	_ =	shalt  }
0x60: {  	_ =	shalt  }
0x61: {  	_ =	shalt  }
0x62: {  	_ =	shalt  }
0x63: {  	_ =	shalt  }
0x64: {  	_ =	shalt  }
0x65: {  	_ =	shalt  }
0x66: {  	_ =	shalt  }
0x67: {  	_ =	shalt  }
0x68: {  	_ =	shalt  }
0x69: {  	_ =	shalt  }
0x6a: {  	_ =	shalt  }
0x6b: {  	_ =	shalt  }
0x6c: {  	_ =	shalt  }
0x6d: {  	_ =	shalt  }
0x6e: {  	_ =	shalt  }
0x6f: {  	_ =	shalt  }
0x70: {  	_ =	shalt  }
0x71: {  	_ =	shalt  }
0x72: {  	_ =	shalt  }
0x73: {  	_ =	shalt  }
0x74: {  	_ =	shalt  }
0x75: {  	_ =	shalt  }
0x76: {  	_ =	shalt  }
0x77: {  	_ =	shalt  }
0x78: {  	_ =	shalt  }
0x79: {  	_ =	shalt  }
0x7a: {  	_ =	shalt  }
0x7b: {  	_ =	shalt  }
0x7c: {  	_ =	shalt  }
0x7d: {  	_ =	shalt  }
0x7e: {  	_ =	shalt  }
0x7f: {  	_ =	shalt  }
0x80: {  	_ =	shalt  }
0x81: {  	_ =	shalt  }
0x82: {  	_ =	shalt  }
0x83: {  	_ =	shalt  }
0x84: {  	_ =	shalt  }
0x85: {  	_ =	shalt  }
0x86: {  	_ =	shalt  }
0x87: {  	_ =	shalt  }
.Lfunc_end0:
.L_simem_size_0:
called_computation_lowered:
.L_overlay_start_0:
0x88: {  	s2 =	sld [smem:$0x3FD9]  }
0x89: {  	s3 =	sld [smem:$0x3FFE];
	_ =	sdelay $0x1  }
0x8a: {  	s1 =	srdreg.scid  }
0x8b: {  	s0 =	sand.u32 $0x1, s1  }
0x8c: {  	s16 =	sshll.u32 s0, $0xA;
	s2 =	sadd.s32 s3, s2  }
0x8d: {  	s2 =	sadd.s32 s2, s16  }
0x8e: {  	[smem:$0x3FB6] =	sst s2  }
0x8f: {  	_ = 	snop  }
0x90: {  	(tm) =	ssettm $0x1  }
0x91: {  	s17 =	sld [smem:$0x3FFB];
	_ =	sdelay $0x3  }
0x92: {  	_ =	strace s17  }
0x93: {  	s2 =	sld [smem:$0x3FFC];
	_ =	sdelay $0x3  }
0x94: {  	_ =	strace s2  }
0x95: {  	s2 =	sld [smem:$0x3FFD];
	_ =	sdelay $0x3  }
0x96: {  	_ =	strace s2  }
0x97: {  	_ =	strace $0x8FFFFFFF  }
0x98: {  	s18 =	sld [smem:$0x3FDB];
	_ =	sdelay $0x1  }
0x99: {  	s19 =	simm.s32 $_scs_section_size  }
0x9a: {  	s4 =	simm.s32 $_size__tile_overlayer_lowered;
	s5 =	simm.s32 $_tile_overlayer_lowered  }
0x9b: {  	s22 =	simm.s32 $0x1BFF;
	s21 =	sshll.u32 s5, $0x1;
	s2 =	sadd.s32 s19, s18  }
0x9c: {  	s6 =	simm.s32 $0x0;
	s20 =	sshll.u32 s4, $0x1;
	s4 =	sadd.s32 s21, s2  }
0x9d: {  	[timem:s6], [sflag:s22] =	dma.local [hbm:s4], s20  }
0x9e: {  	_ =	swait.ge [sflag:s22], s20  }
0x9f: {  	s3 =	ssub.s32 $0x0, s20;
	[sflag:s22] =	ssyncset.done $0x0  }
0xa0: {  	[sflag:s22] =	ssyncadd.s32 s3;
	_ =	sdelay $0x1  }
0xa1: {  	s23 =	simm.s32 $0x1B8B  }
0xa2: {  	_ =	swait.ge [sflag:s23], $0x1  }
0xa3: {  	[sflag:s23] =	ssyncset.done $0x0  }
0xa4: {  	s25 =	simm.s32 $0x1B8E;
	s24 =	sld [smem:$0x3FFE];
	[sflag:s23] =	ssyncadd.s32 $0xFFFFFFFF  }
0xa5: {  	s26 =	simm.s32 $execute0_lowered;
	[smem:$0x3FD2] =	sst s25  }
0xa6: {  	s4 =	sshll.u32 s26, $0x1;
	_ =	strace $0x80000046;
	[dreg:$0x1] =	wrdreg $0xFFFFFFFF  }
0xa7: {  	s28 =	simm.s32 $_size_execute0_lowered;
	s2 =	sadd.s32 s2, s4;
	[dreg:$0x0] =	wrdreg $0x0  }
0xa8: {  	s4 =	sshll.u32 s28, $0x1;
	[dreg:$0x2] =	wrdreg s2  }
0xa9: {  	[dreg:$0x3] =	wrdreg s4  }
0xaa: {  	[dreg:$0x4] =	wrdreg $0xC0  }
0xab: {  	_ =	task [dreg:s6], $0x5FFFF  }
0xac: {  	[dreg:$0x1] =	wrdreg $0xFFFFFFFF  }
0xad: {  	[dreg:$0x0] =	wrdreg $0x60  }
0xae: {  	[dreg:$0x2] =	wrdreg s24  }
0xaf: {  	[dreg:$0x3] =	wrdreg $0x0  }
0xb0: {  	[dreg:$0x4] =	wrdreg $0x9  }
0xb1: {  	_ =	task.clear_ibuf [dreg:s6], $0x5FFFF;
	_ =	strace $0x90000046  }
0xb2: {  	s29 =	simm.s32 $0x9;
	_ =	strace $0x80000048  }
0xb3: {  	_ =	swait.ge [sflag:s29], $0x1  }
0xb4: {  	[sflag:s29] =	ssyncadd.s32 $0xFFFFFFFF  }
0xb5: {  	_ =	strace $0x90000048  }
0xb6: {  	_ =	sfence  }
0xb7: {  	s30 =	sld [smem:$0x0];
	_ =	sdelay $0x2  }
0xb8: {  	s31 =	sshll.u32 s1, $0xD;
	s1 =	sshrl.u32 s1, $0x2  }
0xb9: {  	s3 =	sand.u32 $0x4000, s31;
	s1 =	sadd.s32 s1, s30  }
0xba: {  	s0 =	sor.u32 s3, s0;
	s1 =	sshll.u32 s1, $0x11  }
0xbb: {  	s0 =	sor.u32 s1, s0  }
0xbc: {  	s0 =	sadd.s32 $0x8F2B, s0  }
0xbd: {  	[sflag:s0] =	ssyncadd.remote.s32 $0x1  }
0xbe: {  	_ =	sfence.sel $0xFFFF  }
0xbf: {  	[dreg:$0x0] =	wrdreg $0xFFFFFFFF;
	(pc) =	sbr.abs _section_cstart, $3  }
0xc0: {  	[dreg:$0x1] =	wrdreg $0xFFFFFFFF  }
0xc1: {  	_ =	task.clear_ibuf [dreg:s6], $0x2FFFF;
	_ =	strace $0x9FFFFFFF  }
0xc2: {  	(tm) =	ssettm $0x7FFFFFFF  }
0xc3: {  	_ =	shalt  }
tec
execute0_lowered:
.L_overlay_start_1:
0x0: {  	(tag) =	ssettag $0x1  }
0x1: {  	s10 =	rddreg [dreg:$0x0]  }
0x2: {  	s2 =	rddreg [dreg:$0x1]  }
0x3: {  	s0 =	rddreg [dreg:$0x2];
	s3 =	simm.s32 $0x0  }
0x4: {  	s1 =	stileid.u32;
	s5 =	srdreg.scid;
	s14 =	simm.s32 $0x1D580  }
0x5: {  	s15 =	simm.s32 $0x1DD80;
	s16 =	simm.s32 $0x80;
	s4 =	smul.u32 $0x1400, s1  }
0x6: {  	s17 =	simm.s32 $0x1E580;
	[smem:$0x7FF] =	sst s3;
	s7 =	smul.u32 $0x1D580, s1  }
0x7: {  	s9 =	sand.u32 $0x1, s5;
	s5 =	sadd.s32 $0x3600, s10;
	s6 =	sadd.s32 $0x48E00, s10  }
0x8: {  	s19 =	sadd.s32 $0x87500, s10;
	s31 =	sshll.u32 s1, $0x6;
	_ =	strace $0x80000047  }
0x9: {  	s11 =	ssub.s32 $0x2, s9;
	p0 =	seq.s32 s9, $0x1;
	s8 =	sadd.s32 s4, s10  }
.Ltmp0:
0xa: {  	s4 =	sadd.s32 $0x12200, s10;
	s18 =	sshrl.u32 s7, $0x3;
	(pc) =	sbr.rel .LBB2_1-.Ltmp0, $4  }
0xb: {  	s12 =	sshrl.u32 s11, $0x1;
	s30 =	sadd.s32 s7, s2;
	s13 =	sadd.s32 s18, s10  }
0xc: {  	s11 =	ssub.s32 s11, s12;
	s7 =	sadd.s32 $0x34E00, s8;
	s8 =	sadd.s32 $0x20E00, s8  }
0xd: {  	s12 =	sshrl.u32 s30, $0x3;
	s18 =	sadd.s32 s18, s19;
	s9 =	sadd.s32 $0x4CA00, s13  }
0xe: {  	s10 =	smax.u32 s11, $0x1;
	s11 =	sor.u32 $0x1C01, s31;
	s13 =	simm.s32 $0x1  }
.LBB2_10:
0xf: {  	s3 =	sadd.s32 $0x1, s3  }
0x10: {  	p1 =	sne.s32 s3, s10  }
.Ltmp1:
0x11: {  	_ = 	snop;
	(pc) =	sbr.rel @!p1 .LBB2_11-.Ltmp1, $4  }
0x12: {  	[hbm:s19], [sflag:s11] =	dma.local [spmem:s12], $0x3AB0  }
0x13: {  	_ =	swait.ge [sflag:s13], $0x3AB0  }
0x14: {  	[sflag:s13] =	ssyncset.done $0x0  }
0x15: {  	[sflag:s13] =	ssyncadd.s32 $0xFFFFC550  }
.LBB2_1:
0x16: {  	[spmem:s12], [sflag:s11] =	dma.local [hbm:s6], $0x3AB0  }
.Ltmp2:
0x17: {  	_ =	swait.ge [sflag:s13], $0x3AB0;
	(pc) =	sbr.rel @!p0 .LBB2_2-.Ltmp2, $4  }
0x18: {  	[sflag:s13] =	ssyncset.done $0x0  }
0x19: {  	[sflag:s13] =	ssyncadd.s32 $0xFFFFC550  }
0x1a: {  	[bflag:$0x0] =	sbarrier.arrive $0xFFFF  }
0x1b: {  	s19 =	simm.s32 $0x0;
	s20 =	simm.s32 $0x0  }
.LBB2_6:
0x1c: {  	s19 =	sshll.u32 s20, $0x8  }
0x1d: {  	s22 =	simm.s32 $0x0;
	s21 =	sadd.s32 s19, s7  }
0x1e: {  	[tilespmem:s14], [sflag:$0x1] =	stream.linear.gather [hbm4b:s21+s22], $0x800, $0x38;
	[tilespmem:$0x1FD80] =	vst v63  }
0x1f: {  	_ =	swait.ge [sflag:s13], $0x800  }
0x20: {  	[sflag:s13] =	ssyncset.done $0x0  }
0x21: {  	s19 =	sadd.s32 s19, s8;
	[sflag:s13] =	ssyncadd.s32 $0xFFFFF800  }
0x22: {  	[tilespmem:s15], [sflag:$0x1] =	stream.linear.gather [hbm4b:s19+s22], $0x800, $0x38;
	[tilespmem:$0x1FD80] =	vst v63  }
0x23: {  	_ =	swait.ge [sflag:s13], $0x800  }
0x24: {  	[sflag:s13] =	ssyncset.done $0x0  }
0x25: {  	s30 =	simm.s32 $0x1D580;
	[sflag:s13] =	ssyncadd.s32 $0xFFFFF800  }
0x26: {  	[tilespmem:s17], [sflag:$0x1] =	stream.indirect.gather [hbm4b:s5+s16], $0x30, s30, s16, $0xb8;
	[tilespmem:$0x1FD80] =	vst v63  }
0x27: {  	_ =	swait.ge [sflag:s13], $0x1800  }
0x28: {  	[sflag:s13] =	ssyncset.done $0x0  }
0x29: {  	s31 =	simm.s32 $0x1DD80;
	[sflag:s13] =	ssyncadd.s32 $0xFFFFE800  }
0x2a: {  	[spmem:s2] =	stream.indirect.scatter.add.f32 [tilespmem:s17], [sflag:$0x1], $0x30, s31, s16, $0xb8;
	[tilespmem:$0x1FD80] =	vst v63  }
0x2b: {  	_ =	swait.ge [sflag:s13], $0x1800  }
0x2c: {  	s21 =	simm.s32 $0x400;
	s19 =	simm.s32 $0x80;
	[sflag:s13] =	ssyncset.done $0x0  }
.LBB2_7:
0x2d: {  	s22 =	sadd.s32 $0x1D580, s19  }
0x2e: {  	[sflag:s13] =	ssyncadd.s32 $0xFFFFE800;
	s23 =	smov.u32 s21;
	s24 =	sadd.s32 $0x200, s21  }
0x2f: {  	[tilespmem:s17], [sflag:$0x1] =	stream.indirect.gather [hbm4b:s5+s16], $0x30, s22, s16, $0xb8;
	[tilespmem:$0x1FD80] =	vst v63  }
0x30: {  	p1 =	sne.s32 s21, $0x1E00;
	_ =	swait.ge [sflag:s13], $0x1800  }
.Ltmp3:
0x31: {  	[sflag:s13] =	ssyncset.done $0x0;
	(pc) =	sbr.rel @p1 .LBB2_7-.Ltmp3, $4  }
0x32: {  	s19 =	sadd.s32 $0x1DD80, s19;
	[sflag:s13] =	ssyncadd.s32 $0xFFFFE800  }
0x33: {  	[spmem:s2] =	stream.indirect.scatter.add.f32 [tilespmem:s17], [sflag:$0x1], $0x30, s19, s16, $0xb8;
	[tilespmem:$0x1FD80] =	vst v63  }
0x34: {  	_ =	swait.ge [sflag:s13], $0x1800  }
0x35: {  	s21 =	smov.u32 s24;
	s19 =	sshra.s32 s23, $0x2;
	[sflag:s13] =	ssyncset.done $0x0  }
0x36: {  	s21 =	sadd.s32 $0x1D580, s19;
	[sflag:s13] =	ssyncadd.s32 $0xFFFFE800  }
0x37: {  	[tilespmem:s17], [sflag:$0x1] =	stream.indirect.gather [hbm4b:s5+s16], $0x30, s21, s16, $0xb8;
	[tilespmem:$0x1FD80] =	vst v63  }
0x38: {  	s20 =	sadd.s32 $0x1, s20;
	_ =	swait.ge [sflag:s13], $0x1800  }
0x39: {  	p1 =	sne.s32 s20, $0x14;
	[sflag:s13] =	ssyncset.done $0x0  }
.Ltmp4:
0x3a: {  	s31 =	sadd.s32 $0x1DD80, s19;
	[sflag:s13] =	ssyncadd.s32 $0xFFFFE800;
	(pc) =	sbr.rel @p1 .LBB2_6-.Ltmp4, $4  }
0x3b: {  	[spmem:s2] =	stream.indirect.scatter.add.f32 [tilespmem:s17], [sflag:$0x1], $0x30, s31, s16, $0xb8;
	[tilespmem:$0x1FD80] =	vst v63  }
0x3c: {  	_ =	swait.ge [sflag:s13], $0x1800  }
0x3d: {  	[sflag:s13] =	ssyncset.done $0x0  }
0x3e: {  	[sflag:s13] =	ssyncadd.s32 $0xFFFFE800  }
.Ltmp5:
0x3f: {  	(pc) =	sbr.rel .LBB2_10-.Ltmp5, $3  }
0x40: {  	_ =	sdelay $0x1  }
0x41: {  	[bflag:$0x0] =	sbarrier.arrive $0xFFFF  }
0x42: {  	s19 =	smov.u32 s18  }
.LBB2_2:
0x43: {  	s20 =	sshll.u32 s19, $0x8  }
0x44: {  	s22 =	simm.s32 $0x0;
	s21 =	sadd.s32 s20, s7  }
0x45: {  	[tilespmem:s14], [sflag:$0x1] =	stream.linear.gather [hbm4b:s21+s22], $0x800, $0x38;
	[tilespmem:$0x1FD80] =	vst v63  }
0x46: {  	_ =	swait.ge [sflag:s13], $0x800  }
0x47: {  	[sflag:s13] =	ssyncset.done $0x0  }
0x48: {  	s20 =	sadd.s32 s20, s8;
	[sflag:s13] =	ssyncadd.s32 $0xFFFFF800  }
0x49: {  	[tilespmem:s15], [sflag:$0x1] =	stream.linear.gather [hbm4b:s20+s22], $0x800, $0x38;
	[tilespmem:$0x1FD80] =	vst v63  }
0x4a: {  	_ =	swait.ge [sflag:s13], $0x800  }
0x4b: {  	[sflag:s13] =	ssyncset.done $0x0  }
0x4c: {  	s30 =	simm.s32 $0x1D580;
	[sflag:s13] =	ssyncadd.s32 $0xFFFFF800  }
0x4d: {  	[tilespmem:s17], [sflag:$0x1] =	stream.indirect.gather [hbm4b:s4+s16], $0x30, s30, s16, $0xb8;
	[tilespmem:$0x1FD80] =	vst v63  }
0x4e: {  	_ =	swait.ge [sflag:s13], $0x1800  }
0x4f: {  	[sflag:s13] =	ssyncset.done $0x0  }
0x50: {  	s31 =	simm.s32 $0x1DD80;
	[sflag:s13] =	ssyncadd.s32 $0xFFFFE800  }
0x51: {  	[spmem:s2] =	stream.indirect.scatter.add.f32 [tilespmem:s17], [sflag:$0x1], $0x30, s31, s16, $0xb8;
	[tilespmem:$0x1FD80] =	vst v63  }
0x52: {  	_ =	swait.ge [sflag:s13], $0x1800  }
0x53: {  	s21 =	simm.s32 $0x400;
	s20 =	simm.s32 $0x80;
	[sflag:s13] =	ssyncset.done $0x0  }
.LBB2_3:
0x54: {  	s22 =	sadd.s32 $0x1D580, s20  }
0x55: {  	[sflag:s13] =	ssyncadd.s32 $0xFFFFE800;
	s23 =	smov.u32 s21;
	s24 =	sadd.s32 $0x200, s21  }
0x56: {  	[tilespmem:s17], [sflag:$0x1] =	stream.indirect.gather [hbm4b:s4+s16], $0x30, s22, s16, $0xb8;
	[tilespmem:$0x1FD80] =	vst v63  }
0x57: {  	p1 =	sne.s32 s21, $0x1E00;
	_ =	swait.ge [sflag:s13], $0x1800  }
.Ltmp6:
0x58: {  	[sflag:s13] =	ssyncset.done $0x0;
	(pc) =	sbr.rel @p1 .LBB2_3-.Ltmp6, $4  }
0x59: {  	s20 =	sadd.s32 $0x1DD80, s20;
	[sflag:s13] =	ssyncadd.s32 $0xFFFFE800  }
0x5a: {  	[spmem:s2] =	stream.indirect.scatter.add.f32 [tilespmem:s17], [sflag:$0x1], $0x30, s20, s16, $0xb8;
	[tilespmem:$0x1FD80] =	vst v63  }
0x5b: {  	_ =	swait.ge [sflag:s13], $0x1800  }
0x5c: {  	s21 =	smov.u32 s24;
	s20 =	sshra.s32 s23, $0x2;
	[sflag:s13] =	ssyncset.done $0x0  }
0x5d: {  	s21 =	sadd.s32 $0x1D580, s20;
	[sflag:s13] =	ssyncadd.s32 $0xFFFFE800  }
0x5e: {  	[tilespmem:s17], [sflag:$0x1] =	stream.indirect.gather [hbm4b:s4+s16], $0x30, s21, s16, $0xb8;
	[tilespmem:$0x1FD80] =	vst v63  }
0x5f: {  	s19 =	sadd.s32 $0x1, s19;
	_ =	swait.ge [sflag:s13], $0x1800  }
0x60: {  	p1 =	sne.s32 s19, $0x14;
	[sflag:s13] =	ssyncset.done $0x0  }
.Ltmp7:
0x61: {  	s31 =	sadd.s32 $0x1DD80, s20;
	[sflag:s13] =	ssyncadd.s32 $0xFFFFE800;
	(pc) =	sbr.rel @p1 .LBB2_2-.Ltmp7, $4  }
0x62: {  	[spmem:s2] =	stream.indirect.scatter.add.f32 [tilespmem:s17], [sflag:$0x1], $0x30, s31, s16, $0xb8;
	[tilespmem:$0x1FD80] =	vst v63  }
0x63: {  	_ =	swait.ge [sflag:s13], $0x1800  }
0x64: {  	[sflag:s13] =	ssyncset.done $0x0  }
0x65: {  	[sflag:s13] =	ssyncadd.s32 $0xFFFFE800  }
.Ltmp8:
0x66: {  	(pc) =	sbr.rel .LBB2_10-.Ltmp8, $3  }
0x67: {  	_ =	sdelay $0x1  }
0x68: {  	[bflag:$0x0] =	sbarrier.arrive $0xFFFF  }
0x69: {  	s19 =	smov.u32 s9  }
.LBB2_11:
0x6a: {  	_ =	sfence.sel $0x180000  }
0x6b: {  	[bflag:$0x0] =	sbarrier.arrive $0xFFFF  }
0x6c: {  	p0 =	sne.s32 s1, $0x0;
	_ =	strace $0x90000047  }
0x6d: {  	s0 =	sadd.s32 @!p0 $0x100000, s0;
	[bflag:$0x2] =	sbarrier.arrive $0xFFFF  }
0x6e: {  	[sflag:s0] =	ssyncadd.tile.s32 @!p0 $0x1;
	_ =	shalt  }
.Lfunc_end2:
_tile_overlayer_lowered:
.L_overlay_start_2:
0x6f: {  	(tag) =	ssettag $0x2  }
0x70: {  	s0 =	rddreg [dreg:$0x0];
	s2 =	stileid.u32  }
0x71: {  	s1 =	rddreg [dreg:$0x1];
	p0 =	sne.s32 s2, $0x0  }
0x72: {  	s3 =	rddreg [dreg:$0x2];
	[bflag:$0x3] =	sbarrier.arrive $0xFFFF;
	s2 =	simm.s32 @!p0 $0x1C01  }
0x73: {  	[timem:s3], [sflag:s2] =	dma.local @!p0 [hbm:s0], s1  }
0x74: {  	s0 =	simm.s32 @!p0 $0x1  }
0x75: {  	_ =	swait.ge @!p0 [sflag:s0], s1  }
0x76: {  	s1 =	ssub.s32 @!p0 $0x0, s1;
	[sflag:s0] =	ssyncset.done @!p0 $0x0  }
0x77: {  	[sflag:s0] =	ssyncadd.s32 @!p0 s1  }
0x78: {  	[bflag:$0x3] =	sbarrier.arrive $0xFFFF  }
0x79: {  	_ =	shalt  }

</sc_bundles>
